<compile_context>
chip_gen: v7x
topology: tpu7x:2x2x1
jax: 0.10.2.dev20260603
libtpu: 0.0.44.dev20260713+nightly
codegen_flags: <defaults>
</compile_context>

<pallas_src>
import functools

import jax
import jax.numpy as jnp
from jax import lax
from jax.experimental import pallas as pl
from jax.experimental.pallas import tpu as pltpu
from jax.experimental.pallas import tpu_sc as plsc

B = 16384
D = 32
NC = 2
NS = 16
NW = NC * NS
B_PER_W = B // NW
HALF = B_PER_W // 2


def _extract(sb, g, lane, col):
    rows = lax.iota(jnp.int32, 16)
    lanev = jnp.broadcast_to(lane, (16,))
    colv = jnp.broadcast_to(col, (16,))
    lo = plsc.load_gather(sb, [rows, lanev])
    hi = plsc.load_gather(sb, [rows + 16, lanev])
    plsc.store_scatter(g, [rows, colv], lo)
    plsc.store_scatter(g, [rows + 16, colv], hi)


NG = 4


def _sc_gather_body(uidx_hbm, iidx_hbm, ugT, igT, umT, imT,
                    out_ug, out_ig, out_um, out_im, *scratch):
    u_s, i_s = scratch[0], scratch[1]
    slots = scratch[2:2 + 4 * NG]
    g_ug, g_ig, g_um, g_im = scratch[2 + 4 * NG:6 + 4 * NG]
    sems = scratch[6 + 4 * NG:6 + 5 * NG]
    grp = tuple(slots[4 * g:4 * g + 4] for g in range(NG))
    wid = lax.axis_index("s") * NC + lax.axis_index("c")
    base = wid * B_PER_W
    pltpu.sync_copy(uidx_hbm.at[pl.ds(base, B_PER_W)], u_s.at[pl.ds(0, B_PER_W)])
    pltpu.sync_copy(iidx_hbm.at[pl.ds(base, B_PER_W)], i_s.at[pl.ds(0, B_PER_W)])

    def fire(g, i):
        u = u_s[pl.ds(i, 16)][0]
        v = i_s[pl.ds(i, 16)][0]
        u128 = pl.multiple_of((u >> 7) << 7, 128)
        v128 = pl.multiple_of((v >> 7) << 7, 128)
        pltpu.async_copy(ugT.at[:, pl.ds(u128, 128)], grp[g][0], sems[g])
        pltpu.async_copy(umT.at[:, pl.ds(u128, 128)], grp[g][1], sems[g])
        pltpu.async_copy(igT.at[:, pl.ds(v128, 128)], grp[g][2], sems[g])
        pltpu.async_copy(imT.at[:, pl.ds(v128, 128)], grp[g][3], sems[g])

    def drain_extract(g, i, h):
        for s in grp[g]:
            pltpu.make_async_copy(ugT.at[:, pl.ds(0, 128)], s, sems[g]).wait()
        ul = u_s[pl.ds(i, 16)][0] & 127
        vl = i_s[pl.ds(i, 16)][0] & 127
        col = i - h * HALF
        _extract(grp[g][0], g_ug, ul, col)
        _extract(grp[g][1], g_um, ul, col)
        _extract(grp[g][2], g_ig, vl, col)
        _extract(grp[g][3], g_im, vl, col)

    for h in range(2):
        def body(c):
            i0 = h * HALF + c * NG
            fire(0, i0)

            @pl.when(c > 0)
            def _():
                drain_extract(2, i0 - 2, h)

            fire(1, i0 + 1)

            @pl.when(c > 0)
            def _():
                drain_extract(3, i0 - 1, h)

            fire(2, i0 + 2)
            drain_extract(0, i0, h)
            fire(3, i0 + 3)
            drain_extract(1, i0 + 1, h)

        pl.loop(0, HALF // NG)(body)
        drain_extract(2, h * HALF + HALF - 2, h)
        drain_extract(3, h * HALF + HALF - 1, h)
        off = base + h * HALF
        pltpu.sync_copy(g_ug, out_ug.at[:, pl.ds(off, HALF)])
        pltpu.sync_copy(g_ig, out_ig.at[:, pl.ds(off, HALF)])
        pltpu.sync_copy(g_um, out_um.at[:, pl.ds(off, HALF)])
        pltpu.sync_copy(g_im, out_im.at[:, pl.ds(off, HALF)])


_sc_gather = functools.partial(
    pl.kernel,
    out_type=[jax.ShapeDtypeStruct((D, B), jnp.float32)] * 4,
    mesh=plsc.VectorSubcoreMesh(core_axis_name="c", subcore_axis_name="s"),
    compiler_params=pltpu.CompilerParams(needs_layout_passes=False),
    scratch_types=(
        [pltpu.VMEM((B_PER_W + 16,), jnp.int32)] * 2
        + [pltpu.VMEM((D, 128), jnp.float32)] * (4 * NG)
        + [pltpu.VMEM((D, HALF), jnp.float32)] * 4
        + [pltpu.SemaphoreType.DMA] * NG
    ),
)(_sc_gather_body)


def _mm(w, x):
    return lax.dot_general(w, x, (((1,), (0,)), ((), ())),
                           preferred_element_type=jnp.float32)


def _tc_dense_body(ug_ref, ig_ref, um_ref, im_ref,
                   w1a_ref, w1b_ref, b1_ref, w2_ref, b2_ref, w3_ref, b3_ref,
                   wpa_ref, wpb_ref, bp_ref, out_ref):
    mf = ug_ref[...] * ig_ref[...]
    h = _mm(w1a_ref[...], um_ref[...]) + _mm(w1b_ref[...], im_ref[...])
    h = jnp.maximum(h + b1_ref[...], 0.0)
    h = jnp.maximum(_mm(w2_ref[...], h) + b2_ref[...], 0.0)
    h = jnp.maximum(_mm(w3_ref[...], h) + b3_ref[...], 0.0)
    out_ref[...] = _mm(wpa_ref[...], mf) + _mm(wpb_ref[...], h) + bp_ref[...]


def kernel(user_indices, item_indices, U_gmf, I_gmf, U_mlp, I_mlp,
           W1, b1, W2, b2, W3, b3, Wp, bp):
    ug, ig, um, im = _sc_gather(user_indices, item_indices,
                                U_gmf.T, I_gmf.T, U_mlp.T, I_mlp.T)
    w1a, w1b = W1[:, :D], W1[:, D:]
    wpa, wpb = Wp[:, :D], Wp[:, D:]
    pred = pl.pallas_call(
        _tc_dense_body,
        out_shape=jax.ShapeDtypeStruct((1, B), jnp.float32),
    )(ug, ig, um, im,
      w1a, w1b, b1.reshape(-1, 1), W2, b2.reshape(-1, 1),
      W3, b3.reshape(-1, 1), wpa, wpb, bp.reshape(1, 1))
    return pred.reshape(-1)

# --- scband reference (transcript-rebuilt; emitter-appended) ---
"""Pipeline reference for scband-neu-mf-2181843387075 (READ-ONLY COPY).

The authoritative reference and input builder live on the scoring server;
editing this copy changes nothing except your own understanding.
"""

import jax, jax.numpy as jnp
import numpy as np

B = 16384
NUM_USERS = 1000000
NUM_ITEMS = 1000000
D_MF = 32
D_MLP = 32
HIDDEN = [64, 32, 16]


def setup_inputs(seed: int = 0) -> dict:
    key = jax.random.key(seed)
    ks = jax.random.split(key, 16)
    user_indices = jax.random.randint(ks[0], (B,), 0, NUM_USERS, dtype=jnp.int32)
    item_indices = jax.random.randint(ks[1], (B,), 0, NUM_ITEMS, dtype=jnp.int32)
    # embedding tables, init normal std=0.01 like the torch module
    U_gmf = 0.01 * jax.random.normal(ks[2], (NUM_USERS, D_MF), dtype=jnp.float32)
    I_gmf = 0.01 * jax.random.normal(ks[3], (NUM_ITEMS, D_MF), dtype=jnp.float32)
    U_mlp = 0.01 * jax.random.normal(ks[4], (NUM_USERS, D_MLP), dtype=jnp.float32)
    I_mlp = 0.01 * jax.random.normal(ks[5], (NUM_ITEMS, D_MLP), dtype=jnp.float32)
    # MLP: 64 -> 64 -> 32 -> 16 (xavier-ish scale)
    def xavier(k, out_d, in_d):
        lim = float(np.sqrt(6.0 / (in_d + out_d)))
        return jax.random.uniform(k, (out_d, in_d), minval=-lim, maxval=lim, dtype=jnp.float32)
    in_d = 2 * D_MLP
    W1 = xavier(ks[6], HIDDEN[0], in_d)
    b1 = jnp.zeros((HIDDEN[0],), dtype=jnp.float32)
    W2 = xavier(ks[7], HIDDEN[1], HIDDEN[0])
    b2 = jnp.zeros((HIDDEN[1],), dtype=jnp.float32)
    W3 = xavier(ks[8], HIDDEN[2], HIDDEN[1])
    b3 = jnp.zeros((HIDDEN[2],), dtype=jnp.float32)
    Wp = xavier(ks[9], 1, D_MF + HIDDEN[2])
    bp = jnp.zeros((1,), dtype=jnp.float32)
    return {
        "user_indices": user_indices,
        "item_indices": item_indices,
        "U_gmf": U_gmf, "I_gmf": I_gmf,
        "U_mlp": U_mlp, "I_mlp": I_mlp,
        "W1": W1, "b1": b1,
        "W2": W2, "b2": b2,
        "W3": W3, "b3": b3,
        "Wp": Wp, "bp": bp,
    }


def reference(user_indices, item_indices, U_gmf, I_gmf, U_mlp, I_mlp,
              W1, b1, W2, b2, W3, b3, Wp, bp):
    # GMF branch: elementwise product of user/item embeddings
    user_gmf = jnp.take(U_gmf, user_indices, axis=0)
    item_gmf = jnp.take(I_gmf, item_indices, axis=0)
    mf_vector = user_gmf * item_gmf
    # MLP branch
    user_mlp = jnp.take(U_mlp, user_indices, axis=0)
    item_mlp = jnp.take(I_mlp, item_indices, axis=0)
    mlp_vector = jnp.concatenate([user_mlp, item_mlp], axis=-1)
    # (Dropout is identity in eval mode)
    mlp_vector = jax.nn.relu(mlp_vector @ W1.T + b1)
    mlp_vector = jax.nn.relu(mlp_vector @ W2.T + b2)
    mlp_vector = jax.nn.relu(mlp_vector @ W3.T + b3)
    combined = jnp.concatenate([mf_vector, mlp_vector], axis=-1)
    prediction = combined @ Wp.T + bp
    return prediction.reshape(-1)

if __name__ == "__main__":
    import jax
    _d = setup_inputs()
    print(jax.jit(kernel)(*tuple(_d.values())))

</pallas_src>

<mosaic_0001>
#map = affine_map<(d0, d1) -> (0)>
#map1 = affine_map<(d0, d1) -> (0, 0)>
module attributes {stable_mosaic.version = 14 : i64} {
  func.func @_sc_gather_body(%arg0: i32, %arg1: i32, %arg2: memref<16384xi32, #tpu.memory_space<hbm>>, %arg3: memref<16384xi32, #tpu.memory_space<hbm>>, %arg4: memref<32x1000000xf32, #tpu.memory_space<hbm>>, %arg5: memref<32x1000000xf32, #tpu.memory_space<hbm>>, %arg6: memref<32x1000000xf32, #tpu.memory_space<hbm>>, %arg7: memref<32x1000000xf32, #tpu.memory_space<hbm>>, %arg8: memref<32x16384xf32, #tpu.memory_space<hbm>>, %arg9: memref<32x16384xf32, #tpu.memory_space<hbm>>, %arg10: memref<32x16384xf32, #tpu.memory_space<hbm>>, %arg11: memref<32x16384xf32, #tpu.memory_space<hbm>>, %arg12: memref<528xi32, #tpu.memory_space<vmem>>, %arg13: memref<528xi32, #tpu.memory_space<vmem>>, %arg14: memref<32x128xf32, #tpu.memory_space<vmem>>, %arg15: memref<32x128xf32, #tpu.memory_space<vmem>>, %arg16: memref<32x128xf32, #tpu.memory_space<vmem>>, %arg17: memref<32x128xf32, #tpu.memory_space<vmem>>, %arg18: memref<32x128xf32, #tpu.memory_space<vmem>>, %arg19: memref<32x128xf32, #tpu.memory_space<vmem>>, %arg20: memref<32x128xf32, #tpu.memory_space<vmem>>, %arg21: memref<32x128xf32, #tpu.memory_space<vmem>>, %arg22: memref<32x128xf32, #tpu.memory_space<vmem>>, %arg23: memref<32x128xf32, #tpu.memory_space<vmem>>, %arg24: memref<32x128xf32, #tpu.memory_space<vmem>>, %arg25: memref<32x128xf32, #tpu.memory_space<vmem>>, %arg26: memref<32x128xf32, #tpu.memory_space<vmem>>, %arg27: memref<32x128xf32, #tpu.memory_space<vmem>>, %arg28: memref<32x128xf32, #tpu.memory_space<vmem>>, %arg29: memref<32x128xf32, #tpu.memory_space<vmem>>, %arg30: memref<32x256xf32, #tpu.memory_space<vmem>>, %arg31: memref<32x256xf32, #tpu.memory_space<vmem>>, %arg32: memref<32x256xf32, #tpu.memory_space<vmem>>, %arg33: memref<32x256xf32, #tpu.memory_space<vmem>>, %arg34: memref<!tpu.dma_semaphore, #tpu.memory_space<semaphore_mem>>, %arg35: memref<!tpu.dma_semaphore, #tpu.memory_space<semaphore_mem>>, %arg36: memref<!tpu.dma_semaphore, #tpu.memory_space<semaphore_mem>>, %arg37: memref<!tpu.dma_semaphore, #tpu.memory_space<semaphore_mem>>) attributes {dimension_semantics = [#tpu.dimension_semantics<core_parallel>, #tpu.dimension_semantics<subcore_parallel>], iteration_bounds = array<i64: 2, 16>, scalar_prefetch = 0 : i64, scratch_operands = 26 : i64, tpu.core_type = #tpu.core_type<sc_vector_subcore>, window_params = [{transform_indices = #map}, {transform_indices = #map}, {transform_indices = #map1}, {transform_indices = #map1}, {transform_indices = #map1}, {transform_indices = #map1}, {transform_indices = #map1}, {transform_indices = #map1}, {transform_indices = #map1}, {transform_indices = #map1}]} {
    %mul3A = arith.constant 2 : i32
    %mul3A_0 = arith.muli %arg1, %mul3A : i32
    %add3A = arith.addi %mul3A_0, %arg0 : i32
    %mul3A_1 = arith.constant 512 : i32
    %mul3A_2 = arith.muli %add3A, %mul3A_1 : i32
    "tpu.region"() ({
      %run_scoped3A = tpu.sem_alloc : memref<!tpu.dma_semaphore, #tpu.memory_space<semaphore_mem>>
      %dma_start3A = arith.constant 0 : i32
      %dma_start3A_344 = tpu.memref_slice %arg12[%dma_start3A] : memref<528xi32, #tpu.memory_space<vmem>> -> memref<512xi32, #tpu.memory_space<vmem>>
      %dma_start3A_345 = tpu.memref_slice %arg2[%mul3A_2] : memref<16384xi32, #tpu.memory_space<hbm>> -> memref<512xi32, #tpu.memory_space<hbm>>
      %dma_start3A_346 = arith.constant 0 : i32
      %dma_start3A_347 = tpu.memref_slice %arg12[%dma_start3A_346] : memref<528xi32, #tpu.memory_space<vmem>> -> memref<512xi32, #tpu.memory_space<vmem>>
      %dma_start3A_348 = tpu.memref_slice %arg2[%mul3A_2] : memref<16384xi32, #tpu.memory_space<hbm>> -> memref<512xi32, #tpu.memory_space<hbm>>
      tpu.enqueue_dma source(%dma_start3A_348 : memref<512xi32, #tpu.memory_space<hbm>>) target(%dma_start3A_347 : memref<512xi32, #tpu.memory_space<vmem>>) target_semaphore(%run_scoped3A : memref<!tpu.dma_semaphore, #tpu.memory_space<semaphore_mem>>)
      %dma_wait3A_349 = arith.constant 0 : i32
      %dma_wait3A_350 = tpu.memref_slice %arg12[%dma_wait3A_349] : memref<528xi32, #tpu.memory_space<vmem>> -> memref<512xi32, #tpu.memory_space<vmem>>
      %dma_wait3A_351 = tpu.memref_slice %arg2[%mul3A_2] : memref<16384xi32, #tpu.memory_space<hbm>> -> memref<512xi32, #tpu.memory_space<hbm>>
      %dma_wait3A_352 = arith.constant 0 : i32
      %dma_wait3A_353 = tpu.memref_slice %arg12[%dma_wait3A_352] : memref<528xi32, #tpu.memory_space<vmem>> -> memref<512xi32, #tpu.memory_space<vmem>>
      %dma_wait3A_354 = tpu.memref_slice %arg2[%mul3A_2] : memref<16384xi32, #tpu.memory_space<hbm>> -> memref<512xi32, #tpu.memory_space<hbm>>
      tpu.wait_dma2 semaphore(%run_scoped3A : memref<!tpu.dma_semaphore, #tpu.memory_space<semaphore_mem>>) src(%dma_wait3A_354 : memref<512xi32, #tpu.memory_space<hbm>>) dst(%dma_wait3A_353 : memref<512xi32, #tpu.memory_space<vmem>>)
      tpu.yield
    }) : () -> ()
    "tpu.region"() ({
      %run_scoped3A = tpu.sem_alloc : memref<!tpu.dma_semaphore, #tpu.memory_space<semaphore_mem>>
      %dma_start3A = arith.constant 0 : i32
      %dma_start3A_344 = tpu.memref_slice %arg13[%dma_start3A] : memref<528xi32, #tpu.memory_space<vmem>> -> memref<512xi32, #tpu.memory_space<vmem>>
      %dma_start3A_345 = tpu.memref_slice %arg3[%mul3A_2] : memref<16384xi32, #tpu.memory_space<hbm>> -> memref<512xi32, #tpu.memory_space<hbm>>
      %dma_start3A_346 = arith.constant 0 : i32
      %dma_start3A_347 = tpu.memref_slice %arg13[%dma_start3A_346] : memref<528xi32, #tpu.memory_space<vmem>> -> memref<512xi32, #tpu.memory_space<vmem>>
      %dma_start3A_348 = tpu.memref_slice %arg3[%mul3A_2] : memref<16384xi32, #tpu.memory_space<hbm>> -> memref<512xi32, #tpu.memory_space<hbm>>
      tpu.enqueue_dma source(%dma_start3A_348 : memref<512xi32, #tpu.memory_space<hbm>>) target(%dma_start3A_347 : memref<512xi32, #tpu.memory_space<vmem>>) target_semaphore(%run_scoped3A : memref<!tpu.dma_semaphore, #tpu.memory_space<semaphore_mem>>)
      %dma_wait3A_349 = arith.constant 0 : i32
      %dma_wait3A_350 = tpu.memref_slice %arg13[%dma_wait3A_349] : memref<528xi32, #tpu.memory_space<vmem>> -> memref<512xi32, #tpu.memory_space<vmem>>
      %dma_wait3A_351 = tpu.memref_slice %arg3[%mul3A_2] : memref<16384xi32, #tpu.memory_space<hbm>> -> memref<512xi32, #tpu.memory_space<hbm>>
      %dma_wait3A_352 = arith.constant 0 : i32
      %dma_wait3A_353 = tpu.memref_slice %arg13[%dma_wait3A_352] : memref<528xi32, #tpu.memory_space<vmem>> -> memref<512xi32, #tpu.memory_space<vmem>>
      %dma_wait3A_354 = tpu.memref_slice %arg3[%mul3A_2] : memref<16384xi32, #tpu.memory_space<hbm>> -> memref<512xi32, #tpu.memory_space<hbm>>
      tpu.wait_dma2 semaphore(%run_scoped3A : memref<!tpu.dma_semaphore, #tpu.memory_space<semaphore_mem>>) src(%dma_wait3A_354 : memref<512xi32, #tpu.memory_space<hbm>>) dst(%dma_wait3A_353 : memref<512xi32, #tpu.memory_space<vmem>>)
      tpu.yield
    }) : () -> ()
    %scan3A = arith.constant 0 : i32
    %scan3A_3 = arith.constant 64 : i32
    %scan3A_4 = arith.addi %scan3A, %scan3A_3 : i32
    %scan3A_5 = arith.constant 1 : i32
    scf.for %scan3A_344 = %scan3A to %scan3A_4 step %scan3A_5  : i32 {
      %mul3A_345 = arith.constant 1 : i32
      %mul3A_346 = arith.muli %scan3A_344, %mul3A_345 : i32
      %add3A_347 = arith.constant 0 : i32
      %add3A_348 = arith.addi %add3A_347, %mul3A_346 : i32
      %mul3A_349 = arith.constant 4 : i32
      %mul3A_350 = arith.muli %add3A_348, %mul3A_349 : i32
      %add3A_351 = arith.constant 0 : i32
      %add3A_352 = arith.addi %add3A_351, %mul3A_350 : i32
      %get3A_353 = arith.index_cast %add3A_352 : i32 to index
      %get3A_354 = tpu.vector_load %arg12[%get3A_353] {strides = array<i32>} : memref<528xi32, #tpu.memory_space<vmem>>, vector<16xi32>,
      %slice3A_355 = vector.extract_strided_slice %get3A_354 {offsets = [0], sizes = [1], strides = [1]} : vector<16xi32> to vector<1xi32>
      %squeeze3A_356 = vector.extract %slice3A_355[0] : i32 from vector<1xi32>
      %get3A_357 = arith.index_cast %add3A_352 : i32 to index
      %get3A_358 = tpu.vector_load %arg13[%get3A_357] {strides = array<i32>} : memref<528xi32, #tpu.memory_space<vmem>>, vector<16xi32>,
      %slice3A_359 = vector.extract_strided_slice %get3A_358 {offsets = [0], sizes = [1], strides = [1]} : vector<16xi32> to vector<1xi32>
      %squeeze3A_360 = vector.extract %slice3A_359[0] : i32 from vector<1xi32>
      %shift_right_arithmetic3A = arith.constant 7 : i32
      %shift_right_arithmetic3A_361 = arith.shrsi %squeeze3A_356, %shift_right_arithmetic3A : i32
      %shift_left3A = arith.constant 7 : i32
      %shift_left3A_362 = arith.shli %shift_right_arithmetic3A_361, %shift_left3A : i32
      %multiple_of3A = tpu.assume_multiple %shift_left3A_362, 128 : i32
      %shift_right_arithmetic3A_363 = arith.constant 7 : i32
      %shift_right_arithmetic3A_364 = arith.shrsi %squeeze3A_360, %shift_right_arithmetic3A_363 : i32
      %shift_left3A_365 = arith.constant 7 : i32
      %shift_left3A_366 = arith.shli %shift_right_arithmetic3A_364, %shift_left3A_365 : i32
      %multiple_of3A_367 = tpu.assume_multiple %shift_left3A_366, 128 : i32
      %dma_start3A = arith.constant 0 : i32
      %dma_start3A_368 = tpu.memref_slice %arg4[%dma_start3A, %multiple_of3A] : memref<32x1000000xf32, #tpu.memory_space<hbm>> -> memref<32x128xf32, #tpu.memory_space<hbm>>
      %dma_start3A_369 = arith.constant 0 : i32
      %dma_start3A_370 = tpu.memref_slice %arg4[%dma_start3A_369, %multiple_of3A] : memref<32x1000000xf32, #tpu.memory_space<hbm>> -> memref<32x128xf32, #tpu.memory_space<hbm>>
      tpu.enqueue_dma source(%dma_start3A_370 : memref<32x128xf32, #tpu.memory_space<hbm>>) target(%arg14 : memref<32x128xf32, #tpu.memory_space<vmem>>) target_semaphore(%arg34 : memref<!tpu.dma_semaphore, #tpu.memory_space<semaphore_mem>>)
      %dma_start3A_371 = arith.constant 0 : i32
      %dma_start3A_372 = tpu.memref_slice %arg6[%dma_start3A_371, %multiple_of3A] : memref<32x1000000xf32, #tpu.memory_space<hbm>> -> memref<32x128xf32, #tpu.memory_space<hbm>>
      %dma_start3A_373 = arith.constant 0 : i32
      %dma_start3A_374 = tpu.memref_slice %arg6[%dma_start3A_373, %multiple_of3A] : memref<32x1000000xf32, #tpu.memory_space<hbm>> -> memref<32x128xf32, #tpu.memory_space<hbm>>
      tpu.enqueue_dma source(%dma_start3A_374 : memref<32x128xf32, #tpu.memory_space<hbm>>) target(%arg15 : memref<32x128xf32, #tpu.memory_space<vmem>>) target_semaphore(%arg34 : memref<!tpu.dma_semaphore, #tpu.memory_space<semaphore_mem>>)
      %dma_start3A_375 = arith.constant 0 : i32
      %dma_start3A_376 = tpu.memref_slice %arg5[%dma_start3A_375, %multiple_of3A_367] : memref<32x1000000xf32, #tpu.memory_space<hbm>> -> memref<32x128xf32, #tpu.memory_space<hbm>>
      %dma_start3A_377 = arith.constant 0 : i32
      %dma_start3A_378 = tpu.memref_slice %arg5[%dma_start3A_377, %multiple_of3A_367] : memref<32x1000000xf32, #tpu.memory_space<hbm>> -> memref<32x128xf32, #tpu.memory_space<hbm>>
      tpu.enqueue_dma source(%dma_start3A_378 : memref<32x128xf32, #tpu.memory_space<hbm>>) target(%arg16 : memref<32x128xf32, #tpu.memory_space<vmem>>) target_semaphore(%arg34 : memref<!tpu.dma_semaphore, #tpu.memory_space<semaphore_mem>>)
      %dma_start3A_379 = arith.constant 0 : i32
      %dma_start3A_380 = tpu.memref_slice %arg7[%dma_start3A_379, %multiple_of3A_367] : memref<32x1000000xf32, #tpu.memory_space<hbm>> -> memref<32x128xf32, #tpu.memory_space<hbm>>
      %dma_start3A_381 = arith.constant 0 : i32
      %dma_start3A_382 = tpu.memref_slice %arg7[%dma_start3A_381, %multiple_of3A_367] : memref<32x1000000xf32, #tpu.memory_space<hbm>> -> memref<32x128xf32, #tpu.memory_space<hbm>>
      tpu.enqueue_dma source(%dma_start3A_382 : memref<32x128xf32, #tpu.memory_space<hbm>>) target(%arg17 : memref<32x128xf32, #tpu.memory_space<vmem>>) target_semaphore(%arg34 : memref<!tpu.dma_semaphore, #tpu.memory_space<semaphore_mem>>)
      %gt3A = arith.constant 0 : i32
      %gt3A_383 = arith.cmpi sgt, %add3A_348, %gt3A : i32
      %convert_element_type3A = arith.extui %gt3A_383 : i1 to i32
      %cond3A = arith.constant 0 : i32
      %cond3A_384 = arith.cmpi ne, %convert_element_type3A, %cond3A : i32
      scf.if %cond3A_384 {
        %sub3A_663 = arith.constant 2 : i32
        %sub3A_664 = arith.subi %add3A_352, %sub3A_663 : i32
        %dma_wait3A_665 = arith.constant 0 : i32
        %dma_wait3A_666 = arith.constant 0 : i32
        %dma_wait3A_667 = tpu.memref_slice %arg4[%dma_wait3A_665, %dma_wait3A_666] : memref<32x1000000xf32, #tpu.memory_space<hbm>> -> memref<32x128xf32, #tpu.memory_space<hbm>>
        %dma_wait3A_668 = arith.constant 0 : i32
        %dma_wait3A_669 = arith.constant 0 : i32
        %dma_wait3A_670 = tpu.memref_slice %arg4[%dma_wait3A_668, %dma_wait3A_669] : memref<32x1000000xf32, #tpu.memory_space<hbm>> -> memref<32x128xf32, #tpu.memory_space<hbm>>
        tpu.wait_dma2 semaphore(%arg36 : memref<!tpu.dma_semaphore, #tpu.memory_space<semaphore_mem>>) src(%dma_wait3A_670 : memref<32x128xf32, #tpu.memory_space<hbm>>) dst(%arg22 : memref<32x128xf32, #tpu.memory_space<vmem>>)
        %dma_wait3A_671 = arith.constant 0 : i32
        %dma_wait3A_672 = arith.constant 0 : i32
        %dma_wait3A_673 = tpu.memref_slice %arg4[%dma_wait3A_671, %dma_wait3A_672] : memref<32x1000000xf32, #tpu.memory_space<hbm>> -> memref<32x128xf32, #tpu.memory_space<hbm>>
        %dma_wait3A_674 = arith.constant 0 : i32
        %dma_wait3A_675 = arith.constant 0 : i32
        %dma_wait3A_676 = tpu.memref_slice %arg4[%dma_wait3A_674, %dma_wait3A_675] : memref<32x1000000xf32, #tpu.memory_space<hbm>> -> memref<32x128xf32, #tpu.memory_space<hbm>>
        tpu.wait_dma2 semaphore(%arg36 : memref<!tpu.dma_semaphore, #tpu.memory_space<semaphore_mem>>) src(%dma_wait3A_676 : memref<32x128xf32, #tpu.memory_space<hbm>>) dst(%arg23 : memref<32x128xf32, #tpu.memory_space<vmem>>)
        %dma_wait3A_677 = arith.constant 0 : i32
        %dma_wait3A_678 = arith.constant 0 : i32
        %dma_wait3A_679 = tpu.memref_slice %arg4[%dma_wait3A_677, %dma_wait3A_678] : memref<32x1000000xf32, #tpu.memory_space<hbm>> -> memref<32x128xf32, #tpu.memory_space<hbm>>
        %dma_wait3A_680 = arith.constant 0 : i32
        %dma_wait3A_681 = arith.constant 0 : i32
        %dma_wait3A_682 = tpu.memref_slice %arg4[%dma_wait3A_680, %dma_wait3A_681] : memref<32x1000000xf32, #tpu.memory_space<hbm>> -> memref<32x128xf32, #tpu.memory_space<hbm>>
        tpu.wait_dma2 semaphore(%arg36 : memref<!tpu.dma_semaphore, #tpu.memory_space<semaphore_mem>>) src(%dma_wait3A_682 : memref<32x128xf32, #tpu.memory_space<hbm>>) dst(%arg24 : memref<32x128xf32, #tpu.memory_space<vmem>>)
        %dma_wait3A_683 = arith.constant 0 : i32
        %dma_wait3A_684 = arith.constant 0 : i32
        %dma_wait3A_685 = tpu.memref_slice %arg4[%dma_wait3A_683, %dma_wait3A_684] : memref<32x1000000xf32, #tpu.memory_space<hbm>> -> memref<32x128xf32, #tpu.memory_space<hbm>>
        %dma_wait3A_686 = arith.constant 0 : i32
        %dma_wait3A_687 = arith.constant 0 : i32
        %dma_wait3A_688 = tpu.memref_slice %arg4[%dma_wait3A_686, %dma_wait3A_687] : memref<32x1000000xf32, #tpu.memory_space<hbm>> -> memref<32x128xf32, #tpu.memory_space<hbm>>
        tpu.wait_dma2 semaphore(%arg36 : memref<!tpu.dma_semaphore, #tpu.memory_space<semaphore_mem>>) src(%dma_wait3A_688 : memref<32x128xf32, #tpu.memory_space<hbm>>) dst(%arg25 : memref<32x128xf32, #tpu.memory_space<vmem>>)
        %get3A_689 = arith.index_cast %sub3A_664 : i32 to index
        %get3A_690 = tpu.vector_load %arg12[%get3A_689] {strides = array<i32>} : memref<528xi32, #tpu.memory_space<vmem>>, vector<16xi32>,
        %slice3A_691 = vector.extract_strided_slice %get3A_690 {offsets = [0], sizes = [1], strides = [1]} : vector<16xi32> to vector<1xi32>
        %squeeze3A_692 = vector.extract %slice3A_691[0] : i32 from vector<1xi32>
        %and3A_693 = arith.constant 127 : i32
        %and3A_694 = arith.andi %squeeze3A_692, %and3A_693 : i32
        %get3A_695 = arith.index_cast %sub3A_664 : i32 to index
        %get3A_696 = tpu.vector_load %arg13[%get3A_695] {strides = array<i32>} : memref<528xi32, #tpu.memory_space<vmem>>, vector<16xi32>,
        %slice3A_697 = vector.extract_strided_slice %get3A_696 {offsets = [0], sizes = [1], strides = [1]} : vector<16xi32> to vector<1xi32>
        %squeeze3A_698 = vector.extract %slice3A_697[0] : i32 from vector<1xi32>
        %and3A_699 = arith.constant 127 : i32
        %and3A_700 = arith.andi %squeeze3A_698, %and3A_699 : i32
        %sub3A_701 = arith.constant 0 : i32
        %sub3A_702 = arith.subi %sub3A_664, %sub3A_701 : i32
        %iota3A_703 = tpu.iota {dimensions = array<i32: 0>} : vector<16xi32>
        %broadcast_in_dim3A_704 = vector.broadcast %and3A_694 : i32 to vector<16xi32>
        %broadcast_in_dim3A_705 = vector.broadcast %sub3A_702 : i32 to vector<16xi32>
        %gather3A_706 = tpu.vector_load_idx %arg22[%iota3A_703, %broadcast_in_dim3A_704] : memref<32x128xf32, #tpu.memory_space<vmem>>[vector<16xi32>, vector<16xi32>], vector<16xf32>,
        %add3A_707 = arith.constant 16 : i32
        %add3A_708 = vector.broadcast %add3A_707 : i32 to vector<16xi32>
        %add3A_709 = arith.addi %iota3A_703, %add3A_708 : vector<16xi32>
        %gather3A_710 = tpu.vector_load_idx %arg22[%add3A_709, %broadcast_in_dim3A_704] : memref<32x128xf32, #tpu.memory_space<vmem>>[vector<16xi32>, vector<16xi32>], vector<16xf32>,
        tpu.vector_store_idx %arg30[%iota3A_703, %broadcast_in_dim3A_705], %gather3A_706 : memref<32x256xf32, #tpu.memory_space<vmem>>[vector<16xi32>, vector<16xi32>], vector<16xf32>,
        %add3A_711 = arith.constant 16 : i32
        %add3A_712 = vector.broadcast %add3A_711 : i32 to vector<16xi32>
        %add3A_713 = arith.addi %iota3A_703, %add3A_712 : vector<16xi32>
        tpu.vector_store_idx %arg30[%add3A_713, %broadcast_in_dim3A_705], %gather3A_710 : memref<32x256xf32, #tpu.memory_space<vmem>>[vector<16xi32>, vector<16xi32>], vector<16xf32>,
        %iota3A_714 = tpu.iota {dimensions = array<i32: 0>} : vector<16xi32>
        %broadcast_in_dim3A_715 = vector.broadcast %and3A_694 : i32 to vector<16xi32>
        %broadcast_in_dim3A_716 = vector.broadcast %sub3A_702 : i32 to vector<16xi32>
        %gather3A_717 = tpu.vector_load_idx %arg23[%iota3A_714, %broadcast_in_dim3A_715] : memref<32x128xf32, #tpu.memory_space<vmem>>[vector<16xi32>, vector<16xi32>], vector<16xf32>,
        %add3A_718 = arith.constant 16 : i32
        %add3A_719 = vector.broadcast %add3A_718 : i32 to vector<16xi32>
        %add3A_720 = arith.addi %iota3A_714, %add3A_719 : vector<16xi32>
        %gather3A_721 = tpu.vector_load_idx %arg23[%add3A_720, %broadcast_in_dim3A_715] : memref<32x128xf32, #tpu.memory_space<vmem>>[vector<16xi32>, vector<16xi32>], vector<16xf32>,
        tpu.vector_store_idx %arg32[%iota3A_714, %broadcast_in_dim3A_716], %gather3A_717 : memref<32x256xf32, #tpu.memory_space<vmem>>[vector<16xi32>, vector<16xi32>], vector<16xf32>,
        %add3A_722 = arith.constant 16 : i32
        %add3A_723 = vector.broadcast %add3A_722 : i32 to vector<16xi32>
        %add3A_724 = arith.addi %iota3A_714, %add3A_723 : vector<16xi32>
        tpu.vector_store_idx %arg32[%add3A_724, %broadcast_in_dim3A_716], %gather3A_721 : memref<32x256xf32, #tpu.memory_space<vmem>>[vector<16xi32>, vector<16xi32>], vector<16xf32>,
        %iota3A_725 = tpu.iota {dimensions = array<i32: 0>} : vector<16xi32>
        %broadcast_in_dim3A_726 = vector.broadcast %and3A_700 : i32 to vector<16xi32>
        %broadcast_in_dim3A_727 = vector.broadcast %sub3A_702 : i32 to vector<16xi32>
        %gather3A_728 = tpu.vector_load_idx %arg24[%iota3A_725, %broadcast_in_dim3A_726] : memref<32x128xf32, #tpu.memory_space<vmem>>[vector<16xi32>, vector<16xi32>], vector<16xf32>,
        %add3A_729 = arith.constant 16 : i32
        %add3A_730 = vector.broadcast %add3A_729 : i32 to vector<16xi32>
        %add3A_731 = arith.addi %iota3A_725, %add3A_730 : vector<16xi32>
        %gather3A_732 = tpu.vector_load_idx %arg24[%add3A_731, %broadcast_in_dim3A_726] : memref<32x128xf32, #tpu.memory_space<vmem>>[vector<16xi32>, vector<16xi32>], vector<16xf32>,
        tpu.vector_store_idx %arg31[%iota3A_725, %broadcast_in_dim3A_727], %gather3A_728 : memref<32x256xf32, #tpu.memory_space<vmem>>[vector<16xi32>, vector<16xi32>], vector<16xf32>,
        %add3A_733 = arith.constant 16 : i32
        %add3A_734 = vector.broadcast %add3A_733 : i32 to vector<16xi32>
        %add3A_735 = arith.addi %iota3A_725, %add3A_734 : vector<16xi32>
        tpu.vector_store_idx %arg31[%add3A_735, %broadcast_in_dim3A_727], %gather3A_732 : memref<32x256xf32, #tpu.memory_space<vmem>>[vector<16xi32>, vector<16xi32>], vector<16xf32>,
        %iota3A_736 = tpu.iota {dimensions = array<i32: 0>} : vector<16xi32>
        %broadcast_in_dim3A_737 = vector.broadcast %and3A_700 : i32 to vector<16xi32>
        %broadcast_in_dim3A_738 = vector.broadcast %sub3A_702 : i32 to vector<16xi32>
        %gather3A_739 = tpu.vector_load_idx %arg25[%iota3A_736, %broadcast_in_dim3A_737] : memref<32x128xf32, #tpu.memory_space<vmem>>[vector<16xi32>, vector<16xi32>], vector<16xf32>,
        %add3A_740 = arith.constant 16 : i32
        %add3A_741 = vector.broadcast %add3A_740 : i32 to vector<16xi32>
        %add3A_742 = arith.addi %iota3A_736, %add3A_741 : vector<16xi32>
        %gather3A_743 = tpu.vector_load_idx %arg25[%add3A_742, %broadcast_in_dim3A_737] : memref<32x128xf32, #tpu.memory_space<vmem>>[vector<16xi32>, vector<16xi32>], vector<16xf32>,
        tpu.vector_store_idx %arg33[%iota3A_736, %broadcast_in_dim3A_738], %gather3A_739 : memref<32x256xf32, #tpu.memory_space<vmem>>[vector<16xi32>, vector<16xi32>], vector<16xf32>,
        %add3A_744 = arith.constant 16 : i32
        %add3A_745 = vector.broadcast %add3A_744 : i32 to vector<16xi32>
        %add3A_746 = arith.addi %iota3A_736, %add3A_745 : vector<16xi32>
        tpu.vector_store_idx %arg33[%add3A_746, %broadcast_in_dim3A_738], %gather3A_743 : memref<32x256xf32, #tpu.memory_space<vmem>>[vector<16xi32>, vector<16xi32>], vector<16xf32>,
      } else {
      }
      %add3A_385 = arith.constant 1 : i32
      %add3A_386 = arith.addi %add3A_352, %add3A_385 : i32
      %get3A_387 = arith.index_cast %add3A_386 : i32 to index
      %get3A_388 = tpu.vector_load %arg12[%get3A_387] {strides = array<i32>} : memref<528xi32, #tpu.memory_space<vmem>>, vector<16xi32>,
      %slice3A_389 = vector.extract_strided_slice %get3A_388 {offsets = [0], sizes = [1], strides = [1]} : vector<16xi32> to vector<1xi32>
      %squeeze3A_390 = vector.extract %slice3A_389[0] : i32 from vector<1xi32>
      %get3A_391 = arith.index_cast %add3A_386 : i32 to index
      %get3A_392 = tpu.vector_load %arg13[%get3A_391] {strides = array<i32>} : memref<528xi32, #tpu.memory_space<vmem>>, vector<16xi32>,
      %slice3A_393 = vector.extract_strided_slice %get3A_392 {offsets = [0], sizes = [1], strides = [1]} : vector<16xi32> to vector<1xi32>
      %squeeze3A_394 = vector.extract %slice3A_393[0] : i32 from vector<1xi32>
      %shift_right_arithmetic3A_395 = arith.constant 7 : i32
      %shift_right_arithmetic3A_396 = arith.shrsi %squeeze3A_390, %shift_right_arithmetic3A_395 : i32
      %shift_left3A_397 = arith.constant 7 : i32
      %shift_left3A_398 = arith.shli %shift_right_arithmetic3A_396, %shift_left3A_397 : i32
      %multiple_of3A_399 = tpu.assume_multiple %shift_left3A_398, 128 : i32
      %shift_right_arithmetic3A_400 = arith.constant 7 : i32
      %shift_right_arithmetic3A_401 = arith.shrsi %squeeze3A_394, %shift_right_arithmetic3A_400 : i32
      %shift_left3A_402 = arith.constant 7 : i32
      %shift_left3A_403 = arith.shli %shift_right_arithmetic3A_401, %shift_left3A_402 : i32
      %multiple_of3A_404 = tpu.assume_multiple %shift_left3A_403, 128 : i32
      %dma_start3A_405 = arith.constant 0 : i32
      %dma_start3A_406 = tpu.memref_slice %arg4[%dma_start3A_405, %multiple_of3A_399] : memref<32x1000000xf32, #tpu.memory_space<hbm>> -> memref<32x128xf32, #tpu.memory_space<hbm>>
      %dma_start3A_407 = arith.constant 0 : i32
      %dma_start3A_408 = tpu.memref_slice %arg4[%dma_start3A_407, %multiple_of3A_399] : memref<32x1000000xf32, #tpu.memory_space<hbm>> -> memref<32x128xf32, #tpu.memory_space<hbm>>
      tpu.enqueue_dma source(%dma_start3A_408 : memref<32x128xf32, #tpu.memory_space<hbm>>) target(%arg18 : memref<32x128xf32, #tpu.memory_space<vmem>>) target_semaphore(%arg35 : memref<!tpu.dma_semaphore, #tpu.memory_space<semaphore_mem>>)
      %dma_start3A_409 = arith.constant 0 : i32
      %dma_start3A_410 = tpu.memref_slice %arg6[%dma_start3A_409, %multiple_of3A_399] : memref<32x1000000xf32, #tpu.memory_space<hbm>> -> memref<32x128xf32, #tpu.memory_space<hbm>>
      %dma_start3A_411 = arith.constant 0 : i32
      %dma_start3A_412 = tpu.memref_slice %arg6[%dma_start3A_411, %multiple_of3A_399] : memref<32x1000000xf32, #tpu.memory_space<hbm>> -> memref<32x128xf32, #tpu.memory_space<hbm>>
      tpu.enqueue_dma source(%dma_start3A_412 : memref<32x128xf32, #tpu.memory_space<hbm>>) target(%arg19 : memref<32x128xf32, #tpu.memory_space<vmem>>) target_semaphore(%arg35 : memref<!tpu.dma_semaphore, #tpu.memory_space<semaphore_mem>>)
      %dma_start3A_413 = arith.constant 0 : i32
      %dma_start3A_414 = tpu.memref_slice %arg5[%dma_start3A_413, %multiple_of3A_404] : memref<32x1000000xf32, #tpu.memory_space<hbm>> -> memref<32x128xf32, #tpu.memory_space<hbm>>
      %dma_start3A_415 = arith.constant 0 : i32
      %dma_start3A_416 = tpu.memref_slice %arg5[%dma_start3A_415, %multiple_of3A_404] : memref<32x1000000xf32, #tpu.memory_space<hbm>> -> memref<32x128xf32, #tpu.memory_space<hbm>>
      tpu.enqueue_dma source(%dma_start3A_416 : memref<32x128xf32, #tpu.memory_space<hbm>>) target(%arg20 : memref<32x128xf32, #tpu.memory_space<vmem>>) target_semaphore(%arg35 : memref<!tpu.dma_semaphore, #tpu.memory_space<semaphore_mem>>)
      %dma_start3A_417 = arith.constant 0 : i32
      %dma_start3A_418 = tpu.memref_slice %arg7[%dma_start3A_417, %multiple_of3A_404] : memref<32x1000000xf32, #tpu.memory_space<hbm>> -> memref<32x128xf32, #tpu.memory_space<hbm>>
      %dma_start3A_419 = arith.constant 0 : i32
      %dma_start3A_420 = tpu.memref_slice %arg7[%dma_start3A_419, %multiple_of3A_404] : memref<32x1000000xf32, #tpu.memory_space<hbm>> -> memref<32x128xf32, #tpu.memory_space<hbm>>
      tpu.enqueue_dma source(%dma_start3A_420 : memref<32x128xf32, #tpu.memory_space<hbm>>) target(%arg21 : memref<32x128xf32, #tpu.memory_space<vmem>>) target_semaphore(%arg35 : memref<!tpu.dma_semaphore, #tpu.memory_space<semaphore_mem>>)
      %gt3A_421 = arith.constant 0 : i32
      %gt3A_422 = arith.cmpi sgt, %add3A_348, %gt3A_421 : i32
      %convert_element_type3A_423 = arith.extui %gt3A_422 : i1 to i32
      %cond3A_424 = arith.constant 0 : i32
      %cond3A_425 = arith.cmpi ne, %convert_element_type3A_423, %cond3A_424 : i32
      scf.if %cond3A_425 {
        %sub3A_663 = arith.constant 1 : i32
        %sub3A_664 = arith.subi %add3A_352, %sub3A_663 : i32
        %dma_wait3A_665 = arith.constant 0 : i32
        %dma_wait3A_666 = arith.constant 0 : i32
        %dma_wait3A_667 = tpu.memref_slice %arg4[%dma_wait3A_665, %dma_wait3A_666] : memref<32x1000000xf32, #tpu.memory_space<hbm>> -> memref<32x128xf32, #tpu.memory_space<hbm>>
        %dma_wait3A_668 = arith.constant 0 : i32
        %dma_wait3A_669 = arith.constant 0 : i32
        %dma_wait3A_670 = tpu.memref_slice %arg4[%dma_wait3A_668, %dma_wait3A_669] : memref<32x1000000xf32, #tpu.memory_space<hbm>> -> memref<32x128xf32, #tpu.memory_space<hbm>>
        tpu.wait_dma2 semaphore(%arg37 : memref<!tpu.dma_semaphore, #tpu.memory_space<semaphore_mem>>) src(%dma_wait3A_670 : memref<32x128xf32, #tpu.memory_space<hbm>>) dst(%arg26 : memref<32x128xf32, #tpu.memory_space<vmem>>)
        %dma_wait3A_671 = arith.constant 0 : i32
        %dma_wait3A_672 = arith.constant 0 : i32
        %dma_wait3A_673 = tpu.memref_slice %arg4[%dma_wait3A_671, %dma_wait3A_672] : memref<32x1000000xf32, #tpu.memory_space<hbm>> -> memref<32x128xf32, #tpu.memory_space<hbm>>
        %dma_wait3A_674 = arith.constant 0 : i32
        %dma_wait3A_675 = arith.constant 0 : i32
        %dma_wait3A_676 = tpu.memref_slice %arg4[%dma_wait3A_674, %dma_wait3A_675] : memref<32x1000000xf32, #tpu.memory_space<hbm>> -> memref<32x128xf32, #tpu.memory_space<hbm>>
        tpu.wait_dma2 semaphore(%arg37 : memref<!tpu.dma_semaphore, #tpu.memory_space<semaphore_mem>>) src(%dma_wait3A_676 : memref<32x128xf32, #tpu.memory_space<hbm>>) dst(%arg27 : memref<32x128xf32, #tpu.memory_space<vmem>>)
        %dma_wait3A_677 = arith.constant 0 : i32
        %dma_wait3A_678 = arith.constant 0 : i32
        %dma_wait3A_679 = tpu.memref_slice %arg4[%dma_wait3A_677, %dma_wait3A_678] : memref<32x1000000xf32, #tpu.memory_space<hbm>> -> memref<32x128xf32, #tpu.memory_space<hbm>>
        %dma_wait3A_680 = arith.constant 0 : i32
        %dma_wait3A_681 = arith.constant 0 : i32
        %dma_wait3A_682 = tpu.memref_slice %arg4[%dma_wait3A_680, %dma_wait3A_681] : memref<32x1000000xf32, #tpu.memory_space<hbm>> -> memref<32x128xf32, #tpu.memory_space<hbm>>
        tpu.wait_dma2 semaphore(%arg37 : memref<!tpu.dma_semaphore, #tpu.memory_space<semaphore_mem>>) src(%dma_wait3A_682 : memref<32x128xf32, #tpu.memory_space<hbm>>) dst(%arg28 : memref<32x128xf32, #tpu.memory_space<vmem>>)
        %dma_wait3A_683 = arith.constant 0 : i32
        %dma_wait3A_684 = arith.constant 0 : i32
        %dma_wait3A_685 = tpu.memref_slice %arg4[%dma_wait3A_683, %dma_wait3A_684] : memref<32x1000000xf32, #tpu.memory_space<hbm>> -> memref<32x128xf32, #tpu.memory_space<hbm>>
        %dma_wait3A_686 = arith.constant 0 : i32
        %dma_wait3A_687 = arith.constant 0 : i32
        %dma_wait3A_688 = tpu.memref_slice %arg4[%dma_wait3A_686, %dma_wait3A_687] : memref<32x1000000xf32, #tpu.memory_space<hbm>> -> memref<32x128xf32, #tpu.memory_space<hbm>>
        tpu.wait_dma2 semaphore(%arg37 : memref<!tpu.dma_semaphore, #tpu.memory_space<semaphore_mem>>) src(%dma_wait3A_688 : memref<32x128xf32, #tpu.memory_space<hbm>>) dst(%arg29 : memref<32x128xf32, #tpu.memory_space<vmem>>)
        %get3A_689 = arith.index_cast %sub3A_664 : i32 to index
        %get3A_690 = tpu.vector_load %arg12[%get3A_689] {strides = array<i32>} : memref<528xi32, #tpu.memory_space<vmem>>, vector<16xi32>,
        %slice3A_691 = vector.extract_strided_slice %get3A_690 {offsets = [0], sizes = [1], strides = [1]} : vector<16xi32> to vector<1xi32>
        %squeeze3A_692 = vector.extract %slice3A_691[0] : i32 from vector<1xi32>
        %and3A_693 = arith.constant 127 : i32
        %and3A_694 = arith.andi %squeeze3A_692, %and3A_693 : i32
        %get3A_695 = arith.index_cast %sub3A_664 : i32 to index
        %get3A_696 = tpu.vector_load %arg13[%get3A_695] {strides = array<i32>} : memref<528xi32, #tpu.memory_space<vmem>>, vector<16xi32>,
        %slice3A_697 = vector.extract_strided_slice %get3A_696 {offsets = [0], sizes = [1], strides = [1]} : vector<16xi32> to vector<1xi32>
        %squeeze3A_698 = vector.extract %slice3A_697[0] : i32 from vector<1xi32>
        %and3A_699 = arith.constant 127 : i32
        %and3A_700 = arith.andi %squeeze3A_698, %and3A_699 : i32
        %sub3A_701 = arith.constant 0 : i32
        %sub3A_702 = arith.subi %sub3A_664, %sub3A_701 : i32
        %iota3A_703 = tpu.iota {dimensions = array<i32: 0>} : vector<16xi32>
        %broadcast_in_dim3A_704 = vector.broadcast %and3A_694 : i32 to vector<16xi32>
        %broadcast_in_dim3A_705 = vector.broadcast %sub3A_702 : i32 to vector<16xi32>
        %gather3A_706 = tpu.vector_load_idx %arg26[%iota3A_703, %broadcast_in_dim3A_704] : memref<32x128xf32, #tpu.memory_space<vmem>>[vector<16xi32>, vector<16xi32>], vector<16xf32>,
        %add3A_707 = arith.constant 16 : i32
        %add3A_708 = vector.broadcast %add3A_707 : i32 to vector<16xi32>
        %add3A_709 = arith.addi %iota3A_703, %add3A_708 : vector<16xi32>
        %gather3A_710 = tpu.vector_load_idx %arg26[%add3A_709, %broadcast_in_dim3A_704] : memref<32x128xf32, #tpu.memory_space<vmem>>[vector<16xi32>, vector<16xi32>], vector<16xf32>,
        tpu.vector_store_idx %arg30[%iota3A_703, %broadcast_in_dim3A_705], %gather3A_706 : memref<32x256xf32, #tpu.memory_space<vmem>>[vector<16xi32>, vector<16xi32>], vector<16xf32>,
        %add3A_711 = arith.constant 16 : i32
        %add3A_712 = vector.broadcast %add3A_711 : i32 to vector<16xi32>
        %add3A_713 = arith.addi %iota3A_703, %add3A_712 : vector<16xi32>
        tpu.vector_store_idx %arg30[%add3A_713, %broadcast_in_dim3A_705], %gather3A_710 : memref<32x256xf32, #tpu.memory_space<vmem>>[vector<16xi32>, vector<16xi32>], vector<16xf32>,
        %iota3A_714 = tpu.iota {dimensions = array<i32: 0>} : vector<16xi32>
        %broadcast_in_dim3A_715 = vector.broadcast %and3A_694 : i32 to vector<16xi32>
        %broadcast_in_dim3A_716 = vector.broadcast %sub3A_702 : i32 to vector<16xi32>
        %gather3A_717 = tpu.vector_load_idx %arg27[%iota3A_714, %broadcast_in_dim3A_715] : memref<32x128xf32, #tpu.memory_space<vmem>>[vector<16xi32>, vector<16xi32>], vector<16xf32>,
        %add3A_718 = arith.constant 16 : i32
        %add3A_719 = vector.broadcast %add3A_718 : i32 to vector<16xi32>
        %add3A_720 = arith.addi %iota3A_714, %add3A_719 : vector<16xi32>
        %gather3A_721 = tpu.vector_load_idx %arg27[%add3A_720, %broadcast_in_dim3A_715] : memref<32x128xf32, #tpu.memory_space<vmem>>[vector<16xi32>, vector<16xi32>], vector<16xf32>,
        tpu.vector_store_idx %arg32[%iota3A_714, %broadcast_in_dim3A_716], %gather3A_717 : memref<32x256xf32, #tpu.memory_space<vmem>>[vector<16xi32>, vector<16xi32>], vector<16xf32>,
        %add3A_722 = arith.constant 16 : i32
        %add3A_723 = vector.broadcast %add3A_722 : i32 to vector<16xi32>
        %add3A_724 = arith.addi %iota3A_714, %add3A_723 : vector<16xi32>
        tpu.vector_store_idx %arg32[%add3A_724, %broadcast_in_dim3A_716], %gather3A_721 : memref<32x256xf32, #tpu.memory_space<vmem>>[vector<16xi32>, vector<16xi32>], vector<16xf32>,
        %iota3A_725 = tpu.iota {dimensions = array<i32: 0>} : vector<16xi32>
        %broadcast_in_dim3A_726 = vector.broadcast %and3A_700 : i32 to vector<16xi32>
        %broadcast_in_dim3A_727 = vector.broadcast %sub3A_702 : i32 to vector<16xi32>
        %gather3A_728 = tpu.vector_load_idx %arg28[%iota3A_725, %broadcast_in_dim3A_726] : memref<32x128xf32, #tpu.memory_space<vmem>>[vector<16xi32>, vector<16xi32>], vector<16xf32>,
        %add3A_729 = arith.constant 16 : i32
        %add3A_730 = vector.broadcast %add3A_729 : i32 to vector<16xi32>
        %add3A_731 = arith.addi %iota3A_725, %add3A_730 : vector<16xi32>
        %gather3A_732 = tpu.vector_load_idx %arg28[%add3A_731, %broadcast_in_dim3A_726] : memref<32x128xf32, #tpu.memory_space<vmem>>[vector<16xi32>, vector<16xi32>], vector<16xf32>,
        tpu.vector_store_idx %arg31[%iota3A_725, %broadcast_in_dim3A_727], %gather3A_728 : memref<32x256xf32, #tpu.memory_space<vmem>>[vector<16xi32>, vector<16xi32>], vector<16xf32>,
        %add3A_733 = arith.constant 16 : i32
        %add3A_734 = vector.broadcast %add3A_733 : i32 to vector<16xi32>
        %add3A_735 = arith.addi %iota3A_725, %add3A_734 : vector<16xi32>
        tpu.vector_store_idx %arg31[%add3A_735, %broadcast_in_dim3A_727], %gather3A_732 : memref<32x256xf32, #tpu.memory_space<vmem>>[vector<16xi32>, vector<16xi32>], vector<16xf32>,
        %iota3A_736 = tpu.iota {dimensions = array<i32: 0>} : vector<16xi32>
        %broadcast_in_dim3A_737 = vector.broadcast %and3A_700 : i32 to vector<16xi32>
        %broadcast_in_dim3A_738 = vector.broadcast %sub3A_702 : i32 to vector<16xi32>
        %gather3A_739 = tpu.vector_load_idx %arg29[%iota3A_736, %broadcast_in_dim3A_737] : memref<32x128xf32, #tpu.memory_space<vmem>>[vector<16xi32>, vector<16xi32>], vector<16xf32>,
        %add3A_740 = arith.constant 16 : i32
        %add3A_741 = vector.broadcast %add3A_740 : i32 to vector<16xi32>
        %add3A_742 = arith.addi %iota3A_736, %add3A_741 : vector<16xi32>
        %gather3A_743 = tpu.vector_load_idx %arg29[%add3A_742, %broadcast_in_dim3A_737] : memref<32x128xf32, #tpu.memory_space<vmem>>[vector<16xi32>, vector<16xi32>], vector<16xf32>,
        tpu.vector_store_idx %arg33[%iota3A_736, %broadcast_in_dim3A_738], %gather3A_739 : memref<32x256xf32, #tpu.memory_space<vmem>>[vector<16xi32>, vector<16xi32>], vector<16xf32>,
        %add3A_744 = arith.constant 16 : i32
        %add3A_745 = vector.broadcast %add3A_744 : i32 to vector<16xi32>
        %add3A_746 = arith.addi %iota3A_736, %add3A_745 : vector<16xi32>
        tpu.vector_store_idx %arg33[%add3A_746, %broadcast_in_dim3A_738], %gather3A_743 : memref<32x256xf32, #tpu.memory_space<vmem>>[vector<16xi32>, vector<16xi32>], vector<16xf32>,
      } else {
      }
      %add3A_426 = arith.constant 2 : i32
      %add3A_427 = arith.addi %add3A_352, %add3A_426 : i32
      %get3A_428 = arith.index_cast %add3A_427 : i32 to index
      %get3A_429 = tpu.vector_load %arg12[%get3A_428] {strides = array<i32>} : memref<528xi32, #tpu.memory_space<vmem>>, vector<16xi32>,
      %slice3A_430 = vector.extract_strided_slice %get3A_429 {offsets = [0], sizes = [1], strides = [1]} : vector<16xi32> to vector<1xi32>
      %squeeze3A_431 = vector.extract %slice3A_430[0] : i32 from vector<1xi32>
      %get3A_432 = arith.index_cast %add3A_427 : i32 to index
      %get3A_433 = tpu.vector_load %arg13[%get3A_432] {strides = array<i32>} : memref<528xi32, #tpu.memory_space<vmem>>, vector<16xi32>,
      %slice3A_434 = vector.extract_strided_slice %get3A_433 {offsets = [0], sizes = [1], strides = [1]} : vector<16xi32> to vector<1xi32>
      %squeeze3A_435 = vector.extract %slice3A_434[0] : i32 from vector<1xi32>
      %shift_right_arithmetic3A_436 = arith.constant 7 : i32
      %shift_right_arithmetic3A_437 = arith.shrsi %squeeze3A_431, %shift_right_arithmetic3A_436 : i32
      %shift_left3A_438 = arith.constant 7 : i32
      %shift_left3A_439 = arith.shli %shift_right_arithmetic3A_437, %shift_left3A_438 : i32
      %multiple_of3A_440 = tpu.assume_multiple %shift_left3A_439, 128 : i32
      %shift_right_arithmetic3A_441 = arith.constant 7 : i32
      %shift_right_arithmetic3A_442 = arith.shrsi %squeeze3A_435, %shift_right_arithmetic3A_441 : i32
      %shift_left3A_443 = arith.constant 7 : i32
      %shift_left3A_444 = arith.shli %shift_right_arithmetic3A_442, %shift_left3A_443 : i32
      %multiple_of3A_445 = tpu.assume_multiple %shift_left3A_444, 128 : i32
      %dma_start3A_446 = arith.constant 0 : i32
      %dma_start3A_447 = tpu.memref_slice %arg4[%dma_start3A_446, %multiple_of3A_440] : memref<32x1000000xf32, #tpu.memory_space<hbm>> -> memref<32x128xf32, #tpu.memory_space<hbm>>
      %dma_start3A_448 = arith.constant 0 : i32
      %dma_start3A_449 = tpu.memref_slice %arg4[%dma_start3A_448, %multiple_of3A_440] : memref<32x1000000xf32, #tpu.memory_space<hbm>> -> memref<32x128xf32, #tpu.memory_space<hbm>>
      tpu.enqueue_dma source(%dma_start3A_449 : memref<32x128xf32, #tpu.memory_space<hbm>>) target(%arg22 : memref<32x128xf32, #tpu.memory_space<vmem>>) target_semaphore(%arg36 : memref<!tpu.dma_semaphore, #tpu.memory_space<semaphore_mem>>)
      %dma_start3A_450 = arith.constant 0 : i32
      %dma_start3A_451 = tpu.memref_slice %arg6[%dma_start3A_450, %multiple_of3A_440] : memref<32x1000000xf32, #tpu.memory_space<hbm>> -> memref<32x128xf32, #tpu.memory_space<hbm>>
      %dma_start3A_452 = arith.constant 0 : i32
      %dma_start3A_453 = tpu.memref_slice %arg6[%dma_start3A_452, %multiple_of3A_440] : memref<32x1000000xf32, #tpu.memory_space<hbm>> -> memref<32x128xf32, #tpu.memory_space<hbm>>
      tpu.enqueue_dma source(%dma_start3A_453 : memref<32x128xf32, #tpu.memory_space<hbm>>) target(%arg23 : memref<32x128xf32, #tpu.memory_space<vmem>>) target_semaphore(%arg36 : memref<!tpu.dma_semaphore, #tpu.memory_space<semaphore_mem>>)
      %dma_start3A_454 = arith.constant 0 : i32
      %dma_start3A_455 = tpu.memref_slice %arg5[%dma_start3A_454, %multiple_of3A_445] : memref<32x1000000xf32, #tpu.memory_space<hbm>> -> memref<32x128xf32, #tpu.memory_space<hbm>>
      %dma_start3A_456 = arith.constant 0 : i32
      %dma_start3A_457 = tpu.memref_slice %arg5[%dma_start3A_456, %multiple_of3A_445] : memref<32x1000000xf32, #tpu.memory_space<hbm>> -> memref<32x128xf32, #tpu.memory_space<hbm>>
      tpu.enqueue_dma source(%dma_start3A_457 : memref<32x128xf32, #tpu.memory_space<hbm>>) target(%arg24 : memref<32x128xf32, #tpu.memory_space<vmem>>) target_semaphore(%arg36 : memref<!tpu.dma_semaphore, #tpu.memory_space<semaphore_mem>>)
      %dma_start3A_458 = arith.constant 0 : i32
      %dma_start3A_459 = tpu.memref_slice %arg7[%dma_start3A_458, %multiple_of3A_445] : memref<32x1000000xf32, #tpu.memory_space<hbm>> -> memref<32x128xf32, #tpu.memory_space<hbm>>
      %dma_start3A_460 = arith.constant 0 : i32
      %dma_start3A_461 = tpu.memref_slice %arg7[%dma_start3A_460, %multiple_of3A_445] : memref<32x1000000xf32, #tpu.memory_space<hbm>> -> memref<32x128xf32, #tpu.memory_space<hbm>>
      tpu.enqueue_dma source(%dma_start3A_461 : memref<32x128xf32, #tpu.memory_space<hbm>>) target(%arg25 : memref<32x128xf32, #tpu.memory_space<vmem>>) target_semaphore(%arg36 : memref<!tpu.dma_semaphore, #tpu.memory_space<semaphore_mem>>)
      %dma_wait3A_462 = arith.constant 0 : i32
      %dma_wait3A_463 = arith.constant 0 : i32
      %dma_wait3A_464 = tpu.memref_slice %arg4[%dma_wait3A_462, %dma_wait3A_463] : memref<32x1000000xf32, #tpu.memory_space<hbm>> -> memref<32x128xf32, #tpu.memory_space<hbm>>
      %dma_wait3A_465 = arith.constant 0 : i32
      %dma_wait3A_466 = arith.constant 0 : i32
      %dma_wait3A_467 = tpu.memref_slice %arg4[%dma_wait3A_465, %dma_wait3A_466] : memref<32x1000000xf32, #tpu.memory_space<hbm>> -> memref<32x128xf32, #tpu.memory_space<hbm>>
      tpu.wait_dma2 semaphore(%arg34 : memref<!tpu.dma_semaphore, #tpu.memory_space<semaphore_mem>>) src(%dma_wait3A_467 : memref<32x128xf32, #tpu.memory_space<hbm>>) dst(%arg14 : memref<32x128xf32, #tpu.memory_space<vmem>>)
      %dma_wait3A_468 = arith.constant 0 : i32
      %dma_wait3A_469 = arith.constant 0 : i32
      %dma_wait3A_470 = tpu.memref_slice %arg4[%dma_wait3A_468, %dma_wait3A_469] : memref<32x1000000xf32, #tpu.memory_space<hbm>> -> memref<32x128xf32, #tpu.memory_space<hbm>>
      %dma_wait3A_471 = arith.constant 0 : i32
      %dma_wait3A_472 = arith.constant 0 : i32
      %dma_wait3A_473 = tpu.memref_slice %arg4[%dma_wait3A_471, %dma_wait3A_472] : memref<32x1000000xf32, #tpu.memory_space<hbm>> -> memref<32x128xf32, #tpu.memory_space<hbm>>
      tpu.wait_dma2 semaphore(%arg34 : memref<!tpu.dma_semaphore, #tpu.memory_space<semaphore_mem>>) src(%dma_wait3A_473 : memref<32x128xf32, #tpu.memory_space<hbm>>) dst(%arg15 : memref<32x128xf32, #tpu.memory_space<vmem>>)
      %dma_wait3A_474 = arith.constant 0 : i32
      %dma_wait3A_475 = arith.constant 0 : i32
      %dma_wait3A_476 = tpu.memref_slice %arg4[%dma_wait3A_474, %dma_wait3A_475] : memref<32x1000000xf32, #tpu.memory_space<hbm>> -> memref<32x128xf32, #tpu.memory_space<hbm>>
      %dma_wait3A_477 = arith.constant 0 : i32
      %dma_wait3A_478 = arith.constant 0 : i32
      %dma_wait3A_479 = tpu.memref_slice %arg4[%dma_wait3A_477, %dma_wait3A_478] : memref<32x1000000xf32, #tpu.memory_space<hbm>> -> memref<32x128xf32, #tpu.memory_space<hbm>>
      tpu.wait_dma2 semaphore(%arg34 : memref<!tpu.dma_semaphore, #tpu.memory_space<semaphore_mem>>) src(%dma_wait3A_479 : memref<32x128xf32, #tpu.memory_space<hbm>>) dst(%arg16 : memref<32x128xf32, #tpu.memory_space<vmem>>)
      %dma_wait3A_480 = arith.constant 0 : i32
      %dma_wait3A_481 = arith.constant 0 : i32
      %dma_wait3A_482 = tpu.memref_slice %arg4[%dma_wait3A_480, %dma_wait3A_481] : memref<32x1000000xf32, #tpu.memory_space<hbm>> -> memref<32x128xf32, #tpu.memory_space<hbm>>
      %dma_wait3A_483 = arith.constant 0 : i32
      %dma_wait3A_484 = arith.constant 0 : i32
      %dma_wait3A_485 = tpu.memref_slice %arg4[%dma_wait3A_483, %dma_wait3A_484] : memref<32x1000000xf32, #tpu.memory_space<hbm>> -> memref<32x128xf32, #tpu.memory_space<hbm>>
      tpu.wait_dma2 semaphore(%arg34 : memref<!tpu.dma_semaphore, #tpu.memory_space<semaphore_mem>>) src(%dma_wait3A_485 : memref<32x128xf32, #tpu.memory_space<hbm>>) dst(%arg17 : memref<32x128xf32, #tpu.memory_space<vmem>>)
      %get3A_486 = arith.index_cast %add3A_352 : i32 to index
      %get3A_487 = tpu.vector_load %arg12[%get3A_486] {strides = array<i32>} : memref<528xi32, #tpu.memory_space<vmem>>, vector<16xi32>,
      %slice3A_488 = vector.extract_strided_slice %get3A_487 {offsets = [0], sizes = [1], strides = [1]} : vector<16xi32> to vector<1xi32>
      %squeeze3A_489 = vector.extract %slice3A_488[0] : i32 from vector<1xi32>
      %and3A_490 = arith.constant 127 : i32
      %and3A_491 = arith.andi %squeeze3A_489, %and3A_490 : i32
      %get3A_492 = arith.index_cast %add3A_352 : i32 to index
      %get3A_493 = tpu.vector_load %arg13[%get3A_492] {strides = array<i32>} : memref<528xi32, #tpu.memory_space<vmem>>, vector<16xi32>,
      %slice3A_494 = vector.extract_strided_slice %get3A_493 {offsets = [0], sizes = [1], strides = [1]} : vector<16xi32> to vector<1xi32>
      %squeeze3A_495 = vector.extract %slice3A_494[0] : i32 from vector<1xi32>
      %and3A_496 = arith.constant 127 : i32
      %and3A_497 = arith.andi %squeeze3A_495, %and3A_496 : i32
      %sub3A = arith.constant 0 : i32
      %sub3A_498 = arith.subi %add3A_352, %sub3A : i32
      %iota3A_499 = tpu.iota {dimensions = array<i32: 0>} : vector<16xi32>
      %broadcast_in_dim3A_500 = vector.broadcast %and3A_491 : i32 to vector<16xi32>
      %broadcast_in_dim3A_501 = vector.broadcast %sub3A_498 : i32 to vector<16xi32>
      %gather3A_502 = tpu.vector_load_idx %arg14[%iota3A_499, %broadcast_in_dim3A_500] : memref<32x128xf32, #tpu.memory_space<vmem>>[vector<16xi32>, vector<16xi32>], vector<16xf32>,
      %add3A_503 = arith.constant 16 : i32
      %add3A_504 = vector.broadcast %add3A_503 : i32 to vector<16xi32>
      %add3A_505 = arith.addi %iota3A_499, %add3A_504 : vector<16xi32>
      %gather3A_506 = tpu.vector_load_idx %arg14[%add3A_505, %broadcast_in_dim3A_500] : memref<32x128xf32, #tpu.memory_space<vmem>>[vector<16xi32>, vector<16xi32>], vector<16xf32>,
      tpu.vector_store_idx %arg30[%iota3A_499, %broadcast_in_dim3A_501], %gather3A_502 : memref<32x256xf32, #tpu.memory_space<vmem>>[vector<16xi32>, vector<16xi32>], vector<16xf32>,
      %add3A_507 = arith.constant 16 : i32
      %add3A_508 = vector.broadcast %add3A_507 : i32 to vector<16xi32>
      %add3A_509 = arith.addi %iota3A_499, %add3A_508 : vector<16xi32>
      tpu.vector_store_idx %arg30[%add3A_509, %broadcast_in_dim3A_501], %gather3A_506 : memref<32x256xf32, #tpu.memory_space<vmem>>[vector<16xi32>, vector<16xi32>], vector<16xf32>,
      %iota3A_510 = tpu.iota {dimensions = array<i32: 0>} : vector<16xi32>
      %broadcast_in_dim3A_511 = vector.broadcast %and3A_491 : i32 to vector<16xi32>
      %broadcast_in_dim3A_512 = vector.broadcast %sub3A_498 : i32 to vector<16xi32>
      %gather3A_513 = tpu.vector_load_idx %arg15[%iota3A_510, %broadcast_in_dim3A_511] : memref<32x128xf32, #tpu.memory_space<vmem>>[vector<16xi32>, vector<16xi32>], vector<16xf32>,
      %add3A_514 = arith.constant 16 : i32
      %add3A_515 = vector.broadcast %add3A_514 : i32 to vector<16xi32>
      %add3A_516 = arith.addi %iota3A_510, %add3A_515 : vector<16xi32>
      %gather3A_517 = tpu.vector_load_idx %arg15[%add3A_516, %broadcast_in_dim3A_511] : memref<32x128xf32, #tpu.memory_space<vmem>>[vector<16xi32>, vector<16xi32>], vector<16xf32>,
      tpu.vector_store_idx %arg32[%iota3A_510, %broadcast_in_dim3A_512], %gather3A_513 : memref<32x256xf32, #tpu.memory_space<vmem>>[vector<16xi32>, vector<16xi32>], vector<16xf32>,
      %add3A_518 = arith.constant 16 : i32
      %add3A_519 = vector.broadcast %add3A_518 : i32 to vector<16xi32>
      %add3A_520 = arith.addi %iota3A_510, %add3A_519 : vector<16xi32>
      tpu.vector_store_idx %arg32[%add3A_520, %broadcast_in_dim3A_512], %gather3A_517 : memref<32x256xf32, #tpu.memory_space<vmem>>[vector<16xi32>, vector<16xi32>], vector<16xf32>,
      %iota3A_521 = tpu.iota {dimensions = array<i32: 0>} : vector<16xi32>
      %broadcast_in_dim3A_522 = vector.broadcast %and3A_497 : i32 to vector<16xi32>
      %broadcast_in_dim3A_523 = vector.broadcast %sub3A_498 : i32 to vector<16xi32>
      %gather3A_524 = tpu.vector_load_idx %arg16[%iota3A_521, %broadcast_in_dim3A_522] : memref<32x128xf32, #tpu.memory_space<vmem>>[vector<16xi32>, vector<16xi32>], vector<16xf32>,
      %add3A_525 = arith.constant 16 : i32
      %add3A_526 = vector.broadcast %add3A_525 : i32 to vector<16xi32>
      %add3A_527 = arith.addi %iota3A_521, %add3A_526 : vector<16xi32>
      %gather3A_528 = tpu.vector_load_idx %arg16[%add3A_527, %broadcast_in_dim3A_522] : memref<32x128xf32, #tpu.memory_space<vmem>>[vector<16xi32>, vector<16xi32>], vector<16xf32>,
      tpu.vector_store_idx %arg31[%iota3A_521, %broadcast_in_dim3A_523], %gather3A_524 : memref<32x256xf32, #tpu.memory_space<vmem>>[vector<16xi32>, vector<16xi32>], vector<16xf32>,
      %add3A_529 = arith.constant 16 : i32
      %add3A_530 = vector.broadcast %add3A_529 : i32 to vector<16xi32>
      %add3A_531 = arith.addi %iota3A_521, %add3A_530 : vector<16xi32>
      tpu.vector_store_idx %arg31[%add3A_531, %broadcast_in_dim3A_523], %gather3A_528 : memref<32x256xf32, #tpu.memory_space<vmem>>[vector<16xi32>, vector<16xi32>], vector<16xf32>,
      %iota3A_532 = tpu.iota {dimensions = array<i32: 0>} : vector<16xi32>
      %broadcast_in_dim3A_533 = vector.broadcast %and3A_497 : i32 to vector<16xi32>
      %broadcast_in_dim3A_534 = vector.broadcast %sub3A_498 : i32 to vector<16xi32>
      %gather3A_535 = tpu.vector_load_idx %arg17[%iota3A_532, %broadcast_in_dim3A_533] : memref<32x128xf32, #tpu.memory_space<vmem>>[vector<16xi32>, vector<16xi32>], vector<16xf32>,
      %add3A_536 = arith.constant 16 : i32
      %add3A_537 = vector.broadcast %add3A_536 : i32 to vector<16xi32>
      %add3A_538 = arith.addi %iota3A_532, %add3A_537 : vector<16xi32>
      %gather3A_539 = tpu.vector_load_idx %arg17[%add3A_538, %broadcast_in_dim3A_533] : memref<32x128xf32, #tpu.memory_space<vmem>>[vector<16xi32>, vector<16xi32>], vector<16xf32>,
      tpu.vector_store_idx %arg33[%iota3A_532, %broadcast_in_dim3A_534], %gather3A_535 : memref<32x256xf32, #tpu.memory_space<vmem>>[vector<16xi32>, vector<16xi32>], vector<16xf32>,
      %add3A_540 = arith.constant 16 : i32
      %add3A_541 = vector.broadcast %add3A_540 : i32 to vector<16xi32>
      %add3A_542 = arith.addi %iota3A_532, %add3A_541 : vector<16xi32>
      tpu.vector_store_idx %arg33[%add3A_542, %broadcast_in_dim3A_534], %gather3A_539 : memref<32x256xf32, #tpu.memory_space<vmem>>[vector<16xi32>, vector<16xi32>], vector<16xf32>,
      %add3A_543 = arith.constant 3 : i32
      %add3A_544 = arith.addi %add3A_352, %add3A_543 : i32
      %get3A_545 = arith.index_cast %add3A_544 : i32 to index
      %get3A_546 = tpu.vector_load %arg12[%get3A_545] {strides = array<i32>} : memref<528xi32, #tpu.memory_space<vmem>>, vector<16xi32>,
      %slice3A_547 = vector.extract_strided_slice %get3A_546 {offsets = [0], sizes = [1], strides = [1]} : vector<16xi32> to vector<1xi32>
      %squeeze3A_548 = vector.extract %slice3A_547[0] : i32 from vector<1xi32>
      %get3A_549 = arith.index_cast %add3A_544 : i32 to index
      %get3A_550 = tpu.vector_load %arg13[%get3A_549] {strides = array<i32>} : memref<528xi32, #tpu.memory_space<vmem>>, vector<16xi32>,
      %slice3A_551 = vector.extract_strided_slice %get3A_550 {offsets = [0], sizes = [1], strides = [1]} : vector<16xi32> to vector<1xi32>
      %squeeze3A_552 = vector.extract %slice3A_551[0] : i32 from vector<1xi32>
      %shift_right_arithmetic3A_553 = arith.constant 7 : i32
      %shift_right_arithmetic3A_554 = arith.shrsi %squeeze3A_548, %shift_right_arithmetic3A_553 : i32
      %shift_left3A_555 = arith.constant 7 : i32
      %shift_left3A_556 = arith.shli %shift_right_arithmetic3A_554, %shift_left3A_555 : i32
      %multiple_of3A_557 = tpu.assume_multiple %shift_left3A_556, 128 : i32
      %shift_right_arithmetic3A_558 = arith.constant 7 : i32
      %shift_right_arithmetic3A_559 = arith.shrsi %squeeze3A_552, %shift_right_arithmetic3A_558 : i32
      %shift_left3A_560 = arith.constant 7 : i32
      %shift_left3A_561 = arith.shli %shift_right_arithmetic3A_559, %shift_left3A_560 : i32
      %multiple_of3A_562 = tpu.assume_multiple %shift_left3A_561, 128 : i32
      %dma_start3A_563 = arith.constant 0 : i32
      %dma_start3A_564 = tpu.memref_slice %arg4[%dma_start3A_563, %multiple_of3A_557] : memref<32x1000000xf32, #tpu.memory_space<hbm>> -> memref<32x128xf32, #tpu.memory_space<hbm>>
      %dma_start3A_565 = arith.constant 0 : i32
      %dma_start3A_566 = tpu.memref_slice %arg4[%dma_start3A_565, %multiple_of3A_557] : memref<32x1000000xf32, #tpu.memory_space<hbm>> -> memref<32x128xf32, #tpu.memory_space<hbm>>
      tpu.enqueue_dma source(%dma_start3A_566 : memref<32x128xf32, #tpu.memory_space<hbm>>) target(%arg26 : memref<32x128xf32, #tpu.memory_space<vmem>>) target_semaphore(%arg37 : memref<!tpu.dma_semaphore, #tpu.memory_space<semaphore_mem>>)
      %dma_start3A_567 = arith.constant 0 : i32
      %dma_start3A_568 = tpu.memref_slice %arg6[%dma_start3A_567, %multiple_of3A_557] : memref<32x1000000xf32, #tpu.memory_space<hbm>> -> memref<32x128xf32, #tpu.memory_space<hbm>>
      %dma_start3A_569 = arith.constant 0 : i32
      %dma_start3A_570 = tpu.memref_slice %arg6[%dma_start3A_569, %multiple_of3A_557] : memref<32x1000000xf32, #tpu.memory_space<hbm>> -> memref<32x128xf32, #tpu.memory_space<hbm>>
      tpu.enqueue_dma source(%dma_start3A_570 : memref<32x128xf32, #tpu.memory_space<hbm>>) target(%arg27 : memref<32x128xf32, #tpu.memory_space<vmem>>) target_semaphore(%arg37 : memref<!tpu.dma_semaphore, #tpu.memory_space<semaphore_mem>>)
      %dma_start3A_571 = arith.constant 0 : i32
      %dma_start3A_572 = tpu.memref_slice %arg5[%dma_start3A_571, %multiple_of3A_562] : memref<32x1000000xf32, #tpu.memory_space<hbm>> -> memref<32x128xf32, #tpu.memory_space<hbm>>
      %dma_start3A_573 = arith.constant 0 : i32
      %dma_start3A_574 = tpu.memref_slice %arg5[%dma_start3A_573, %multiple_of3A_562] : memref<32x1000000xf32, #tpu.memory_space<hbm>> -> memref<32x128xf32, #tpu.memory_space<hbm>>
      tpu.enqueue_dma source(%dma_start3A_574 : memref<32x128xf32, #tpu.memory_space<hbm>>) target(%arg28 : memref<32x128xf32, #tpu.memory_space<vmem>>) target_semaphore(%arg37 : memref<!tpu.dma_semaphore, #tpu.memory_space<semaphore_mem>>)
      %dma_start3A_575 = arith.constant 0 : i32
      %dma_start3A_576 = tpu.memref_slice %arg7[%dma_start3A_575, %multiple_of3A_562] : memref<32x1000000xf32, #tpu.memory_space<hbm>> -> memref<32x128xf32, #tpu.memory_space<hbm>>
      %dma_start3A_577 = arith.constant 0 : i32
      %dma_start3A_578 = tpu.memref_slice %arg7[%dma_start3A_577, %multiple_of3A_562] : memref<32x1000000xf32, #tpu.memory_space<hbm>> -> memref<32x128xf32, #tpu.memory_space<hbm>>
      tpu.enqueue_dma source(%dma_start3A_578 : memref<32x128xf32, #tpu.memory_space<hbm>>) target(%arg29 : memref<32x128xf32, #tpu.memory_space<vmem>>) target_semaphore(%arg37 : memref<!tpu.dma_semaphore, #tpu.memory_space<semaphore_mem>>)
      %add3A_579 = arith.constant 1 : i32
      %add3A_580 = arith.addi %add3A_352, %add3A_579 : i32
      %dma_wait3A_581 = arith.constant 0 : i32
      %dma_wait3A_582 = arith.constant 0 : i32
      %dma_wait3A_583 = tpu.memref_slice %arg4[%dma_wait3A_581, %dma_wait3A_582] : memref<32x1000000xf32, #tpu.memory_space<hbm>> -> memref<32x128xf32, #tpu.memory_space<hbm>>
      %dma_wait3A_584 = arith.constant 0 : i32
      %dma_wait3A_585 = arith.constant 0 : i32
      %dma_wait3A_586 = tpu.memref_slice %arg4[%dma_wait3A_584, %dma_wait3A_585] : memref<32x1000000xf32, #tpu.memory_space<hbm>> -> memref<32x128xf32, #tpu.memory_space<hbm>>
      tpu.wait_dma2 semaphore(%arg35 : memref<!tpu.dma_semaphore, #tpu.memory_space<semaphore_mem>>) src(%dma_wait3A_586 : memref<32x128xf32, #tpu.memory_space<hbm>>) dst(%arg18 : memref<32x128xf32, #tpu.memory_space<vmem>>)
      %dma_wait3A_587 = arith.constant 0 : i32
      %dma_wait3A_588 = arith.constant 0 : i32
      %dma_wait3A_589 = tpu.memref_slice %arg4[%dma_wait3A_587, %dma_wait3A_588] : memref<32x1000000xf32, #tpu.memory_space<hbm>> -> memref<32x128xf32, #tpu.memory_space<hbm>>
      %dma_wait3A_590 = arith.constant 0 : i32
      %dma_wait3A_591 = arith.constant 0 : i32
      %dma_wait3A_592 = tpu.memref_slice %arg4[%dma_wait3A_590, %dma_wait3A_591] : memref<32x1000000xf32, #tpu.memory_space<hbm>> -> memref<32x128xf32, #tpu.memory_space<hbm>>
      tpu.wait_dma2 semaphore(%arg35 : memref<!tpu.dma_semaphore, #tpu.memory_space<semaphore_mem>>) src(%dma_wait3A_592 : memref<32x128xf32, #tpu.memory_space<hbm>>) dst(%arg19 : memref<32x128xf32, #tpu.memory_space<vmem>>)
      %dma_wait3A_593 = arith.constant 0 : i32
      %dma_wait3A_594 = arith.constant 0 : i32
      %dma_wait3A_595 = tpu.memref_slice %arg4[%dma_wait3A_593, %dma_wait3A_594] : memref<32x1000000xf32, #tpu.memory_space<hbm>> -> memref<32x128xf32, #tpu.memory_space<hbm>>
      %dma_wait3A_596 = arith.constant 0 : i32
      %dma_wait3A_597 = arith.constant 0 : i32
      %dma_wait3A_598 = tpu.memref_slice %arg4[%dma_wait3A_596, %dma_wait3A_597] : memref<32x1000000xf32, #tpu.memory_space<hbm>> -> memref<32x128xf32, #tpu.memory_space<hbm>>
      tpu.wait_dma2 semaphore(%arg35 : memref<!tpu.dma_semaphore, #tpu.memory_space<semaphore_mem>>) src(%dma_wait3A_598 : memref<32x128xf32, #tpu.memory_space<hbm>>) dst(%arg20 : memref<32x128xf32, #tpu.memory_space<vmem>>)
      %dma_wait3A_599 = arith.constant 0 : i32
      %dma_wait3A_600 = arith.constant 0 : i32
      %dma_wait3A_601 = tpu.memref_slice %arg4[%dma_wait3A_599, %dma_wait3A_600] : memref<32x1000000xf32, #tpu.memory_space<hbm>> -> memref<32x128xf32, #tpu.memory_space<hbm>>
      %dma_wait3A_602 = arith.constant 0 : i32
      %dma_wait3A_603 = arith.constant 0 : i32
      %dma_wait3A_604 = tpu.memref_slice %arg4[%dma_wait3A_602, %dma_wait3A_603] : memref<32x1000000xf32, #tpu.memory_space<hbm>> -> memref<32x128xf32, #tpu.memory_space<hbm>>
      tpu.wait_dma2 semaphore(%arg35 : memref<!tpu.dma_semaphore, #tpu.memory_space<semaphore_mem>>) src(%dma_wait3A_604 : memref<32x128xf32, #tpu.memory_space<hbm>>) dst(%arg21 : memref<32x128xf32, #tpu.memory_space<vmem>>)
      %get3A_605 = arith.index_cast %add3A_580 : i32 to index
      %get3A_606 = tpu.vector_load %arg12[%get3A_605] {strides = array<i32>} : memref<528xi32, #tpu.memory_space<vmem>>, vector<16xi32>,
      %slice3A_607 = vector.extract_strided_slice %get3A_606 {offsets = [0], sizes = [1], strides = [1]} : vector<16xi32> to vector<1xi32>
      %squeeze3A_608 = vector.extract %slice3A_607[0] : i32 from vector<1xi32>
      %and3A_609 = arith.constant 127 : i32
      %and3A_610 = arith.andi %squeeze3A_608, %and3A_609 : i32
      %get3A_611 = arith.index_cast %add3A_580 : i32 to index
      %get3A_612 = tpu.vector_load %arg13[%get3A_611] {strides = array<i32>} : memref<528xi32, #tpu.memory_space<vmem>>, vector<16xi32>,
      %slice3A_613 = vector.extract_strided_slice %get3A_612 {offsets = [0], sizes = [1], strides = [1]} : vector<16xi32> to vector<1xi32>
      %squeeze3A_614 = vector.extract %slice3A_613[0] : i32 from vector<1xi32>
      %and3A_615 = arith.constant 127 : i32
      %and3A_616 = arith.andi %squeeze3A_614, %and3A_615 : i32
      %sub3A_617 = arith.constant 0 : i32
      %sub3A_618 = arith.subi %add3A_580, %sub3A_617 : i32
      %iota3A_619 = tpu.iota {dimensions = array<i32: 0>} : vector<16xi32>
      %broadcast_in_dim3A_620 = vector.broadcast %and3A_610 : i32 to vector<16xi32>
      %broadcast_in_dim3A_621 = vector.broadcast %sub3A_618 : i32 to vector<16xi32>
      %gather3A_622 = tpu.vector_load_idx %arg18[%iota3A_619, %broadcast_in_dim3A_620] : memref<32x128xf32, #tpu.memory_space<vmem>>[vector<16xi32>, vector<16xi32>], vector<16xf32>,
      %add3A_623 = arith.constant 16 : i32
      %add3A_624 = vector.broadcast %add3A_623 : i32 to vector<16xi32>
      %add3A_625 = arith.addi %iota3A_619, %add3A_624 : vector<16xi32>
      %gather3A_626 = tpu.vector_load_idx %arg18[%add3A_625, %broadcast_in_dim3A_620] : memref<32x128xf32, #tpu.memory_space<vmem>>[vector<16xi32>, vector<16xi32>], vector<16xf32>,
      tpu.vector_store_idx %arg30[%iota3A_619, %broadcast_in_dim3A_621], %gather3A_622 : memref<32x256xf32, #tpu.memory_space<vmem>>[vector<16xi32>, vector<16xi32>], vector<16xf32>,
      %add3A_627 = arith.constant 16 : i32
      %add3A_628 = vector.broadcast %add3A_627 : i32 to vector<16xi32>
      %add3A_629 = arith.addi %iota3A_619, %add3A_628 : vector<16xi32>
      tpu.vector_store_idx %arg30[%add3A_629, %broadcast_in_dim3A_621], %gather3A_626 : memref<32x256xf32, #tpu.memory_space<vmem>>[vector<16xi32>, vector<16xi32>], vector<16xf32>,
      %iota3A_630 = tpu.iota {dimensions = array<i32: 0>} : vector<16xi32>
      %broadcast_in_dim3A_631 = vector.broadcast %and3A_610 : i32 to vector<16xi32>
      %broadcast_in_dim3A_632 = vector.broadcast %sub3A_618 : i32 to vector<16xi32>
      %gather3A_633 = tpu.vector_load_idx %arg19[%iota3A_630, %broadcast_in_dim3A_631] : memref<32x128xf32, #tpu.memory_space<vmem>>[vector<16xi32>, vector<16xi32>], vector<16xf32>,
      %add3A_634 = arith.constant 16 : i32
      %add3A_635 = vector.broadcast %add3A_634 : i32 to vector<16xi32>
      %add3A_636 = arith.addi %iota3A_630, %add3A_635 : vector<16xi32>
      %gather3A_637 = tpu.vector_load_idx %arg19[%add3A_636, %broadcast_in_dim3A_631] : memref<32x128xf32, #tpu.memory_space<vmem>>[vector<16xi32>, vector<16xi32>], vector<16xf32>,
      tpu.vector_store_idx %arg32[%iota3A_630, %broadcast_in_dim3A_632], %gather3A_633 : memref<32x256xf32, #tpu.memory_space<vmem>>[vector<16xi32>, vector<16xi32>], vector<16xf32>,
      %add3A_638 = arith.constant 16 : i32
      %add3A_639 = vector.broadcast %add3A_638 : i32 to vector<16xi32>
      %add3A_640 = arith.addi %iota3A_630, %add3A_639 : vector<16xi32>
      tpu.vector_store_idx %arg32[%add3A_640, %broadcast_in_dim3A_632], %gather3A_637 : memref<32x256xf32, #tpu.memory_space<vmem>>[vector<16xi32>, vector<16xi32>], vector<16xf32>,
      %iota3A_641 = tpu.iota {dimensions = array<i32: 0>} : vector<16xi32>
      %broadcast_in_dim3A_642 = vector.broadcast %and3A_616 : i32 to vector<16xi32>
      %broadcast_in_dim3A_643 = vector.broadcast %sub3A_618 : i32 to vector<16xi32>
      %gather3A_644 = tpu.vector_load_idx %arg20[%iota3A_641, %broadcast_in_dim3A_642] : memref<32x128xf32, #tpu.memory_space<vmem>>[vector<16xi32>, vector<16xi32>], vector<16xf32>,
      %add3A_645 = arith.constant 16 : i32
      %add3A_646 = vector.broadcast %add3A_645 : i32 to vector<16xi32>
      %add3A_647 = arith.addi %iota3A_641, %add3A_646 : vector<16xi32>
      %gather3A_648 = tpu.vector_load_idx %arg20[%add3A_647, %broadcast_in_dim3A_642] : memref<32x128xf32, #tpu.memory_space<vmem>>[vector<16xi32>, vector<16xi32>], vector<16xf32>,
      tpu.vector_store_idx %arg31[%iota3A_641, %broadcast_in_dim3A_643], %gather3A_644 : memref<32x256xf32, #tpu.memory_space<vmem>>[vector<16xi32>, vector<16xi32>], vector<16xf32>,
      %add3A_649 = arith.constant 16 : i32
      %add3A_650 = vector.broadcast %add3A_649 : i32 to vector<16xi32>
      %add3A_651 = arith.addi %iota3A_641, %add3A_650 : vector<16xi32>
      tpu.vector_store_idx %arg31[%add3A_651, %broadcast_in_dim3A_643], %gather3A_648 : memref<32x256xf32, #tpu.memory_space<vmem>>[vector<16xi32>, vector<16xi32>], vector<16xf32>,
      %iota3A_652 = tpu.iota {dimensions = array<i32: 0>} : vector<16xi32>
      %broadcast_in_dim3A_653 = vector.broadcast %and3A_616 : i32 to vector<16xi32>
      %broadcast_in_dim3A_654 = vector.broadcast %sub3A_618 : i32 to vector<16xi32>
      %gather3A_655 = tpu.vector_load_idx %arg21[%iota3A_652, %broadcast_in_dim3A_653] : memref<32x128xf32, #tpu.memory_space<vmem>>[vector<16xi32>, vector<16xi32>], vector<16xf32>,
      %add3A_656 = arith.constant 16 : i32
      %add3A_657 = vector.broadcast %add3A_656 : i32 to vector<16xi32>
      %add3A_658 = arith.addi %iota3A_652, %add3A_657 : vector<16xi32>
      %gather3A_659 = tpu.vector_load_idx %arg21[%add3A_658, %broadcast_in_dim3A_653] : memref<32x128xf32, #tpu.memory_space<vmem>>[vector<16xi32>, vector<16xi32>], vector<16xf32>,
      tpu.vector_store_idx %arg33[%iota3A_652, %broadcast_in_dim3A_654], %gather3A_655 : memref<32x256xf32, #tpu.memory_space<vmem>>[vector<16xi32>, vector<16xi32>], vector<16xf32>,
      %add3A_660 = arith.constant 16 : i32
      %add3A_661 = vector.broadcast %add3A_660 : i32 to vector<16xi32>
      %add3A_662 = arith.addi %iota3A_652, %add3A_661 : vector<16xi32>
      tpu.vector_store_idx %arg33[%add3A_662, %broadcast_in_dim3A_654], %gather3A_659 : memref<32x256xf32, #tpu.memory_space<vmem>>[vector<16xi32>, vector<16xi32>], vector<16xf32>,
    }
    %scan3A_6 = arith.constant 64 : i32
    %dma_wait3A = arith.constant 0 : i32
    %dma_wait3A_7 = arith.constant 0 : i32
    %dma_wait3A_8 = tpu.memref_slice %arg4[%dma_wait3A, %dma_wait3A_7] : memref<32x1000000xf32, #tpu.memory_space<hbm>> -> memref<32x128xf32, #tpu.memory_space<hbm>>
    %dma_wait3A_9 = arith.constant 0 : i32
    %dma_wait3A_10 = arith.constant 0 : i32
    %dma_wait3A_11 = tpu.memref_slice %arg4[%dma_wait3A_9, %dma_wait3A_10] : memref<32x1000000xf32, #tpu.memory_space<hbm>> -> memref<32x128xf32, #tpu.memory_space<hbm>>
    tpu.wait_dma2 semaphore(%arg36 : memref<!tpu.dma_semaphore, #tpu.memory_space<semaphore_mem>>) src(%dma_wait3A_11 : memref<32x128xf32, #tpu.memory_space<hbm>>) dst(%arg22 : memref<32x128xf32, #tpu.memory_space<vmem>>)
    %dma_wait3A_12 = arith.constant 0 : i32
    %dma_wait3A_13 = arith.constant 0 : i32
    %dma_wait3A_14 = tpu.memref_slice %arg4[%dma_wait3A_12, %dma_wait3A_13] : memref<32x1000000xf32, #tpu.memory_space<hbm>> -> memref<32x128xf32, #tpu.memory_space<hbm>>
    %dma_wait3A_15 = arith.constant 0 : i32
    %dma_wait3A_16 = arith.constant 0 : i32
    %dma_wait3A_17 = tpu.memref_slice %arg4[%dma_wait3A_15, %dma_wait3A_16] : memref<32x1000000xf32, #tpu.memory_space<hbm>> -> memref<32x128xf32, #tpu.memory_space<hbm>>
    tpu.wait_dma2 semaphore(%arg36 : memref<!tpu.dma_semaphore, #tpu.memory_space<semaphore_mem>>) src(%dma_wait3A_17 : memref<32x128xf32, #tpu.memory_space<hbm>>) dst(%arg23 : memref<32x128xf32, #tpu.memory_space<vmem>>)
    %dma_wait3A_18 = arith.constant 0 : i32
    %dma_wait3A_19 = arith.constant 0 : i32
    %dma_wait3A_20 = tpu.memref_slice %arg4[%dma_wait3A_18, %dma_wait3A_19] : memref<32x1000000xf32, #tpu.memory_space<hbm>> -> memref<32x128xf32, #tpu.memory_space<hbm>>
    %dma_wait3A_21 = arith.constant 0 : i32
    %dma_wait3A_22 = arith.constant 0 : i32
    %dma_wait3A_23 = tpu.memref_slice %arg4[%dma_wait3A_21, %dma_wait3A_22] : memref<32x1000000xf32, #tpu.memory_space<hbm>> -> memref<32x128xf32, #tpu.memory_space<hbm>>
    tpu.wait_dma2 semaphore(%arg36 : memref<!tpu.dma_semaphore, #tpu.memory_space<semaphore_mem>>) src(%dma_wait3A_23 : memref<32x128xf32, #tpu.memory_space<hbm>>) dst(%arg24 : memref<32x128xf32, #tpu.memory_space<vmem>>)
    %dma_wait3A_24 = arith.constant 0 : i32
    %dma_wait3A_25 = arith.constant 0 : i32
    %dma_wait3A_26 = tpu.memref_slice %arg4[%dma_wait3A_24, %dma_wait3A_25] : memref<32x1000000xf32, #tpu.memory_space<hbm>> -> memref<32x128xf32, #tpu.memory_space<hbm>>
    %dma_wait3A_27 = arith.constant 0 : i32
    %dma_wait3A_28 = arith.constant 0 : i32
    %dma_wait3A_29 = tpu.memref_slice %arg4[%dma_wait3A_27, %dma_wait3A_28] : memref<32x1000000xf32, #tpu.memory_space<hbm>> -> memref<32x128xf32, #tpu.memory_space<hbm>>
    tpu.wait_dma2 semaphore(%arg36 : memref<!tpu.dma_semaphore, #tpu.memory_space<semaphore_mem>>) src(%dma_wait3A_29 : memref<32x128xf32, #tpu.memory_space<hbm>>) dst(%arg25 : memref<32x128xf32, #tpu.memory_space<vmem>>)
    %get3A = arith.constant 254 : index
    %get3A_30 = tpu.vector_load %arg12[%get3A] {strides = array<i32>} : memref<528xi32, #tpu.memory_space<vmem>>, vector<16xi32>,
    %slice3A = vector.extract_strided_slice %get3A_30 {offsets = [0], sizes = [1], strides = [1]} : vector<16xi32> to vector<1xi32>
    %squeeze3A = vector.extract %slice3A[0] : i32 from vector<1xi32>
    %and3A = arith.constant 127 : i32
    %and3A_31 = arith.andi %squeeze3A, %and3A : i32
    %get3A_32 = arith.constant 254 : index
    %get3A_33 = tpu.vector_load %arg13[%get3A_32] {strides = array<i32>} : memref<528xi32, #tpu.memory_space<vmem>>, vector<16xi32>,
    %slice3A_34 = vector.extract_strided_slice %get3A_33 {offsets = [0], sizes = [1], strides = [1]} : vector<16xi32> to vector<1xi32>
    %squeeze3A_35 = vector.extract %slice3A_34[0] : i32 from vector<1xi32>
    %and3A_36 = arith.constant 127 : i32
    %and3A_37 = arith.andi %squeeze3A_35, %and3A_36 : i32
    %iota3A = tpu.iota {dimensions = array<i32: 0>} : vector<16xi32>
    %broadcast_in_dim3A = vector.broadcast %and3A_31 : i32 to vector<16xi32>
    %broadcast_in_dim3A_38 = arith.constant 254 : i32
    %broadcast_in_dim3A_39 = vector.broadcast %broadcast_in_dim3A_38 : i32 to vector<16xi32>
    %gather3A = tpu.vector_load_idx %arg22[%iota3A, %broadcast_in_dim3A] : memref<32x128xf32, #tpu.memory_space<vmem>>[vector<16xi32>, vector<16xi32>], vector<16xf32>,
    %add3A_40 = arith.constant 16 : i32
    %add3A_41 = vector.broadcast %add3A_40 : i32 to vector<16xi32>
    %add3A_42 = arith.addi %iota3A, %add3A_41 : vector<16xi32>
    %gather3A_43 = tpu.vector_load_idx %arg22[%add3A_42, %broadcast_in_dim3A] : memref<32x128xf32, #tpu.memory_space<vmem>>[vector<16xi32>, vector<16xi32>], vector<16xf32>,
    tpu.vector_store_idx %arg30[%iota3A, %broadcast_in_dim3A_39], %gather3A : memref<32x256xf32, #tpu.memory_space<vmem>>[vector<16xi32>, vector<16xi32>], vector<16xf32>,
    %add3A_44 = arith.constant 16 : i32
    %add3A_45 = vector.broadcast %add3A_44 : i32 to vector<16xi32>
    %add3A_46 = arith.addi %iota3A, %add3A_45 : vector<16xi32>
    tpu.vector_store_idx %arg30[%add3A_46, %broadcast_in_dim3A_39], %gather3A_43 : memref<32x256xf32, #tpu.memory_space<vmem>>[vector<16xi32>, vector<16xi32>], vector<16xf32>,
    %iota3A_47 = tpu.iota {dimensions = array<i32: 0>} : vector<16xi32>
    %broadcast_in_dim3A_48 = vector.broadcast %and3A_31 : i32 to vector<16xi32>
    %broadcast_in_dim3A_49 = arith.constant 254 : i32
    %broadcast_in_dim3A_50 = vector.broadcast %broadcast_in_dim3A_49 : i32 to vector<16xi32>
    %gather3A_51 = tpu.vector_load_idx %arg23[%iota3A_47, %broadcast_in_dim3A_48] : memref<32x128xf32, #tpu.memory_space<vmem>>[vector<16xi32>, vector<16xi32>], vector<16xf32>,
    %add3A_52 = arith.constant 16 : i32
    %add3A_53 = vector.broadcast %add3A_52 : i32 to vector<16xi32>
    %add3A_54 = arith.addi %iota3A_47, %add3A_53 : vector<16xi32>
    %gather3A_55 = tpu.vector_load_idx %arg23[%add3A_54, %broadcast_in_dim3A_48] : memref<32x128xf32, #tpu.memory_space<vmem>>[vector<16xi32>, vector<16xi32>], vector<16xf32>,
    tpu.vector_store_idx %arg32[%iota3A_47, %broadcast_in_dim3A_50], %gather3A_51 : memref<32x256xf32, #tpu.memory_space<vmem>>[vector<16xi32>, vector<16xi32>], vector<16xf32>,
    %add3A_56 = arith.constant 16 : i32
    %add3A_57 = vector.broadcast %add3A_56 : i32 to vector<16xi32>
    %add3A_58 = arith.addi %iota3A_47, %add3A_57 : vector<16xi32>
    tpu.vector_store_idx %arg32[%add3A_58, %broadcast_in_dim3A_50], %gather3A_55 : memref<32x256xf32, #tpu.memory_space<vmem>>[vector<16xi32>, vector<16xi32>], vector<16xf32>,
    %iota3A_59 = tpu.iota {dimensions = array<i32: 0>} : vector<16xi32>
    %broadcast_in_dim3A_60 = vector.broadcast %and3A_37 : i32 to vector<16xi32>
    %broadcast_in_dim3A_61 = arith.constant 254 : i32
    %broadcast_in_dim3A_62 = vector.broadcast %broadcast_in_dim3A_61 : i32 to vector<16xi32>
    %gather3A_63 = tpu.vector_load_idx %arg24[%iota3A_59, %broadcast_in_dim3A_60] : memref<32x128xf32, #tpu.memory_space<vmem>>[vector<16xi32>, vector<16xi32>], vector<16xf32>,
    %add3A_64 = arith.constant 16 : i32
    %add3A_65 = vector.broadcast %add3A_64 : i32 to vector<16xi32>
    %add3A_66 = arith.addi %iota3A_59, %add3A_65 : vector<16xi32>
    %gather3A_67 = tpu.vector_load_idx %arg24[%add3A_66, %broadcast_in_dim3A_60] : memref<32x128xf32, #tpu.memory_space<vmem>>[vector<16xi32>, vector<16xi32>], vector<16xf32>,
    tpu.vector_store_idx %arg31[%iota3A_59, %broadcast_in_dim3A_62], %gather3A_63 : memref<32x256xf32, #tpu.memory_space<vmem>>[vector<16xi32>, vector<16xi32>], vector<16xf32>,
    %add3A_68 = arith.constant 16 : i32
    %add3A_69 = vector.broadcast %add3A_68 : i32 to vector<16xi32>
    %add3A_70 = arith.addi %iota3A_59, %add3A_69 : vector<16xi32>
    tpu.vector_store_idx %arg31[%add3A_70, %broadcast_in_dim3A_62], %gather3A_67 : memref<32x256xf32, #tpu.memory_space<vmem>>[vector<16xi32>, vector<16xi32>], vector<16xf32>,
    %iota3A_71 = tpu.iota {dimensions = array<i32: 0>} : vector<16xi32>
    %broadcast_in_dim3A_72 = vector.broadcast %and3A_37 : i32 to vector<16xi32>
    %broadcast_in_dim3A_73 = arith.constant 254 : i32
    %broadcast_in_dim3A_74 = vector.broadcast %broadcast_in_dim3A_73 : i32 to vector<16xi32>
    %gather3A_75 = tpu.vector_load_idx %arg25[%iota3A_71, %broadcast_in_dim3A_72] : memref<32x128xf32, #tpu.memory_space<vmem>>[vector<16xi32>, vector<16xi32>], vector<16xf32>,
    %add3A_76 = arith.constant 16 : i32
    %add3A_77 = vector.broadcast %add3A_76 : i32 to vector<16xi32>
    %add3A_78 = arith.addi %iota3A_71, %add3A_77 : vector<16xi32>
    %gather3A_79 = tpu.vector_load_idx %arg25[%add3A_78, %broadcast_in_dim3A_72] : memref<32x128xf32, #tpu.memory_space<vmem>>[vector<16xi32>, vector<16xi32>], vector<16xf32>,
    tpu.vector_store_idx %arg33[%iota3A_71, %broadcast_in_dim3A_74], %gather3A_75 : memref<32x256xf32, #tpu.memory_space<vmem>>[vector<16xi32>, vector<16xi32>], vector<16xf32>,
    %add3A_80 = arith.constant 16 : i32
    %add3A_81 = vector.broadcast %add3A_80 : i32 to vector<16xi32>
    %add3A_82 = arith.addi %iota3A_71, %add3A_81 : vector<16xi32>
    tpu.vector_store_idx %arg33[%add3A_82, %broadcast_in_dim3A_74], %gather3A_79 : memref<32x256xf32, #tpu.memory_space<vmem>>[vector<16xi32>, vector<16xi32>], vector<16xf32>,
    %dma_wait3A_83 = arith.constant 0 : i32
    %dma_wait3A_84 = arith.constant 0 : i32
    %dma_wait3A_85 = tpu.memref_slice %arg4[%dma_wait3A_83, %dma_wait3A_84] : memref<32x1000000xf32, #tpu.memory_space<hbm>> -> memref<32x128xf32, #tpu.memory_space<hbm>>
    %dma_wait3A_86 = arith.constant 0 : i32
    %dma_wait3A_87 = arith.constant 0 : i32
    %dma_wait3A_88 = tpu.memref_slice %arg4[%dma_wait3A_86, %dma_wait3A_87] : memref<32x1000000xf32, #tpu.memory_space<hbm>> -> memref<32x128xf32, #tpu.memory_space<hbm>>
    tpu.wait_dma2 semaphore(%arg37 : memref<!tpu.dma_semaphore, #tpu.memory_space<semaphore_mem>>) src(%dma_wait3A_88 : memref<32x128xf32, #tpu.memory_space<hbm>>) dst(%arg26 : memref<32x128xf32, #tpu.memory_space<vmem>>)
    %dma_wait3A_89 = arith.constant 0 : i32
    %dma_wait3A_90 = arith.constant 0 : i32
    %dma_wait3A_91 = tpu.memref_slice %arg4[%dma_wait3A_89, %dma_wait3A_90] : memref<32x1000000xf32, #tpu.memory_space<hbm>> -> memref<32x128xf32, #tpu.memory_space<hbm>>
    %dma_wait3A_92 = arith.constant 0 : i32
    %dma_wait3A_93 = arith.constant 0 : i32
    %dma_wait3A_94 = tpu.memref_slice %arg4[%dma_wait3A_92, %dma_wait3A_93] : memref<32x1000000xf32, #tpu.memory_space<hbm>> -> memref<32x128xf32, #tpu.memory_space<hbm>>
    tpu.wait_dma2 semaphore(%arg37 : memref<!tpu.dma_semaphore, #tpu.memory_space<semaphore_mem>>) src(%dma_wait3A_94 : memref<32x128xf32, #tpu.memory_space<hbm>>) dst(%arg27 : memref<32x128xf32, #tpu.memory_space<vmem>>)
    %dma_wait3A_95 = arith.constant 0 : i32
    %dma_wait3A_96 = arith.constant 0 : i32
    %dma_wait3A_97 = tpu.memref_slice %arg4[%dma_wait3A_95, %dma_wait3A_96] : memref<32x1000000xf32, #tpu.memory_space<hbm>> -> memref<32x128xf32, #tpu.memory_space<hbm>>
    %dma_wait3A_98 = arith.constant 0 : i32
    %dma_wait3A_99 = arith.constant 0 : i32
    %dma_wait3A_100 = tpu.memref_slice %arg4[%dma_wait3A_98, %dma_wait3A_99] : memref<32x1000000xf32, #tpu.memory_space<hbm>> -> memref<32x128xf32, #tpu.memory_space<hbm>>
    tpu.wait_dma2 semaphore(%arg37 : memref<!tpu.dma_semaphore, #tpu.memory_space<semaphore_mem>>) src(%dma_wait3A_100 : memref<32x128xf32, #tpu.memory_space<hbm>>) dst(%arg28 : memref<32x128xf32, #tpu.memory_space<vmem>>)
    %dma_wait3A_101 = arith.constant 0 : i32
    %dma_wait3A_102 = arith.constant 0 : i32
    %dma_wait3A_103 = tpu.memref_slice %arg4[%dma_wait3A_101, %dma_wait3A_102] : memref<32x1000000xf32, #tpu.memory_space<hbm>> -> memref<32x128xf32, #tpu.memory_space<hbm>>
    %dma_wait3A_104 = arith.constant 0 : i32
    %dma_wait3A_105 = arith.constant 0 : i32
    %dma_wait3A_106 = tpu.memref_slice %arg4[%dma_wait3A_104, %dma_wait3A_105] : memref<32x1000000xf32, #tpu.memory_space<hbm>> -> memref<32x128xf32, #tpu.memory_space<hbm>>
    tpu.wait_dma2 semaphore(%arg37 : memref<!tpu.dma_semaphore, #tpu.memory_space<semaphore_mem>>) src(%dma_wait3A_106 : memref<32x128xf32, #tpu.memory_space<hbm>>) dst(%arg29 : memref<32x128xf32, #tpu.memory_space<vmem>>)
    %get3A_107 = arith.constant 255 : index
    %get3A_108 = tpu.vector_load %arg12[%get3A_107] {strides = array<i32>} : memref<528xi32, #tpu.memory_space<vmem>>, vector<16xi32>,
    %slice3A_109 = vector.extract_strided_slice %get3A_108 {offsets = [0], sizes = [1], strides = [1]} : vector<16xi32> to vector<1xi32>
    %squeeze3A_110 = vector.extract %slice3A_109[0] : i32 from vector<1xi32>
    %and3A_111 = arith.constant 127 : i32
    %and3A_112 = arith.andi %squeeze3A_110, %and3A_111 : i32
    %get3A_113 = arith.constant 255 : index
    %get3A_114 = tpu.vector_load %arg13[%get3A_113] {strides = array<i32>} : memref<528xi32, #tpu.memory_space<vmem>>, vector<16xi32>,
    %slice3A_115 = vector.extract_strided_slice %get3A_114 {offsets = [0], sizes = [1], strides = [1]} : vector<16xi32> to vector<1xi32>
    %squeeze3A_116 = vector.extract %slice3A_115[0] : i32 from vector<1xi32>
    %and3A_117 = arith.constant 127 : i32
    %and3A_118 = arith.andi %squeeze3A_116, %and3A_117 : i32
    %iota3A_119 = tpu.iota {dimensions = array<i32: 0>} : vector<16xi32>
    %broadcast_in_dim3A_120 = vector.broadcast %and3A_112 : i32 to vector<16xi32>
    %broadcast_in_dim3A_121 = arith.constant 255 : i32
    %broadcast_in_dim3A_122 = vector.broadcast %broadcast_in_dim3A_121 : i32 to vector<16xi32>
    %gather3A_123 = tpu.vector_load_idx %arg26[%iota3A_119, %broadcast_in_dim3A_120] : memref<32x128xf32, #tpu.memory_space<vmem>>[vector<16xi32>, vector<16xi32>], vector<16xf32>,
    %add3A_124 = arith.constant 16 : i32
    %add3A_125 = vector.broadcast %add3A_124 : i32 to vector<16xi32>
    %add3A_126 = arith.addi %iota3A_119, %add3A_125 : vector<16xi32>
    %gather3A_127 = tpu.vector_load_idx %arg26[%add3A_126, %broadcast_in_dim3A_120] : memref<32x128xf32, #tpu.memory_space<vmem>>[vector<16xi32>, vector<16xi32>], vector<16xf32>,
    tpu.vector_store_idx %arg30[%iota3A_119, %broadcast_in_dim3A_122], %gather3A_123 : memref<32x256xf32, #tpu.memory_space<vmem>>[vector<16xi32>, vector<16xi32>], vector<16xf32>,
    %add3A_128 = arith.constant 16 : i32
    %add3A_129 = vector.broadcast %add3A_128 : i32 to vector<16xi32>
    %add3A_130 = arith.addi %iota3A_119, %add3A_129 : vector<16xi32>
    tpu.vector_store_idx %arg30[%add3A_130, %broadcast_in_dim3A_122], %gather3A_127 : memref<32x256xf32, #tpu.memory_space<vmem>>[vector<16xi32>, vector<16xi32>], vector<16xf32>,
    %iota3A_131 = tpu.iota {dimensions = array<i32: 0>} : vector<16xi32>
    %broadcast_in_dim3A_132 = vector.broadcast %and3A_112 : i32 to vector<16xi32>
    %broadcast_in_dim3A_133 = arith.constant 255 : i32
    %broadcast_in_dim3A_134 = vector.broadcast %broadcast_in_dim3A_133 : i32 to vector<16xi32>
    %gather3A_135 = tpu.vector_load_idx %arg27[%iota3A_131, %broadcast_in_dim3A_132] : memref<32x128xf32, #tpu.memory_space<vmem>>[vector<16xi32>, vector<16xi32>], vector<16xf32>,
    %add3A_136 = arith.constant 16 : i32
    %add3A_137 = vector.broadcast %add3A_136 : i32 to vector<16xi32>
    %add3A_138 = arith.addi %iota3A_131, %add3A_137 : vector<16xi32>
    %gather3A_139 = tpu.vector_load_idx %arg27[%add3A_138, %broadcast_in_dim3A_132] : memref<32x128xf32, #tpu.memory_space<vmem>>[vector<16xi32>, vector<16xi32>], vector<16xf32>,
    tpu.vector_store_idx %arg32[%iota3A_131, %broadcast_in_dim3A_134], %gather3A_135 : memref<32x256xf32, #tpu.memory_space<vmem>>[vector<16xi32>, vector<16xi32>], vector<16xf32>,
    %add3A_140 = arith.constant 16 : i32
    %add3A_141 = vector.broadcast %add3A_140 : i32 to vector<16xi32>
    %add3A_142 = arith.addi %iota3A_131, %add3A_141 : vector<16xi32>
    tpu.vector_store_idx %arg32[%add3A_142, %broadcast_in_dim3A_134], %gather3A_139 : memref<32x256xf32, #tpu.memory_space<vmem>>[vector<16xi32>, vector<16xi32>], vector<16xf32>,
    %iota3A_143 = tpu.iota {dimensions = array<i32: 0>} : vector<16xi32>
    %broadcast_in_dim3A_144 = vector.broadcast %and3A_118 : i32 to vector<16xi32>
    %broadcast_in_dim3A_145 = arith.constant 255 : i32
    %broadcast_in_dim3A_146 = vector.broadcast %broadcast_in_dim3A_145 : i32 to vector<16xi32>
    %gather3A_147 = tpu.vector_load_idx %arg28[%iota3A_143, %broadcast_in_dim3A_144] : memref<32x128xf32, #tpu.memory_space<vmem>>[vector<16xi32>, vector<16xi32>], vector<16xf32>,
    %add3A_148 = arith.constant 16 : i32
    %add3A_149 = vector.broadcast %add3A_148 : i32 to vector<16xi32>
    %add3A_150 = arith.addi %iota3A_143, %add3A_149 : vector<16xi32>
    %gather3A_151 = tpu.vector_load_idx %arg28[%add3A_150, %broadcast_in_dim3A_144] : memref<32x128xf32, #tpu.memory_space<vmem>>[vector<16xi32>, vector<16xi32>], vector<16xf32>,
    tpu.vector_store_idx %arg31[%iota3A_143, %broadcast_in_dim3A_146], %gather3A_147 : memref<32x256xf32, #tpu.memory_space<vmem>>[vector<16xi32>, vector<16xi32>], vector<16xf32>,
    %add3A_152 = arith.constant 16 : i32
    %add3A_153 = vector.broadcast %add3A_152 : i32 to vector<16xi32>
    %add3A_154 = arith.addi %iota3A_143, %add3A_153 : vector<16xi32>
    tpu.vector_store_idx %arg31[%add3A_154, %broadcast_in_dim3A_146], %gather3A_151 : memref<32x256xf32, #tpu.memory_space<vmem>>[vector<16xi32>, vector<16xi32>], vector<16xf32>,
    %iota3A_155 = tpu.iota {dimensions = array<i32: 0>} : vector<16xi32>
    %broadcast_in_dim3A_156 = vector.broadcast %and3A_118 : i32 to vector<16xi32>
    %broadcast_in_dim3A_157 = arith.constant 255 : i32
    %broadcast_in_dim3A_158 = vector.broadcast %broadcast_in_dim3A_157 : i32 to vector<16xi32>
    %gather3A_159 = tpu.vector_load_idx %arg29[%iota3A_155, %broadcast_in_dim3A_156] : memref<32x128xf32, #tpu.memory_space<vmem>>[vector<16xi32>, vector<16xi32>], vector<16xf32>,
    %add3A_160 = arith.constant 16 : i32
    %add3A_161 = vector.broadcast %add3A_160 : i32 to vector<16xi32>
    %add3A_162 = arith.addi %iota3A_155, %add3A_161 : vector<16xi32>
    %gather3A_163 = tpu.vector_load_idx %arg29[%add3A_162, %broadcast_in_dim3A_156] : memref<32x128xf32, #tpu.memory_space<vmem>>[vector<16xi32>, vector<16xi32>], vector<16xf32>,
    tpu.vector_store_idx %arg33[%iota3A_155, %broadcast_in_dim3A_158], %gather3A_159 : memref<32x256xf32, #tpu.memory_space<vmem>>[vector<16xi32>, vector<16xi32>], vector<16xf32>,
    %add3A_164 = arith.constant 16 : i32
    %add3A_165 = vector.broadcast %add3A_164 : i32 to vector<16xi32>
    %add3A_166 = arith.addi %iota3A_155, %add3A_165 : vector<16xi32>
    tpu.vector_store_idx %arg33[%add3A_166, %broadcast_in_dim3A_158], %gather3A_163 : memref<32x256xf32, #tpu.memory_space<vmem>>[vector<16xi32>, vector<16xi32>], vector<16xf32>,
    %add3A_167 = arith.constant 0 : i32
    %add3A_168 = arith.addi %mul3A_2, %add3A_167 : i32
    "tpu.region"() ({
      %run_scoped3A = tpu.sem_alloc : memref<!tpu.dma_semaphore, #tpu.memory_space<semaphore_mem>>
      %dma_start3A = arith.constant 0 : i32
      %dma_start3A_344 = tpu.memref_slice %arg8[%dma_start3A, %add3A_168] : memref<32x16384xf32, #tpu.memory_space<hbm>> -> memref<32x256xf32, #tpu.memory_space<hbm>>
      %dma_start3A_345 = arith.constant 0 : i32
      %dma_start3A_346 = tpu.memref_slice %arg8[%dma_start3A_345, %add3A_168] : memref<32x16384xf32, #tpu.memory_space<hbm>> -> memref<32x256xf32, #tpu.memory_space<hbm>>
      tpu.enqueue_dma source(%arg30 : memref<32x256xf32, #tpu.memory_space<vmem>>) target(%dma_start3A_346 : memref<32x256xf32, #tpu.memory_space<hbm>>) target_semaphore(%run_scoped3A : memref<!tpu.dma_semaphore, #tpu.memory_space<semaphore_mem>>)
      %dma_wait3A_347 = arith.constant 0 : i32
      %dma_wait3A_348 = tpu.memref_slice %arg8[%dma_wait3A_347, %add3A_168] : memref<32x16384xf32, #tpu.memory_space<hbm>> -> memref<32x256xf32, #tpu.memory_space<hbm>>
      %dma_wait3A_349 = arith.constant 0 : i32
      %dma_wait3A_350 = tpu.memref_slice %arg8[%dma_wait3A_349, %add3A_168] : memref<32x16384xf32, #tpu.memory_space<hbm>> -> memref<32x256xf32, #tpu.memory_space<hbm>>
      tpu.wait_dma2 semaphore(%run_scoped3A : memref<!tpu.dma_semaphore, #tpu.memory_space<semaphore_mem>>) src(%arg30 : memref<32x256xf32, #tpu.memory_space<vmem>>) dst(%dma_wait3A_350 : memref<32x256xf32, #tpu.memory_space<hbm>>)
      tpu.yield
    }) : () -> ()
    "tpu.region"() ({
      %run_scoped3A = tpu.sem_alloc : memref<!tpu.dma_semaphore, #tpu.memory_space<semaphore_mem>>
      %dma_start3A = arith.constant 0 : i32
      %dma_start3A_344 = tpu.memref_slice %arg9[%dma_start3A, %add3A_168] : memref<32x16384xf32, #tpu.memory_space<hbm>> -> memref<32x256xf32, #tpu.memory_space<hbm>>
      %dma_start3A_345 = arith.constant 0 : i32
      %dma_start3A_346 = tpu.memref_slice %arg9[%dma_start3A_345, %add3A_168] : memref<32x16384xf32, #tpu.memory_space<hbm>> -> memref<32x256xf32, #tpu.memory_space<hbm>>
      tpu.enqueue_dma source(%arg31 : memref<32x256xf32, #tpu.memory_space<vmem>>) target(%dma_start3A_346 : memref<32x256xf32, #tpu.memory_space<hbm>>) target_semaphore(%run_scoped3A : memref<!tpu.dma_semaphore, #tpu.memory_space<semaphore_mem>>)
      %dma_wait3A_347 = arith.constant 0 : i32
      %dma_wait3A_348 = tpu.memref_slice %arg9[%dma_wait3A_347, %add3A_168] : memref<32x16384xf32, #tpu.memory_space<hbm>> -> memref<32x256xf32, #tpu.memory_space<hbm>>
      %dma_wait3A_349 = arith.constant 0 : i32
      %dma_wait3A_350 = tpu.memref_slice %arg9[%dma_wait3A_349, %add3A_168] : memref<32x16384xf32, #tpu.memory_space<hbm>> -> memref<32x256xf32, #tpu.memory_space<hbm>>
      tpu.wait_dma2 semaphore(%run_scoped3A : memref<!tpu.dma_semaphore, #tpu.memory_space<semaphore_mem>>) src(%arg31 : memref<32x256xf32, #tpu.memory_space<vmem>>) dst(%dma_wait3A_350 : memref<32x256xf32, #tpu.memory_space<hbm>>)
      tpu.yield
    }) : () -> ()
    "tpu.region"() ({
      %run_scoped3A = tpu.sem_alloc : memref<!tpu.dma_semaphore, #tpu.memory_space<semaphore_mem>>
      %dma_start3A = arith.constant 0 : i32
      %dma_start3A_344 = tpu.memref_slice %arg10[%dma_start3A, %add3A_168] : memref<32x16384xf32, #tpu.memory_space<hbm>> -> memref<32x256xf32, #tpu.memory_space<hbm>>
      %dma_start3A_345 = arith.constant 0 : i32
      %dma_start3A_346 = tpu.memref_slice %arg10[%dma_start3A_345, %add3A_168] : memref<32x16384xf32, #tpu.memory_space<hbm>> -> memref<32x256xf32, #tpu.memory_space<hbm>>
      tpu.enqueue_dma source(%arg32 : memref<32x256xf32, #tpu.memory_space<vmem>>) target(%dma_start3A_346 : memref<32x256xf32, #tpu.memory_space<hbm>>) target_semaphore(%run_scoped3A : memref<!tpu.dma_semaphore, #tpu.memory_space<semaphore_mem>>)
      %dma_wait3A_347 = arith.constant 0 : i32
      %dma_wait3A_348 = tpu.memref_slice %arg10[%dma_wait3A_347, %add3A_168] : memref<32x16384xf32, #tpu.memory_space<hbm>> -> memref<32x256xf32, #tpu.memory_space<hbm>>
      %dma_wait3A_349 = arith.constant 0 : i32
      %dma_wait3A_350 = tpu.memref_slice %arg10[%dma_wait3A_349, %add3A_168] : memref<32x16384xf32, #tpu.memory_space<hbm>> -> memref<32x256xf32, #tpu.memory_space<hbm>>
      tpu.wait_dma2 semaphore(%run_scoped3A : memref<!tpu.dma_semaphore, #tpu.memory_space<semaphore_mem>>) src(%arg32 : memref<32x256xf32, #tpu.memory_space<vmem>>) dst(%dma_wait3A_350 : memref<32x256xf32, #tpu.memory_space<hbm>>)
      tpu.yield
    }) : () -> ()
    "tpu.region"() ({
      %run_scoped3A = tpu.sem_alloc : memref<!tpu.dma_semaphore, #tpu.memory_space<semaphore_mem>>
      %dma_start3A = arith.constant 0 : i32
      %dma_start3A_344 = tpu.memref_slice %arg11[%dma_start3A, %add3A_168] : memref<32x16384xf32, #tpu.memory_space<hbm>> -> memref<32x256xf32, #tpu.memory_space<hbm>>
      %dma_start3A_345 = arith.constant 0 : i32
      %dma_start3A_346 = tpu.memref_slice %arg11[%dma_start3A_345, %add3A_168] : memref<32x16384xf32, #tpu.memory_space<hbm>> -> memref<32x256xf32, #tpu.memory_space<hbm>>
      tpu.enqueue_dma source(%arg33 : memref<32x256xf32, #tpu.memory_space<vmem>>) target(%dma_start3A_346 : memref<32x256xf32, #tpu.memory_space<hbm>>) target_semaphore(%run_scoped3A : memref<!tpu.dma_semaphore, #tpu.memory_space<semaphore_mem>>)
      %dma_wait3A_347 = arith.constant 0 : i32
      %dma_wait3A_348 = tpu.memref_slice %arg11[%dma_wait3A_347, %add3A_168] : memref<32x16384xf32, #tpu.memory_space<hbm>> -> memref<32x256xf32, #tpu.memory_space<hbm>>
      %dma_wait3A_349 = arith.constant 0 : i32
      %dma_wait3A_350 = tpu.memref_slice %arg11[%dma_wait3A_349, %add3A_168] : memref<32x16384xf32, #tpu.memory_space<hbm>> -> memref<32x256xf32, #tpu.memory_space<hbm>>
      tpu.wait_dma2 semaphore(%run_scoped3A : memref<!tpu.dma_semaphore, #tpu.memory_space<semaphore_mem>>) src(%arg33 : memref<32x256xf32, #tpu.memory_space<vmem>>) dst(%dma_wait3A_350 : memref<32x256xf32, #tpu.memory_space<hbm>>)
      tpu.yield
    }) : () -> ()
    %scan3A_169 = arith.constant 0 : i32
    %scan3A_170 = arith.constant 64 : i32
    %scan3A_171 = arith.addi %scan3A_169, %scan3A_170 : i32
    %scan3A_172 = arith.constant 1 : i32
    scf.for %scan3A_344 = %scan3A_169 to %scan3A_171 step %scan3A_172  : i32 {
      %mul3A_345 = arith.constant 1 : i32
      %mul3A_346 = arith.muli %scan3A_344, %mul3A_345 : i32
      %add3A_347 = arith.constant 0 : i32
      %add3A_348 = arith.addi %add3A_347, %mul3A_346 : i32
      %mul3A_349 = arith.constant 4 : i32
      %mul3A_350 = arith.muli %add3A_348, %mul3A_349 : i32
      %add3A_351 = arith.constant 256 : i32
      %add3A_352 = arith.addi %add3A_351, %mul3A_350 : i32
      %get3A_353 = arith.index_cast %add3A_352 : i32 to index
      %get3A_354 = tpu.vector_load %arg12[%get3A_353] {strides = array<i32>} : memref<528xi32, #tpu.memory_space<vmem>>, vector<16xi32>,
      %slice3A_355 = vector.extract_strided_slice %get3A_354 {offsets = [0], sizes = [1], strides = [1]} : vector<16xi32> to vector<1xi32>
      %squeeze3A_356 = vector.extract %slice3A_355[0] : i32 from vector<1xi32>
      %get3A_357 = arith.index_cast %add3A_352 : i32 to index
      %get3A_358 = tpu.vector_load %arg13[%get3A_357] {strides = array<i32>} : memref<528xi32, #tpu.memory_space<vmem>>, vector<16xi32>,
      %slice3A_359 = vector.extract_strided_slice %get3A_358 {offsets = [0], sizes = [1], strides = [1]} : vector<16xi32> to vector<1xi32>
      %squeeze3A_360 = vector.extract %slice3A_359[0] : i32 from vector<1xi32>
      %shift_right_arithmetic3A = arith.constant 7 : i32
      %shift_right_arithmetic3A_361 = arith.shrsi %squeeze3A_356, %shift_right_arithmetic3A : i32
      %shift_left3A = arith.constant 7 : i32
      %shift_left3A_362 = arith.shli %shift_right_arithmetic3A_361, %shift_left3A : i32
      %multiple_of3A = tpu.assume_multiple %shift_left3A_362, 128 : i32
      %shift_right_arithmetic3A_363 = arith.constant 7 : i32
      %shift_right_arithmetic3A_364 = arith.shrsi %squeeze3A_360, %shift_right_arithmetic3A_363 : i32
      %shift_left3A_365 = arith.constant 7 : i32
      %shift_left3A_366 = arith.shli %shift_right_arithmetic3A_364, %shift_left3A_365 : i32
      %multiple_of3A_367 = tpu.assume_multiple %shift_left3A_366, 128 : i32
      %dma_start3A = arith.constant 0 : i32
      %dma_start3A_368 = tpu.memref_slice %arg4[%dma_start3A, %multiple_of3A] : memref<32x1000000xf32, #tpu.memory_space<hbm>> -> memref<32x128xf32, #tpu.memory_space<hbm>>
      %dma_start3A_369 = arith.constant 0 : i32
      %dma_start3A_370 = tpu.memref_slice %arg4[%dma_start3A_369, %multiple_of3A] : memref<32x1000000xf32, #tpu.memory_space<hbm>> -> memref<32x128xf32, #tpu.memory_space<hbm>>
      tpu.enqueue_dma source(%dma_start3A_370 : memref<32x128xf32, #tpu.memory_space<hbm>>) target(%arg14 : memref<32x128xf32, #tpu.memory_space<vmem>>) target_semaphore(%arg34 : memref<!tpu.dma_semaphore, #tpu.memory_space<semaphore_mem>>)
      %dma_start3A_371 = arith.constant 0 : i32
      %dma_start3A_372 = tpu.memref_slice %arg6[%dma_start3A_371, %multiple_of3A] : memref<32x1000000xf32, #tpu.memory_space<hbm>> -> memref<32x128xf32, #tpu.memory_space<hbm>>
      %dma_start3A_373 = arith.constant 0 : i32
      %dma_start3A_374 = tpu.memref_slice %arg6[%dma_start3A_373, %multiple_of3A] : memref<32x1000000xf32, #tpu.memory_space<hbm>> -> memref<32x128xf32, #tpu.memory_space<hbm>>
      tpu.enqueue_dma source(%dma_start3A_374 : memref<32x128xf32, #tpu.memory_space<hbm>>) target(%arg15 : memref<32x128xf32, #tpu.memory_space<vmem>>) target_semaphore(%arg34 : memref<!tpu.dma_semaphore, #tpu.memory_space<semaphore_mem>>)
      %dma_start3A_375 = arith.constant 0 : i32
      %dma_start3A_376 = tpu.memref_slice %arg5[%dma_start3A_375, %multiple_of3A_367] : memref<32x1000000xf32, #tpu.memory_space<hbm>> -> memref<32x128xf32, #tpu.memory_space<hbm>>
      %dma_start3A_377 = arith.constant 0 : i32
      %dma_start3A_378 = tpu.memref_slice %arg5[%dma_start3A_377, %multiple_of3A_367] : memref<32x1000000xf32, #tpu.memory_space<hbm>> -> memref<32x128xf32, #tpu.memory_space<hbm>>
      tpu.enqueue_dma source(%dma_start3A_378 : memref<32x128xf32, #tpu.memory_space<hbm>>) target(%arg16 : memref<32x128xf32, #tpu.memory_space<vmem>>) target_semaphore(%arg34 : memref<!tpu.dma_semaphore, #tpu.memory_space<semaphore_mem>>)
      %dma_start3A_379 = arith.constant 0 : i32
      %dma_start3A_380 = tpu.memref_slice %arg7[%dma_start3A_379, %multiple_of3A_367] : memref<32x1000000xf32, #tpu.memory_space<hbm>> -> memref<32x128xf32, #tpu.memory_space<hbm>>
      %dma_start3A_381 = arith.constant 0 : i32
      %dma_start3A_382 = tpu.memref_slice %arg7[%dma_start3A_381, %multiple_of3A_367] : memref<32x1000000xf32, #tpu.memory_space<hbm>> -> memref<32x128xf32, #tpu.memory_space<hbm>>
      tpu.enqueue_dma source(%dma_start3A_382 : memref<32x128xf32, #tpu.memory_space<hbm>>) target(%arg17 : memref<32x128xf32, #tpu.memory_space<vmem>>) target_semaphore(%arg34 : memref<!tpu.dma_semaphore, #tpu.memory_space<semaphore_mem>>)
      %gt3A = arith.constant 0 : i32
      %gt3A_383 = arith.cmpi sgt, %add3A_348, %gt3A : i32
      %convert_element_type3A = arith.extui %gt3A_383 : i1 to i32
      %cond3A = arith.constant 0 : i32
      %cond3A_384 = arith.cmpi ne, %convert_element_type3A, %cond3A : i32
      scf.if %cond3A_384 {
        %sub3A_663 = arith.constant 2 : i32
        %sub3A_664 = arith.subi %add3A_352, %sub3A_663 : i32
        %dma_wait3A_665 = arith.constant 0 : i32
        %dma_wait3A_666 = arith.constant 0 : i32
        %dma_wait3A_667 = tpu.memref_slice %arg4[%dma_wait3A_665, %dma_wait3A_666] : memref<32x1000000xf32, #tpu.memory_space<hbm>> -> memref<32x128xf32, #tpu.memory_space<hbm>>
        %dma_wait3A_668 = arith.constant 0 : i32
        %dma_wait3A_669 = arith.constant 0 : i32
        %dma_wait3A_670 = tpu.memref_slice %arg4[%dma_wait3A_668, %dma_wait3A_669] : memref<32x1000000xf32, #tpu.memory_space<hbm>> -> memref<32x128xf32, #tpu.memory_space<hbm>>
        tpu.wait_dma2 semaphore(%arg36 : memref<!tpu.dma_semaphore, #tpu.memory_space<semaphore_mem>>) src(%dma_wait3A_670 : memref<32x128xf32, #tpu.memory_space<hbm>>) dst(%arg22 : memref<32x128xf32, #tpu.memory_space<vmem>>)
        %dma_wait3A_671 = arith.constant 0 : i32
        %dma_wait3A_672 = arith.constant 0 : i32
        %dma_wait3A_673 = tpu.memref_slice %arg4[%dma_wait3A_671, %dma_wait3A_672] : memref<32x1000000xf32, #tpu.memory_space<hbm>> -> memref<32x128xf32, #tpu.memory_space<hbm>>
        %dma_wait3A_674 = arith.constant 0 : i32
        %dma_wait3A_675 = arith.constant 0 : i32
        %dma_wait3A_676 = tpu.memref_slice %arg4[%dma_wait3A_674, %dma_wait3A_675] : memref<32x1000000xf32, #tpu.memory_space<hbm>> -> memref<32x128xf32, #tpu.memory_space<hbm>>
        tpu.wait_dma2 semaphore(%arg36 : memref<!tpu.dma_semaphore, #tpu.memory_space<semaphore_mem>>) src(%dma_wait3A_676 : memref<32x128xf32, #tpu.memory_space<hbm>>) dst(%arg23 : memref<32x128xf32, #tpu.memory_space<vmem>>)
        %dma_wait3A_677 = arith.constant 0 : i32
        %dma_wait3A_678 = arith.constant 0 : i32
        %dma_wait3A_679 = tpu.memref_slice %arg4[%dma_wait3A_677, %dma_wait3A_678] : memref<32x1000000xf32, #tpu.memory_space<hbm>> -> memref<32x128xf32, #tpu.memory_space<hbm>>
        %dma_wait3A_680 = arith.constant 0 : i32
        %dma_wait3A_681 = arith.constant 0 : i32
        %dma_wait3A_682 = tpu.memref_slice %arg4[%dma_wait3A_680, %dma_wait3A_681] : memref<32x1000000xf32, #tpu.memory_space<hbm>> -> memref<32x128xf32, #tpu.memory_space<hbm>>
        tpu.wait_dma2 semaphore(%arg36 : memref<!tpu.dma_semaphore, #tpu.memory_space<semaphore_mem>>) src(%dma_wait3A_682 : memref<32x128xf32, #tpu.memory_space<hbm>>) dst(%arg24 : memref<32x128xf32, #tpu.memory_space<vmem>>)
        %dma_wait3A_683 = arith.constant 0 : i32
        %dma_wait3A_684 = arith.constant 0 : i32
        %dma_wait3A_685 = tpu.memref_slice %arg4[%dma_wait3A_683, %dma_wait3A_684] : memref<32x1000000xf32, #tpu.memory_space<hbm>> -> memref<32x128xf32, #tpu.memory_space<hbm>>
        %dma_wait3A_686 = arith.constant 0 : i32
        %dma_wait3A_687 = arith.constant 0 : i32
        %dma_wait3A_688 = tpu.memref_slice %arg4[%dma_wait3A_686, %dma_wait3A_687] : memref<32x1000000xf32, #tpu.memory_space<hbm>> -> memref<32x128xf32, #tpu.memory_space<hbm>>
        tpu.wait_dma2 semaphore(%arg36 : memref<!tpu.dma_semaphore, #tpu.memory_space<semaphore_mem>>) src(%dma_wait3A_688 : memref<32x128xf32, #tpu.memory_space<hbm>>) dst(%arg25 : memref<32x128xf32, #tpu.memory_space<vmem>>)
        %get3A_689 = arith.index_cast %sub3A_664 : i32 to index
        %get3A_690 = tpu.vector_load %arg12[%get3A_689] {strides = array<i32>} : memref<528xi32, #tpu.memory_space<vmem>>, vector<16xi32>,
        %slice3A_691 = vector.extract_strided_slice %get3A_690 {offsets = [0], sizes = [1], strides = [1]} : vector<16xi32> to vector<1xi32>
        %squeeze3A_692 = vector.extract %slice3A_691[0] : i32 from vector<1xi32>
        %and3A_693 = arith.constant 127 : i32
        %and3A_694 = arith.andi %squeeze3A_692, %and3A_693 : i32
        %get3A_695 = arith.index_cast %sub3A_664 : i32 to index
        %get3A_696 = tpu.vector_load %arg13[%get3A_695] {strides = array<i32>} : memref<528xi32, #tpu.memory_space<vmem>>, vector<16xi32>,
        %slice3A_697 = vector.extract_strided_slice %get3A_696 {offsets = [0], sizes = [1], strides = [1]} : vector<16xi32> to vector<1xi32>
        %squeeze3A_698 = vector.extract %slice3A_697[0] : i32 from vector<1xi32>
        %and3A_699 = arith.constant 127 : i32
        %and3A_700 = arith.andi %squeeze3A_698, %and3A_699 : i32
        %sub3A_701 = arith.constant 256 : i32
        %sub3A_702 = arith.subi %sub3A_664, %sub3A_701 : i32
        %iota3A_703 = tpu.iota {dimensions = array<i32: 0>} : vector<16xi32>
        %broadcast_in_dim3A_704 = vector.broadcast %and3A_694 : i32 to vector<16xi32>
        %broadcast_in_dim3A_705 = vector.broadcast %sub3A_702 : i32 to vector<16xi32>
        %gather3A_706 = tpu.vector_load_idx %arg22[%iota3A_703, %broadcast_in_dim3A_704] : memref<32x128xf32, #tpu.memory_space<vmem>>[vector<16xi32>, vector<16xi32>], vector<16xf32>,
        %add3A_707 = arith.constant 16 : i32
        %add3A_708 = vector.broadcast %add3A_707 : i32 to vector<16xi32>
        %add3A_709 = arith.addi %iota3A_703, %add3A_708 : vector<16xi32>
        %gather3A_710 = tpu.vector_load_idx %arg22[%add3A_709, %broadcast_in_dim3A_704] : memref<32x128xf32, #tpu.memory_space<vmem>>[vector<16xi32>, vector<16xi32>], vector<16xf32>,
        tpu.vector_store_idx %arg30[%iota3A_703, %broadcast_in_dim3A_705], %gather3A_706 : memref<32x256xf32, #tpu.memory_space<vmem>>[vector<16xi32>, vector<16xi32>], vector<16xf32>,
        %add3A_711 = arith.constant 16 : i32
        %add3A_712 = vector.broadcast %add3A_711 : i32 to vector<16xi32>
        %add3A_713 = arith.addi %iota3A_703, %add3A_712 : vector<16xi32>
        tpu.vector_store_idx %arg30[%add3A_713, %broadcast_in_dim3A_705], %gather3A_710 : memref<32x256xf32, #tpu.memory_space<vmem>>[vector<16xi32>, vector<16xi32>], vector<16xf32>,
        %iota3A_714 = tpu.iota {dimensions = array<i32: 0>} : vector<16xi32>
        %broadcast_in_dim3A_715 = vector.broadcast %and3A_694 : i32 to vector<16xi32>
        %broadcast_in_dim3A_716 = vector.broadcast %sub3A_702 : i32 to vector<16xi32>
        %gather3A_717 = tpu.vector_load_idx %arg23[%iota3A_714, %broadcast_in_dim3A_715] : memref<32x128xf32, #tpu.memory_space<vmem>>[vector<16xi32>, vector<16xi32>], vector<16xf32>,
        %add3A_718 = arith.constant 16 : i32
        %add3A_719 = vector.broadcast %add3A_718 : i32 to vector<16xi32>
        %add3A_720 = arith.addi %iota3A_714, %add3A_719 : vector<16xi32>
        %gather3A_721 = tpu.vector_load_idx %arg23[%add3A_720, %broadcast_in_dim3A_715] : memref<32x128xf32, #tpu.memory_space<vmem>>[vector<16xi32>, vector<16xi32>], vector<16xf32>,
        tpu.vector_store_idx %arg32[%iota3A_714, %broadcast_in_dim3A_716], %gather3A_717 : memref<32x256xf32, #tpu.memory_space<vmem>>[vector<16xi32>, vector<16xi32>], vector<16xf32>,
        %add3A_722 = arith.constant 16 : i32
        %add3A_723 = vector.broadcast %add3A_722 : i32 to vector<16xi32>
        %add3A_724 = arith.addi %iota3A_714, %add3A_723 : vector<16xi32>
        tpu.vector_store_idx %arg32[%add3A_724, %broadcast_in_dim3A_716], %gather3A_721 : memref<32x256xf32, #tpu.memory_space<vmem>>[vector<16xi32>, vector<16xi32>], vector<16xf32>,
        %iota3A_725 = tpu.iota {dimensions = array<i32: 0>} : vector<16xi32>
        %broadcast_in_dim3A_726 = vector.broadcast %and3A_700 : i32 to vector<16xi32>
        %broadcast_in_dim3A_727 = vector.broadcast %sub3A_702 : i32 to vector<16xi32>
        %gather3A_728 = tpu.vector_load_idx %arg24[%iota3A_725, %broadcast_in_dim3A_726] : memref<32x128xf32, #tpu.memory_space<vmem>>[vector<16xi32>, vector<16xi32>], vector<16xf32>,
        %add3A_729 = arith.constant 16 : i32
        %add3A_730 = vector.broadcast %add3A_729 : i32 to vector<16xi32>
        %add3A_731 = arith.addi %iota3A_725, %add3A_730 : vector<16xi32>
        %gather3A_732 = tpu.vector_load_idx %arg24[%add3A_731, %broadcast_in_dim3A_726] : memref<32x128xf32, #tpu.memory_space<vmem>>[vector<16xi32>, vector<16xi32>], vector<16xf32>,
        tpu.vector_store_idx %arg31[%iota3A_725, %broadcast_in_dim3A_727], %gather3A_728 : memref<32x256xf32, #tpu.memory_space<vmem>>[vector<16xi32>, vector<16xi32>], vector<16xf32>,
        %add3A_733 = arith.constant 16 : i32
        %add3A_734 = vector.broadcast %add3A_733 : i32 to vector<16xi32>
        %add3A_735 = arith.addi %iota3A_725, %add3A_734 : vector<16xi32>
        tpu.vector_store_idx %arg31[%add3A_735, %broadcast_in_dim3A_727], %gather3A_732 : memref<32x256xf32, #tpu.memory_space<vmem>>[vector<16xi32>, vector<16xi32>], vector<16xf32>,
        %iota3A_736 = tpu.iota {dimensions = array<i32: 0>} : vector<16xi32>
        %broadcast_in_dim3A_737 = vector.broadcast %and3A_700 : i32 to vector<16xi32>
        %broadcast_in_dim3A_738 = vector.broadcast %sub3A_702 : i32 to vector<16xi32>
        %gather3A_739 = tpu.vector_load_idx %arg25[%iota3A_736, %broadcast_in_dim3A_737] : memref<32x128xf32, #tpu.memory_space<vmem>>[vector<16xi32>, vector<16xi32>], vector<16xf32>,
        %add3A_740 = arith.constant 16 : i32
        %add3A_741 = vector.broadcast %add3A_740 : i32 to vector<16xi32>
        %add3A_742 = arith.addi %iota3A_736, %add3A_741 : vector<16xi32>
        %gather3A_743 = tpu.vector_load_idx %arg25[%add3A_742, %broadcast_in_dim3A_737] : memref<32x128xf32, #tpu.memory_space<vmem>>[vector<16xi32>, vector<16xi32>], vector<16xf32>,
        tpu.vector_store_idx %arg33[%iota3A_736, %broadcast_in_dim3A_738], %gather3A_739 : memref<32x256xf32, #tpu.memory_space<vmem>>[vector<16xi32>, vector<16xi32>], vector<16xf32>,
        %add3A_744 = arith.constant 16 : i32
        %add3A_745 = vector.broadcast %add3A_744 : i32 to vector<16xi32>
        %add3A_746 = arith.addi %iota3A_736, %add3A_745 : vector<16xi32>
        tpu.vector_store_idx %arg33[%add3A_746, %broadcast_in_dim3A_738], %gather3A_743 : memref<32x256xf32, #tpu.memory_space<vmem>>[vector<16xi32>, vector<16xi32>], vector<16xf32>,
      } else {
      }
      %add3A_385 = arith.constant 1 : i32
      %add3A_386 = arith.addi %add3A_352, %add3A_385 : i32
      %get3A_387 = arith.index_cast %add3A_386 : i32 to index
      %get3A_388 = tpu.vector_load %arg12[%get3A_387] {strides = array<i32>} : memref<528xi32, #tpu.memory_space<vmem>>, vector<16xi32>,
      %slice3A_389 = vector.extract_strided_slice %get3A_388 {offsets = [0], sizes = [1], strides = [1]} : vector<16xi32> to vector<1xi32>
      %squeeze3A_390 = vector.extract %slice3A_389[0] : i32 from vector<1xi32>
      %get3A_391 = arith.index_cast %add3A_386 : i32 to index
      %get3A_392 = tpu.vector_load %arg13[%get3A_391] {strides = array<i32>} : memref<528xi32, #tpu.memory_space<vmem>>, vector<16xi32>,
      %slice3A_393 = vector.extract_strided_slice %get3A_392 {offsets = [0], sizes = [1], strides = [1]} : vector<16xi32> to vector<1xi32>
      %squeeze3A_394 = vector.extract %slice3A_393[0] : i32 from vector<1xi32>
      %shift_right_arithmetic3A_395 = arith.constant 7 : i32
      %shift_right_arithmetic3A_396 = arith.shrsi %squeeze3A_390, %shift_right_arithmetic3A_395 : i32
      %shift_left3A_397 = arith.constant 7 : i32
      %shift_left3A_398 = arith.shli %shift_right_arithmetic3A_396, %shift_left3A_397 : i32
      %multiple_of3A_399 = tpu.assume_multiple %shift_left3A_398, 128 : i32
      %shift_right_arithmetic3A_400 = arith.constant 7 : i32
      %shift_right_arithmetic3A_401 = arith.shrsi %squeeze3A_394, %shift_right_arithmetic3A_400 : i32
      %shift_left3A_402 = arith.constant 7 : i32
      %shift_left3A_403 = arith.shli %shift_right_arithmetic3A_401, %shift_left3A_402 : i32
      %multiple_of3A_404 = tpu.assume_multiple %shift_left3A_403, 128 : i32
      %dma_start3A_405 = arith.constant 0 : i32
      %dma_start3A_406 = tpu.memref_slice %arg4[%dma_start3A_405, %multiple_of3A_399] : memref<32x1000000xf32, #tpu.memory_space<hbm>> -> memref<32x128xf32, #tpu.memory_space<hbm>>
      %dma_start3A_407 = arith.constant 0 : i32
      %dma_start3A_408 = tpu.memref_slice %arg4[%dma_start3A_407, %multiple_of3A_399] : memref<32x1000000xf32, #tpu.memory_space<hbm>> -> memref<32x128xf32, #tpu.memory_space<hbm>>
      tpu.enqueue_dma source(%dma_start3A_408 : memref<32x128xf32, #tpu.memory_space<hbm>>) target(%arg18 : memref<32x128xf32, #tpu.memory_space<vmem>>) target_semaphore(%arg35 : memref<!tpu.dma_semaphore, #tpu.memory_space<semaphore_mem>>)
      %dma_start3A_409 = arith.constant 0 : i32
      %dma_start3A_410 = tpu.memref_slice %arg6[%dma_start3A_409, %multiple_of3A_399] : memref<32x1000000xf32, #tpu.memory_space<hbm>> -> memref<32x128xf32, #tpu.memory_space<hbm>>
      %dma_start3A_411 = arith.constant 0 : i32
      %dma_start3A_412 = tpu.memref_slice %arg6[%dma_start3A_411, %multiple_of3A_399] : memref<32x1000000xf32, #tpu.memory_space<hbm>> -> memref<32x128xf32, #tpu.memory_space<hbm>>
      tpu.enqueue_dma source(%dma_start3A_412 : memref<32x128xf32, #tpu.memory_space<hbm>>) target(%arg19 : memref<32x128xf32, #tpu.memory_space<vmem>>) target_semaphore(%arg35 : memref<!tpu.dma_semaphore, #tpu.memory_space<semaphore_mem>>)
      %dma_start3A_413 = arith.constant 0 : i32
      %dma_start3A_414 = tpu.memref_slice %arg5[%dma_start3A_413, %multiple_of3A_404] : memref<32x1000000xf32, #tpu.memory_space<hbm>> -> memref<32x128xf32, #tpu.memory_space<hbm>>
      %dma_start3A_415 = arith.constant 0 : i32
      %dma_start3A_416 = tpu.memref_slice %arg5[%dma_start3A_415, %multiple_of3A_404] : memref<32x1000000xf32, #tpu.memory_space<hbm>> -> memref<32x128xf32, #tpu.memory_space<hbm>>
      tpu.enqueue_dma source(%dma_start3A_416 : memref<32x128xf32, #tpu.memory_space<hbm>>) target(%arg20 : memref<32x128xf32, #tpu.memory_space<vmem>>) target_semaphore(%arg35 : memref<!tpu.dma_semaphore, #tpu.memory_space<semaphore_mem>>)
      %dma_start3A_417 = arith.constant 0 : i32
      %dma_start3A_418 = tpu.memref_slice %arg7[%dma_start3A_417, %multiple_of3A_404] : memref<32x1000000xf32, #tpu.memory_space<hbm>> -> memref<32x128xf32, #tpu.memory_space<hbm>>
      %dma_start3A_419 = arith.constant 0 : i32
      %dma_start3A_420 = tpu.memref_slice %arg7[%dma_start3A_419, %multiple_of3A_404] : memref<32x1000000xf32, #tpu.memory_space<hbm>> -> memref<32x128xf32, #tpu.memory_space<hbm>>
      tpu.enqueue_dma source(%dma_start3A_420 : memref<32x128xf32, #tpu.memory_space<hbm>>) target(%arg21 : memref<32x128xf32, #tpu.memory_space<vmem>>) target_semaphore(%arg35 : memref<!tpu.dma_semaphore, #tpu.memory_space<semaphore_mem>>)
      %gt3A_421 = arith.constant 0 : i32
      %gt3A_422 = arith.cmpi sgt, %add3A_348, %gt3A_421 : i32
      %convert_element_type3A_423 = arith.extui %gt3A_422 : i1 to i32
      %cond3A_424 = arith.constant 0 : i32
      %cond3A_425 = arith.cmpi ne, %convert_element_type3A_423, %cond3A_424 : i32
      scf.if %cond3A_425 {
        %sub3A_663 = arith.constant 1 : i32
        %sub3A_664 = arith.subi %add3A_352, %sub3A_663 : i32
        %dma_wait3A_665 = arith.constant 0 : i32
        %dma_wait3A_666 = arith.constant 0 : i32
        %dma_wait3A_667 = tpu.memref_slice %arg4[%dma_wait3A_665, %dma_wait3A_666] : memref<32x1000000xf32, #tpu.memory_space<hbm>> -> memref<32x128xf32, #tpu.memory_space<hbm>>
        %dma_wait3A_668 = arith.constant 0 : i32
        %dma_wait3A_669 = arith.constant 0 : i32
        %dma_wait3A_670 = tpu.memref_slice %arg4[%dma_wait3A_668, %dma_wait3A_669] : memref<32x1000000xf32, #tpu.memory_space<hbm>> -> memref<32x128xf32, #tpu.memory_space<hbm>>
        tpu.wait_dma2 semaphore(%arg37 : memref<!tpu.dma_semaphore, #tpu.memory_space<semaphore_mem>>) src(%dma_wait3A_670 : memref<32x128xf32, #tpu.memory_space<hbm>>) dst(%arg26 : memref<32x128xf32, #tpu.memory_space<vmem>>)
        %dma_wait3A_671 = arith.constant 0 : i32
        %dma_wait3A_672 = arith.constant 0 : i32
        %dma_wait3A_673 = tpu.memref_slice %arg4[%dma_wait3A_671, %dma_wait3A_672] : memref<32x1000000xf32, #tpu.memory_space<hbm>> -> memref<32x128xf32, #tpu.memory_space<hbm>>
        %dma_wait3A_674 = arith.constant 0 : i32
        %dma_wait3A_675 = arith.constant 0 : i32
        %dma_wait3A_676 = tpu.memref_slice %arg4[%dma_wait3A_674, %dma_wait3A_675] : memref<32x1000000xf32, #tpu.memory_space<hbm>> -> memref<32x128xf32, #tpu.memory_space<hbm>>
        tpu.wait_dma2 semaphore(%arg37 : memref<!tpu.dma_semaphore, #tpu.memory_space<semaphore_mem>>) src(%dma_wait3A_676 : memref<32x128xf32, #tpu.memory_space<hbm>>) dst(%arg27 : memref<32x128xf32, #tpu.memory_space<vmem>>)
        %dma_wait3A_677 = arith.constant 0 : i32
        %dma_wait3A_678 = arith.constant 0 : i32
        %dma_wait3A_679 = tpu.memref_slice %arg4[%dma_wait3A_677, %dma_wait3A_678] : memref<32x1000000xf32, #tpu.memory_space<hbm>> -> memref<32x128xf32, #tpu.memory_space<hbm>>
        %dma_wait3A_680 = arith.constant 0 : i32
        %dma_wait3A_681 = arith.constant 0 : i32
        %dma_wait3A_682 = tpu.memref_slice %arg4[%dma_wait3A_680, %dma_wait3A_681] : memref<32x1000000xf32, #tpu.memory_space<hbm>> -> memref<32x128xf32, #tpu.memory_space<hbm>>
        tpu.wait_dma2 semaphore(%arg37 : memref<!tpu.dma_semaphore, #tpu.memory_space<semaphore_mem>>) src(%dma_wait3A_682 : memref<32x128xf32, #tpu.memory_space<hbm>>) dst(%arg28 : memref<32x128xf32, #tpu.memory_space<vmem>>)
        %dma_wait3A_683 = arith.constant 0 : i32
        %dma_wait3A_684 = arith.constant 0 : i32
        %dma_wait3A_685 = tpu.memref_slice %arg4[%dma_wait3A_683, %dma_wait3A_684] : memref<32x1000000xf32, #tpu.memory_space<hbm>> -> memref<32x128xf32, #tpu.memory_space<hbm>>
        %dma_wait3A_686 = arith.constant 0 : i32
        %dma_wait3A_687 = arith.constant 0 : i32
        %dma_wait3A_688 = tpu.memref_slice %arg4[%dma_wait3A_686, %dma_wait3A_687] : memref<32x1000000xf32, #tpu.memory_space<hbm>> -> memref<32x128xf32, #tpu.memory_space<hbm>>
        tpu.wait_dma2 semaphore(%arg37 : memref<!tpu.dma_semaphore, #tpu.memory_space<semaphore_mem>>) src(%dma_wait3A_688 : memref<32x128xf32, #tpu.memory_space<hbm>>) dst(%arg29 : memref<32x128xf32, #tpu.memory_space<vmem>>)
        %get3A_689 = arith.index_cast %sub3A_664 : i32 to index
        %get3A_690 = tpu.vector_load %arg12[%get3A_689] {strides = array<i32>} : memref<528xi32, #tpu.memory_space<vmem>>, vector<16xi32>,
        %slice3A_691 = vector.extract_strided_slice %get3A_690 {offsets = [0], sizes = [1], strides = [1]} : vector<16xi32> to vector<1xi32>
        %squeeze3A_692 = vector.extract %slice3A_691[0] : i32 from vector<1xi32>
        %and3A_693 = arith.constant 127 : i32
        %and3A_694 = arith.andi %squeeze3A_692, %and3A_693 : i32
        %get3A_695 = arith.index_cast %sub3A_664 : i32 to index
        %get3A_696 = tpu.vector_load %arg13[%get3A_695] {strides = array<i32>} : memref<528xi32, #tpu.memory_space<vmem>>, vector<16xi32>,
        %slice3A_697 = vector.extract_strided_slice %get3A_696 {offsets = [0], sizes = [1], strides = [1]} : vector<16xi32> to vector<1xi32>
        %squeeze3A_698 = vector.extract %slice3A_697[0] : i32 from vector<1xi32>
        %and3A_699 = arith.constant 127 : i32
        %and3A_700 = arith.andi %squeeze3A_698, %and3A_699 : i32
        %sub3A_701 = arith.constant 256 : i32
        %sub3A_702 = arith.subi %sub3A_664, %sub3A_701 : i32
        %iota3A_703 = tpu.iota {dimensions = array<i32: 0>} : vector<16xi32>
        %broadcast_in_dim3A_704 = vector.broadcast %and3A_694 : i32 to vector<16xi32>
        %broadcast_in_dim3A_705 = vector.broadcast %sub3A_702 : i32 to vector<16xi32>
        %gather3A_706 = tpu.vector_load_idx %arg26[%iota3A_703, %broadcast_in_dim3A_704] : memref<32x128xf32, #tpu.memory_space<vmem>>[vector<16xi32>, vector<16xi32>], vector<16xf32>,
        %add3A_707 = arith.constant 16 : i32
        %add3A_708 = vector.broadcast %add3A_707 : i32 to vector<16xi32>
        %add3A_709 = arith.addi %iota3A_703, %add3A_708 : vector<16xi32>
        %gather3A_710 = tpu.vector_load_idx %arg26[%add3A_709, %broadcast_in_dim3A_704] : memref<32x128xf32, #tpu.memory_space<vmem>>[vector<16xi32>, vector<16xi32>], vector<16xf32>,
        tpu.vector_store_idx %arg30[%iota3A_703, %broadcast_in_dim3A_705], %gather3A_706 : memref<32x256xf32, #tpu.memory_space<vmem>>[vector<16xi32>, vector<16xi32>], vector<16xf32>,
        %add3A_711 = arith.constant 16 : i32
        %add3A_712 = vector.broadcast %add3A_711 : i32 to vector<16xi32>
        %add3A_713 = arith.addi %iota3A_703, %add3A_712 : vector<16xi32>
        tpu.vector_store_idx %arg30[%add3A_713, %broadcast_in_dim3A_705], %gather3A_710 : memref<32x256xf32, #tpu.memory_space<vmem>>[vector<16xi32>, vector<16xi32>], vector<16xf32>,
        %iota3A_714 = tpu.iota {dimensions = array<i32: 0>} : vector<16xi32>
        %broadcast_in_dim3A_715 = vector.broadcast %and3A_694 : i32 to vector<16xi32>
        %broadcast_in_dim3A_716 = vector.broadcast %sub3A_702 : i32 to vector<16xi32>
        %gather3A_717 = tpu.vector_load_idx %arg27[%iota3A_714, %broadcast_in_dim3A_715] : memref<32x128xf32, #tpu.memory_space<vmem>>[vector<16xi32>, vector<16xi32>], vector<16xf32>,
        %add3A_718 = arith.constant 16 : i32
        %add3A_719 = vector.broadcast %add3A_718 : i32 to vector<16xi32>
        %add3A_720 = arith.addi %iota3A_714, %add3A_719 : vector<16xi32>
        %gather3A_721 = tpu.vector_load_idx %arg27[%add3A_720, %broadcast_in_dim3A_715] : memref<32x128xf32, #tpu.memory_space<vmem>>[vector<16xi32>, vector<16xi32>], vector<16xf32>,
        tpu.vector_store_idx %arg32[%iota3A_714, %broadcast_in_dim3A_716], %gather3A_717 : memref<32x256xf32, #tpu.memory_space<vmem>>[vector<16xi32>, vector<16xi32>], vector<16xf32>,
        %add3A_722 = arith.constant 16 : i32
        %add3A_723 = vector.broadcast %add3A_722 : i32 to vector<16xi32>
        %add3A_724 = arith.addi %iota3A_714, %add3A_723 : vector<16xi32>
        tpu.vector_store_idx %arg32[%add3A_724, %broadcast_in_dim3A_716], %gather3A_721 : memref<32x256xf32, #tpu.memory_space<vmem>>[vector<16xi32>, vector<16xi32>], vector<16xf32>,
        %iota3A_725 = tpu.iota {dimensions = array<i32: 0>} : vector<16xi32>
        %broadcast_in_dim3A_726 = vector.broadcast %and3A_700 : i32 to vector<16xi32>
        %broadcast_in_dim3A_727 = vector.broadcast %sub3A_702 : i32 to vector<16xi32>
        %gather3A_728 = tpu.vector_load_idx %arg28[%iota3A_725, %broadcast_in_dim3A_726] : memref<32x128xf32, #tpu.memory_space<vmem>>[vector<16xi32>, vector<16xi32>], vector<16xf32>,
        %add3A_729 = arith.constant 16 : i32
        %add3A_730 = vector.broadcast %add3A_729 : i32 to vector<16xi32>
        %add3A_731 = arith.addi %iota3A_725, %add3A_730 : vector<16xi32>
        %gather3A_732 = tpu.vector_load_idx %arg28[%add3A_731, %broadcast_in_dim3A_726] : memref<32x128xf32, #tpu.memory_space<vmem>>[vector<16xi32>, vector<16xi32>], vector<16xf32>,
        tpu.vector_store_idx %arg31[%iota3A_725, %broadcast_in_dim3A_727], %gather3A_728 : memref<32x256xf32, #tpu.memory_space<vmem>>[vector<16xi32>, vector<16xi32>], vector<16xf32>,
        %add3A_733 = arith.constant 16 : i32
        %add3A_734 = vector.broadcast %add3A_733 : i32 to vector<16xi32>
        %add3A_735 = arith.addi %iota3A_725, %add3A_734 : vector<16xi32>
        tpu.vector_store_idx %arg31[%add3A_735, %broadcast_in_dim3A_727], %gather3A_732 : memref<32x256xf32, #tpu.memory_space<vmem>>[vector<16xi32>, vector<16xi32>], vector<16xf32>,
        %iota3A_736 = tpu.iota {dimensions = array<i32: 0>} : vector<16xi32>
        %broadcast_in_dim3A_737 = vector.broadcast %and3A_700 : i32 to vector<16xi32>
        %broadcast_in_dim3A_738 = vector.broadcast %sub3A_702 : i32 to vector<16xi32>
        %gather3A_739 = tpu.vector_load_idx %arg29[%iota3A_736, %broadcast_in_dim3A_737] : memref<32x128xf32, #tpu.memory_space<vmem>>[vector<16xi32>, vector<16xi32>], vector<16xf32>,
        %add3A_740 = arith.constant 16 : i32
        %add3A_741 = vector.broadcast %add3A_740 : i32 to vector<16xi32>
        %add3A_742 = arith.addi %iota3A_736, %add3A_741 : vector<16xi32>
        %gather3A_743 = tpu.vector_load_idx %arg29[%add3A_742, %broadcast_in_dim3A_737] : memref<32x128xf32, #tpu.memory_space<vmem>>[vector<16xi32>, vector<16xi32>], vector<16xf32>,
        tpu.vector_store_idx %arg33[%iota3A_736, %broadcast_in_dim3A_738], %gather3A_739 : memref<32x256xf32, #tpu.memory_space<vmem>>[vector<16xi32>, vector<16xi32>], vector<16xf32>,
        %add3A_744 = arith.constant 16 : i32
        %add3A_745 = vector.broadcast %add3A_744 : i32 to vector<16xi32>
        %add3A_746 = arith.addi %iota3A_736, %add3A_745 : vector<16xi32>
        tpu.vector_store_idx %arg33[%add3A_746, %broadcast_in_dim3A_738], %gather3A_743 : memref<32x256xf32, #tpu.memory_space<vmem>>[vector<16xi32>, vector<16xi32>], vector<16xf32>,
      } else {
      }
      %add3A_426 = arith.constant 2 : i32
      %add3A_427 = arith.addi %add3A_352, %add3A_426 : i32
      %get3A_428 = arith.index_cast %add3A_427 : i32 to index
      %get3A_429 = tpu.vector_load %arg12[%get3A_428] {strides = array<i32>} : memref<528xi32, #tpu.memory_space<vmem>>, vector<16xi32>,
      %slice3A_430 = vector.extract_strided_slice %get3A_429 {offsets = [0], sizes = [1], strides = [1]} : vector<16xi32> to vector<1xi32>
      %squeeze3A_431 = vector.extract %slice3A_430[0] : i32 from vector<1xi32>
      %get3A_432 = arith.index_cast %add3A_427 : i32 to index
      %get3A_433 = tpu.vector_load %arg13[%get3A_432] {strides = array<i32>} : memref<528xi32, #tpu.memory_space<vmem>>, vector<16xi32>,
      %slice3A_434 = vector.extract_strided_slice %get3A_433 {offsets = [0], sizes = [1], strides = [1]} : vector<16xi32> to vector<1xi32>
      %squeeze3A_435 = vector.extract %slice3A_434[0] : i32 from vector<1xi32>
      %shift_right_arithmetic3A_436 = arith.constant 7 : i32
      %shift_right_arithmetic3A_437 = arith.shrsi %squeeze3A_431, %shift_right_arithmetic3A_436 : i32
      %shift_left3A_438 = arith.constant 7 : i32
      %shift_left3A_439 = arith.shli %shift_right_arithmetic3A_437, %shift_left3A_438 : i32
      %multiple_of3A_440 = tpu.assume_multiple %shift_left3A_439, 128 : i32
      %shift_right_arithmetic3A_441 = arith.constant 7 : i32
      %shift_right_arithmetic3A_442 = arith.shrsi %squeeze3A_435, %shift_right_arithmetic3A_441 : i32
      %shift_left3A_443 = arith.constant 7 : i32
      %shift_left3A_444 = arith.shli %shift_right_arithmetic3A_442, %shift_left3A_443 : i32
      %multiple_of3A_445 = tpu.assume_multiple %shift_left3A_444, 128 : i32
      %dma_start3A_446 = arith.constant 0 : i32
      %dma_start3A_447 = tpu.memref_slice %arg4[%dma_start3A_446, %multiple_of3A_440] : memref<32x1000000xf32, #tpu.memory_space<hbm>> -> memref<32x128xf32, #tpu.memory_space<hbm>>
      %dma_start3A_448 = arith.constant 0 : i32
      %dma_start3A_449 = tpu.memref_slice %arg4[%dma_start3A_448, %multiple_of3A_440] : memref<32x1000000xf32, #tpu.memory_space<hbm>> -> memref<32x128xf32, #tpu.memory_space<hbm>>
      tpu.enqueue_dma source(%dma_start3A_449 : memref<32x128xf32, #tpu.memory_space<hbm>>) target(%arg22 : memref<32x128xf32, #tpu.memory_space<vmem>>) target_semaphore(%arg36 : memref<!tpu.dma_semaphore, #tpu.memory_space<semaphore_mem>>)
      %dma_start3A_450 = arith.constant 0 : i32
      %dma_start3A_451 = tpu.memref_slice %arg6[%dma_start3A_450, %multiple_of3A_440] : memref<32x1000000xf32, #tpu.memory_space<hbm>> -> memref<32x128xf32, #tpu.memory_space<hbm>>
      %dma_start3A_452 = arith.constant 0 : i32
      %dma_start3A_453 = tpu.memref_slice %arg6[%dma_start3A_452, %multiple_of3A_440] : memref<32x1000000xf32, #tpu.memory_space<hbm>> -> memref<32x128xf32, #tpu.memory_space<hbm>>
      tpu.enqueue_dma source(%dma_start3A_453 : memref<32x128xf32, #tpu.memory_space<hbm>>) target(%arg23 : memref<32x128xf32, #tpu.memory_space<vmem>>) target_semaphore(%arg36 : memref<!tpu.dma_semaphore, #tpu.memory_space<semaphore_mem>>)
      %dma_start3A_454 = arith.constant 0 : i32
      %dma_start3A_455 = tpu.memref_slice %arg5[%dma_start3A_454, %multiple_of3A_445] : memref<32x1000000xf32, #tpu.memory_space<hbm>> -> memref<32x128xf32, #tpu.memory_space<hbm>>
      %dma_start3A_456 = arith.constant 0 : i32
      %dma_start3A_457 = tpu.memref_slice %arg5[%dma_start3A_456, %multiple_of3A_445] : memref<32x1000000xf32, #tpu.memory_space<hbm>> -> memref<32x128xf32, #tpu.memory_space<hbm>>
      tpu.enqueue_dma source(%dma_start3A_457 : memref<32x128xf32, #tpu.memory_space<hbm>>) target(%arg24 : memref<32x128xf32, #tpu.memory_space<vmem>>) target_semaphore(%arg36 : memref<!tpu.dma_semaphore, #tpu.memory_space<semaphore_mem>>)
      %dma_start3A_458 = arith.constant 0 : i32
      %dma_start3A_459 = tpu.memref_slice %arg7[%dma_start3A_458, %multiple_of3A_445] : memref<32x1000000xf32, #tpu.memory_space<hbm>> -> memref<32x128xf32, #tpu.memory_space<hbm>>
      %dma_start3A_460 = arith.constant 0 : i32
      %dma_start3A_461 = tpu.memref_slice %arg7[%dma_start3A_460, %multiple_of3A_445] : memref<32x1000000xf32, #tpu.memory_space<hbm>> -> memref<32x128xf32, #tpu.memory_space<hbm>>
      tpu.enqueue_dma source(%dma_start3A_461 : memref<32x128xf32, #tpu.memory_space<hbm>>) target(%arg25 : memref<32x128xf32, #tpu.memory_space<vmem>>) target_semaphore(%arg36 : memref<!tpu.dma_semaphore, #tpu.memory_space<semaphore_mem>>)
      %dma_wait3A_462 = arith.constant 0 : i32
      %dma_wait3A_463 = arith.constant 0 : i32
      %dma_wait3A_464 = tpu.memref_slice %arg4[%dma_wait3A_462, %dma_wait3A_463] : memref<32x1000000xf32, #tpu.memory_space<hbm>> -> memref<32x128xf32, #tpu.memory_space<hbm>>
      %dma_wait3A_465 = arith.constant 0 : i32
      %dma_wait3A_466 = arith.constant 0 : i32
      %dma_wait3A_467 = tpu.memref_slice %arg4[%dma_wait3A_465, %dma_wait3A_466] : memref<32x1000000xf32, #tpu.memory_space<hbm>> -> memref<32x128xf32, #tpu.memory_space<hbm>>
      tpu.wait_dma2 semaphore(%arg34 : memref<!tpu.dma_semaphore, #tpu.memory_space<semaphore_mem>>) src(%dma_wait3A_467 : memref<32x128xf32, #tpu.memory_space<hbm>>) dst(%arg14 : memref<32x128xf32, #tpu.memory_space<vmem>>)
      %dma_wait3A_468 = arith.constant 0 : i32
      %dma_wait3A_469 = arith.constant 0 : i32
      %dma_wait3A_470 = tpu.memref_slice %arg4[%dma_wait3A_468, %dma_wait3A_469] : memref<32x1000000xf32, #tpu.memory_space<hbm>> -> memref<32x128xf32, #tpu.memory_space<hbm>>
      %dma_wait3A_471 = arith.constant 0 : i32
      %dma_wait3A_472 = arith.constant 0 : i32
      %dma_wait3A_473 = tpu.memref_slice %arg4[%dma_wait3A_471, %dma_wait3A_472] : memref<32x1000000xf32, #tpu.memory_space<hbm>> -> memref<32x128xf32, #tpu.memory_space<hbm>>
      tpu.wait_dma2 semaphore(%arg34 : memref<!tpu.dma_semaphore, #tpu.memory_space<semaphore_mem>>) src(%dma_wait3A_473 : memref<32x128xf32, #tpu.memory_space<hbm>>) dst(%arg15 : memref<32x128xf32, #tpu.memory_space<vmem>>)
      %dma_wait3A_474 = arith.constant 0 : i32
      %dma_wait3A_475 = arith.constant 0 : i32
      %dma_wait3A_476 = tpu.memref_slice %arg4[%dma_wait3A_474, %dma_wait3A_475] : memref<32x1000000xf32, #tpu.memory_space<hbm>> -> memref<32x128xf32, #tpu.memory_space<hbm>>
      %dma_wait3A_477 = arith.constant 0 : i32
      %dma_wait3A_478 = arith.constant 0 : i32
      %dma_wait3A_479 = tpu.memref_slice %arg4[%dma_wait3A_477, %dma_wait3A_478] : memref<32x1000000xf32, #tpu.memory_space<hbm>> -> memref<32x128xf32, #tpu.memory_space<hbm>>
      tpu.wait_dma2 semaphore(%arg34 : memref<!tpu.dma_semaphore, #tpu.memory_space<semaphore_mem>>) src(%dma_wait3A_479 : memref<32x128xf32, #tpu.memory_space<hbm>>) dst(%arg16 : memref<32x128xf32, #tpu.memory_space<vmem>>)
      %dma_wait3A_480 = arith.constant 0 : i32
      %dma_wait3A_481 = arith.constant 0 : i32
      %dma_wait3A_482 = tpu.memref_slice %arg4[%dma_wait3A_480, %dma_wait3A_481] : memref<32x1000000xf32, #tpu.memory_space<hbm>> -> memref<32x128xf32, #tpu.memory_space<hbm>>
      %dma_wait3A_483 = arith.constant 0 : i32
      %dma_wait3A_484 = arith.constant 0 : i32
      %dma_wait3A_485 = tpu.memref_slice %arg4[%dma_wait3A_483, %dma_wait3A_484] : memref<32x1000000xf32, #tpu.memory_space<hbm>> -> memref<32x128xf32, #tpu.memory_space<hbm>>
      tpu.wait_dma2 semaphore(%arg34 : memref<!tpu.dma_semaphore, #tpu.memory_space<semaphore_mem>>) src(%dma_wait3A_485 : memref<32x128xf32, #tpu.memory_space<hbm>>) dst(%arg17 : memref<32x128xf32, #tpu.memory_space<vmem>>)
      %get3A_486 = arith.index_cast %add3A_352 : i32 to index
      %get3A_487 = tpu.vector_load %arg12[%get3A_486] {strides = array<i32>} : memref<528xi32, #tpu.memory_space<vmem>>, vector<16xi32>,
      %slice3A_488 = vector.extract_strided_slice %get3A_487 {offsets = [0], sizes = [1], strides = [1]} : vector<16xi32> to vector<1xi32>
      %squeeze3A_489 = vector.extract %slice3A_488[0] : i32 from vector<1xi32>
      %and3A_490 = arith.constant 127 : i32
      %and3A_491 = arith.andi %squeeze3A_489, %and3A_490 : i32
      %get3A_492 = arith.index_cast %add3A_352 : i32 to index
      %get3A_493 = tpu.vector_load %arg13[%get3A_492] {strides = array<i32>} : memref<528xi32, #tpu.memory_space<vmem>>, vector<16xi32>,
      %slice3A_494 = vector.extract_strided_slice %get3A_493 {offsets = [0], sizes = [1], strides = [1]} : vector<16xi32> to vector<1xi32>
      %squeeze3A_495 = vector.extract %slice3A_494[0] : i32 from vector<1xi32>
      %and3A_496 = arith.constant 127 : i32
      %and3A_497 = arith.andi %squeeze3A_495, %and3A_496 : i32
      %sub3A = arith.constant 256 : i32
      %sub3A_498 = arith.subi %add3A_352, %sub3A : i32
      %iota3A_499 = tpu.iota {dimensions = array<i32: 0>} : vector<16xi32>
      %broadcast_in_dim3A_500 = vector.broadcast %and3A_491 : i32 to vector<16xi32>
      %broadcast_in_dim3A_501 = vector.broadcast %sub3A_498 : i32 to vector<16xi32>
      %gather3A_502 = tpu.vector_load_idx %arg14[%iota3A_499, %broadcast_in_dim3A_500] : memref<32x128xf32, #tpu.memory_space<vmem>>[vector<16xi32>, vector<16xi32>], vector<16xf32>,
      %add3A_503 = arith.constant 16 : i32
      %add3A_504 = vector.broadcast %add3A_503 : i32 to vector<16xi32>
      %add3A_505 = arith.addi %iota3A_499, %add3A_504 : vector<16xi32>
      %gather3A_506 = tpu.vector_load_idx %arg14[%add3A_505, %broadcast_in_dim3A_500] : memref<32x128xf32, #tpu.memory_space<vmem>>[vector<16xi32>, vector<16xi32>], vector<16xf32>,
      tpu.vector_store_idx %arg30[%iota3A_499, %broadcast_in_dim3A_501], %gather3A_502 : memref<32x256xf32, #tpu.memory_space<vmem>>[vector<16xi32>, vector<16xi32>], vector<16xf32>,
      %add3A_507 = arith.constant 16 : i32
      %add3A_508 = vector.broadcast %add3A_507 : i32 to vector<16xi32>
      %add3A_509 = arith.addi %iota3A_499, %add3A_508 : vector<16xi32>
      tpu.vector_store_idx %arg30[%add3A_509, %broadcast_in_dim3A_501], %gather3A_506 : memref<32x256xf32, #tpu.memory_space<vmem>>[vector<16xi32>, vector<16xi32>], vector<16xf32>,
      %iota3A_510 = tpu.iota {dimensions = array<i32: 0>} : vector<16xi32>
      %broadcast_in_dim3A_511 = vector.broadcast %and3A_491 : i32 to vector<16xi32>
      %broadcast_in_dim3A_512 = vector.broadcast %sub3A_498 : i32 to vector<16xi32>
      %gather3A_513 = tpu.vector_load_idx %arg15[%iota3A_510, %broadcast_in_dim3A_511] : memref<32x128xf32, #tpu.memory_space<vmem>>[vector<16xi32>, vector<16xi32>], vector<16xf32>,
      %add3A_514 = arith.constant 16 : i32
      %add3A_515 = vector.broadcast %add3A_514 : i32 to vector<16xi32>
      %add3A_516 = arith.addi %iota3A_510, %add3A_515 : vector<16xi32>
      %gather3A_517 = tpu.vector_load_idx %arg15[%add3A_516, %broadcast_in_dim3A_511] : memref<32x128xf32, #tpu.memory_space<vmem>>[vector<16xi32>, vector<16xi32>], vector<16xf32>,
      tpu.vector_store_idx %arg32[%iota3A_510, %broadcast_in_dim3A_512], %gather3A_513 : memref<32x256xf32, #tpu.memory_space<vmem>>[vector<16xi32>, vector<16xi32>], vector<16xf32>,
      %add3A_518 = arith.constant 16 : i32
      %add3A_519 = vector.broadcast %add3A_518 : i32 to vector<16xi32>
      %add3A_520 = arith.addi %iota3A_510, %add3A_519 : vector<16xi32>
      tpu.vector_store_idx %arg32[%add3A_520, %broadcast_in_dim3A_512], %gather3A_517 : memref<32x256xf32, #tpu.memory_space<vmem>>[vector<16xi32>, vector<16xi32>], vector<16xf32>,
      %iota3A_521 = tpu.iota {dimensions = array<i32: 0>} : vector<16xi32>
      %broadcast_in_dim3A_522 = vector.broadcast %and3A_497 : i32 to vector<16xi32>
      %broadcast_in_dim3A_523 = vector.broadcast %sub3A_498 : i32 to vector<16xi32>
      %gather3A_524 = tpu.vector_load_idx %arg16[%iota3A_521, %broadcast_in_dim3A_522] : memref<32x128xf32, #tpu.memory_space<vmem>>[vector<16xi32>, vector<16xi32>], vector<16xf32>,
      %add3A_525 = arith.constant 16 : i32
      %add3A_526 = vector.broadcast %add3A_525 : i32 to vector<16xi32>
      %add3A_527 = arith.addi %iota3A_521, %add3A_526 : vector<16xi32>
      %gather3A_528 = tpu.vector_load_idx %arg16[%add3A_527, %broadcast_in_dim3A_522] : memref<32x128xf32, #tpu.memory_space<vmem>>[vector<16xi32>, vector<16xi32>], vector<16xf32>,
      tpu.vector_store_idx %arg31[%iota3A_521, %broadcast_in_dim3A_523], %gather3A_524 : memref<32x256xf32, #tpu.memory_space<vmem>>[vector<16xi32>, vector<16xi32>], vector<16xf32>,
      %add3A_529 = arith.constant 16 : i32
      %add3A_530 = vector.broadcast %add3A_529 : i32 to vector<16xi32>
      %add3A_531 = arith.addi %iota3A_521, %add3A_530 : vector<16xi32>
      tpu.vector_store_idx %arg31[%add3A_531, %broadcast_in_dim3A_523], %gather3A_528 : memref<32x256xf32, #tpu.memory_space<vmem>>[vector<16xi32>, vector<16xi32>], vector<16xf32>,
      %iota3A_532 = tpu.iota {dimensions = array<i32: 0>} : vector<16xi32>
      %broadcast_in_dim3A_533 = vector.broadcast %and3A_497 : i32 to vector<16xi32>
      %broadcast_in_dim3A_534 = vector.broadcast %sub3A_498 : i32 to vector<16xi32>
      %gather3A_535 = tpu.vector_load_idx %arg17[%iota3A_532, %broadcast_in_dim3A_533] : memref<32x128xf32, #tpu.memory_space<vmem>>[vector<16xi32>, vector<16xi32>], vector<16xf32>,
      %add3A_536 = arith.constant 16 : i32
      %add3A_537 = vector.broadcast %add3A_536 : i32 to vector<16xi32>
      %add3A_538 = arith.addi %iota3A_532, %add3A_537 : vector<16xi32>
      %gather3A_539 = tpu.vector_load_idx %arg17[%add3A_538, %broadcast_in_dim3A_533] : memref<32x128xf32, #tpu.memory_space<vmem>>[vector<16xi32>, vector<16xi32>], vector<16xf32>,
      tpu.vector_store_idx %arg33[%iota3A_532, %broadcast_in_dim3A_534], %gather3A_535 : memref<32x256xf32, #tpu.memory_space<vmem>>[vector<16xi32>, vector<16xi32>], vector<16xf32>,
      %add3A_540 = arith.constant 16 : i32
      %add3A_541 = vector.broadcast %add3A_540 : i32 to vector<16xi32>
      %add3A_542 = arith.addi %iota3A_532, %add3A_541 : vector<16xi32>
      tpu.vector_store_idx %arg33[%add3A_542, %broadcast_in_dim3A_534], %gather3A_539 : memref<32x256xf32, #tpu.memory_space<vmem>>[vector<16xi32>, vector<16xi32>], vector<16xf32>,
      %add3A_543 = arith.constant 3 : i32
      %add3A_544 = arith.addi %add3A_352, %add3A_543 : i32
      %get3A_545 = arith.index_cast %add3A_544 : i32 to index
      %get3A_546 = tpu.vector_load %arg12[%get3A_545] {strides = array<i32>} : memref<528xi32, #tpu.memory_space<vmem>>, vector<16xi32>,
      %slice3A_547 = vector.extract_strided_slice %get3A_546 {offsets = [0], sizes = [1], strides = [1]} : vector<16xi32> to vector<1xi32>
      %squeeze3A_548 = vector.extract %slice3A_547[0] : i32 from vector<1xi32>
      %get3A_549 = arith.index_cast %add3A_544 : i32 to index
      %get3A_550 = tpu.vector_load %arg13[%get3A_549] {strides = array<i32>} : memref<528xi32, #tpu.memory_space<vmem>>, vector<16xi32>,
      %slice3A_551 = vector.extract_strided_slice %get3A_550 {offsets = [0], sizes = [1], strides = [1]} : vector<16xi32> to vector<1xi32>
      %squeeze3A_552 = vector.extract %slice3A_551[0] : i32 from vector<1xi32>
      %shift_right_arithmetic3A_553 = arith.constant 7 : i32
      %shift_right_arithmetic3A_554 = arith.shrsi %squeeze3A_548, %shift_right_arithmetic3A_553 : i32
      %shift_left3A_555 = arith.constant 7 : i32
      %shift_left3A_556 = arith.shli %shift_right_arithmetic3A_554, %shift_left3A_555 : i32
      %multiple_of3A_557 = tpu.assume_multiple %shift_left3A_556, 128 : i32
      %shift_right_arithmetic3A_558 = arith.constant 7 : i32
      %shift_right_arithmetic3A_559 = arith.shrsi %squeeze3A_552, %shift_right_arithmetic3A_558 : i32
      %shift_left3A_560 = arith.constant 7 : i32
      %shift_left3A_561 = arith.shli %shift_right_arithmetic3A_559, %shift_left3A_560 : i32
      %multiple_of3A_562 = tpu.assume_multiple %shift_left3A_561, 128 : i32
      %dma_start3A_563 = arith.constant 0 : i32
      %dma_start3A_564 = tpu.memref_slice %arg4[%dma_start3A_563, %multiple_of3A_557] : memref<32x1000000xf32, #tpu.memory_space<hbm>> -> memref<32x128xf32, #tpu.memory_space<hbm>>
      %dma_start3A_565 = arith.constant 0 : i32
      %dma_start3A_566 = tpu.memref_slice %arg4[%dma_start3A_565, %multiple_of3A_557] : memref<32x1000000xf32, #tpu.memory_space<hbm>> -> memref<32x128xf32, #tpu.memory_space<hbm>>
      tpu.enqueue_dma source(%dma_start3A_566 : memref<32x128xf32, #tpu.memory_space<hbm>>) target(%arg26 : memref<32x128xf32, #tpu.memory_space<vmem>>) target_semaphore(%arg37 : memref<!tpu.dma_semaphore, #tpu.memory_space<semaphore_mem>>)
      %dma_start3A_567 = arith.constant 0 : i32
      %dma_start3A_568 = tpu.memref_slice %arg6[%dma_start3A_567, %multiple_of3A_557] : memref<32x1000000xf32, #tpu.memory_space<hbm>> -> memref<32x128xf32, #tpu.memory_space<hbm>>
      %dma_start3A_569 = arith.constant 0 : i32
      %dma_start3A_570 = tpu.memref_slice %arg6[%dma_start3A_569, %multiple_of3A_557] : memref<32x1000000xf32, #tpu.memory_space<hbm>> -> memref<32x128xf32, #tpu.memory_space<hbm>>
      tpu.enqueue_dma source(%dma_start3A_570 : memref<32x128xf32, #tpu.memory_space<hbm>>) target(%arg27 : memref<32x128xf32, #tpu.memory_space<vmem>>) target_semaphore(%arg37 : memref<!tpu.dma_semaphore, #tpu.memory_space<semaphore_mem>>)
      %dma_start3A_571 = arith.constant 0 : i32
      %dma_start3A_572 = tpu.memref_slice %arg5[%dma_start3A_571, %multiple_of3A_562] : memref<32x1000000xf32, #tpu.memory_space<hbm>> -> memref<32x128xf32, #tpu.memory_space<hbm>>
      %dma_start3A_573 = arith.constant 0 : i32
      %dma_start3A_574 = tpu.memref_slice %arg5[%dma_start3A_573, %multiple_of3A_562] : memref<32x1000000xf32, #tpu.memory_space<hbm>> -> memref<32x128xf32, #tpu.memory_space<hbm>>
      tpu.enqueue_dma source(%dma_start3A_574 : memref<32x128xf32, #tpu.memory_space<hbm>>) target(%arg28 : memref<32x128xf32, #tpu.memory_space<vmem>>) target_semaphore(%arg37 : memref<!tpu.dma_semaphore, #tpu.memory_space<semaphore_mem>>)
      %dma_start3A_575 = arith.constant 0 : i32
      %dma_start3A_576 = tpu.memref_slice %arg7[%dma_start3A_575, %multiple_of3A_562] : memref<32x1000000xf32, #tpu.memory_space<hbm>> -> memref<32x128xf32, #tpu.memory_space<hbm>>
      %dma_start3A_577 = arith.constant 0 : i32
      %dma_start3A_578 = tpu.memref_slice %arg7[%dma_start3A_577, %multiple_of3A_562] : memref<32x1000000xf32, #tpu.memory_space<hbm>> -> memref<32x128xf32, #tpu.memory_space<hbm>>
      tpu.enqueue_dma source(%dma_start3A_578 : memref<32x128xf32, #tpu.memory_space<hbm>>) target(%arg29 : memref<32x128xf32, #tpu.memory_space<vmem>>) target_semaphore(%arg37 : memref<!tpu.dma_semaphore, #tpu.memory_space<semaphore_mem>>)
      %add3A_579 = arith.constant 1 : i32
      %add3A_580 = arith.addi %add3A_352, %add3A_579 : i32
      %dma_wait3A_581 = arith.constant 0 : i32
      %dma_wait3A_582 = arith.constant 0 : i32
      %dma_wait3A_583 = tpu.memref_slice %arg4[%dma_wait3A_581, %dma_wait3A_582] : memref<32x1000000xf32, #tpu.memory_space<hbm>> -> memref<32x128xf32, #tpu.memory_space<hbm>>
      %dma_wait3A_584 = arith.constant 0 : i32
      %dma_wait3A_585 = arith.constant 0 : i32
      %dma_wait3A_586 = tpu.memref_slice %arg4[%dma_wait3A_584, %dma_wait3A_585] : memref<32x1000000xf32, #tpu.memory_space<hbm>> -> memref<32x128xf32, #tpu.memory_space<hbm>>
      tpu.wait_dma2 semaphore(%arg35 : memref<!tpu.dma_semaphore, #tpu.memory_space<semaphore_mem>>) src(%dma_wait3A_586 : memref<32x128xf32, #tpu.memory_space<hbm>>) dst(%arg18 : memref<32x128xf32, #tpu.memory_space<vmem>>)
      %dma_wait3A_587 = arith.constant 0 : i32
      %dma_wait3A_588 = arith.constant 0 : i32
      %dma_wait3A_589 = tpu.memref_slice %arg4[%dma_wait3A_587, %dma_wait3A_588] : memref<32x1000000xf32, #tpu.memory_space<hbm>> -> memref<32x128xf32, #tpu.memory_space<hbm>>
      %dma_wait3A_590 = arith.constant 0 : i32
      %dma_wait3A_591 = arith.constant 0 : i32
      %dma_wait3A_592 = tpu.memref_slice %arg4[%dma_wait3A_590, %dma_wait3A_591] : memref<32x1000000xf32, #tpu.memory_space<hbm>> -> memref<32x128xf32, #tpu.memory_space<hbm>>
      tpu.wait_dma2 semaphore(%arg35 : memref<!tpu.dma_semaphore, #tpu.memory_space<semaphore_mem>>) src(%dma_wait3A_592 : memref<32x128xf32, #tpu.memory_space<hbm>>) dst(%arg19 : memref<32x128xf32, #tpu.memory_space<vmem>>)
      %dma_wait3A_593 = arith.constant 0 : i32
      %dma_wait3A_594 = arith.constant 0 : i32
      %dma_wait3A_595 = tpu.memref_slice %arg4[%dma_wait3A_593, %dma_wait3A_594] : memref<32x1000000xf32, #tpu.memory_space<hbm>> -> memref<32x128xf32, #tpu.memory_space<hbm>>
      %dma_wait3A_596 = arith.constant 0 : i32
      %dma_wait3A_597 = arith.constant 0 : i32
      %dma_wait3A_598 = tpu.memref_slice %arg4[%dma_wait3A_596, %dma_wait3A_597] : memref<32x1000000xf32, #tpu.memory_space<hbm>> -> memref<32x128xf32, #tpu.memory_space<hbm>>
      tpu.wait_dma2 semaphore(%arg35 : memref<!tpu.dma_semaphore, #tpu.memory_space<semaphore_mem>>) src(%dma_wait3A_598 : memref<32x128xf32, #tpu.memory_space<hbm>>) dst(%arg20 : memref<32x128xf32, #tpu.memory_space<vmem>>)
      %dma_wait3A_599 = arith.constant 0 : i32
      %dma_wait3A_600 = arith.constant 0 : i32
      %dma_wait3A_601 = tpu.memref_slice %arg4[%dma_wait3A_599, %dma_wait3A_600] : memref<32x1000000xf32, #tpu.memory_space<hbm>> -> memref<32x128xf32, #tpu.memory_space<hbm>>
      %dma_wait3A_602 = arith.constant 0 : i32
      %dma_wait3A_603 = arith.constant 0 : i32
      %dma_wait3A_604 = tpu.memref_slice %arg4[%dma_wait3A_602, %dma_wait3A_603] : memref<32x1000000xf32, #tpu.memory_space<hbm>> -> memref<32x128xf32, #tpu.memory_space<hbm>>
      tpu.wait_dma2 semaphore(%arg35 : memref<!tpu.dma_semaphore, #tpu.memory_space<semaphore_mem>>) src(%dma_wait3A_604 : memref<32x128xf32, #tpu.memory_space<hbm>>) dst(%arg21 : memref<32x128xf32, #tpu.memory_space<vmem>>)
      %get3A_605 = arith.index_cast %add3A_580 : i32 to index
      %get3A_606 = tpu.vector_load %arg12[%get3A_605] {strides = array<i32>} : memref<528xi32, #tpu.memory_space<vmem>>, vector<16xi32>,
      %slice3A_607 = vector.extract_strided_slice %get3A_606 {offsets = [0], sizes = [1], strides = [1]} : vector<16xi32> to vector<1xi32>
      %squeeze3A_608 = vector.extract %slice3A_607[0] : i32 from vector<1xi32>
      %and3A_609 = arith.constant 127 : i32
      %and3A_610 = arith.andi %squeeze3A_608, %and3A_609 : i32
      %get3A_611 = arith.index_cast %add3A_580 : i32 to index
      %get3A_612 = tpu.vector_load %arg13[%get3A_611] {strides = array<i32>} : memref<528xi32, #tpu.memory_space<vmem>>, vector<16xi32>,
      %slice3A_613 = vector.extract_strided_slice %get3A_612 {offsets = [0], sizes = [1], strides = [1]} : vector<16xi32> to vector<1xi32>
      %squeeze3A_614 = vector.extract %slice3A_613[0] : i32 from vector<1xi32>
      %and3A_615 = arith.constant 127 : i32
      %and3A_616 = arith.andi %squeeze3A_614, %and3A_615 : i32
      %sub3A_617 = arith.constant 256 : i32
      %sub3A_618 = arith.subi %add3A_580, %sub3A_617 : i32
      %iota3A_619 = tpu.iota {dimensions = array<i32: 0>} : vector<16xi32>
      %broadcast_in_dim3A_620 = vector.broadcast %and3A_610 : i32 to vector<16xi32>
      %broadcast_in_dim3A_621 = vector.broadcast %sub3A_618 : i32 to vector<16xi32>
      %gather3A_622 = tpu.vector_load_idx %arg18[%iota3A_619, %broadcast_in_dim3A_620] : memref<32x128xf32, #tpu.memory_space<vmem>>[vector<16xi32>, vector<16xi32>], vector<16xf32>,
      %add3A_623 = arith.constant 16 : i32
      %add3A_624 = vector.broadcast %add3A_623 : i32 to vector<16xi32>
      %add3A_625 = arith.addi %iota3A_619, %add3A_624 : vector<16xi32>
      %gather3A_626 = tpu.vector_load_idx %arg18[%add3A_625, %broadcast_in_dim3A_620] : memref<32x128xf32, #tpu.memory_space<vmem>>[vector<16xi32>, vector<16xi32>], vector<16xf32>,
      tpu.vector_store_idx %arg30[%iota3A_619, %broadcast_in_dim3A_621], %gather3A_622 : memref<32x256xf32, #tpu.memory_space<vmem>>[vector<16xi32>, vector<16xi32>], vector<16xf32>,
      %add3A_627 = arith.constant 16 : i32
      %add3A_628 = vector.broadcast %add3A_627 : i32 to vector<16xi32>
      %add3A_629 = arith.addi %iota3A_619, %add3A_628 : vector<16xi32>
      tpu.vector_store_idx %arg30[%add3A_629, %broadcast_in_dim3A_621], %gather3A_626 : memref<32x256xf32, #tpu.memory_space<vmem>>[vector<16xi32>, vector<16xi32>], vector<16xf32>,
      %iota3A_630 = tpu.iota {dimensions = array<i32: 0>} : vector<16xi32>
      %broadcast_in_dim3A_631 = vector.broadcast %and3A_610 : i32 to vector<16xi32>
      %broadcast_in_dim3A_632 = vector.broadcast %sub3A_618 : i32 to vector<16xi32>
      %gather3A_633 = tpu.vector_load_idx %arg19[%iota3A_630, %broadcast_in_dim3A_631] : memref<32x128xf32, #tpu.memory_space<vmem>>[vector<16xi32>, vector<16xi32>], vector<16xf32>,
      %add3A_634 = arith.constant 16 : i32
      %add3A_635 = vector.broadcast %add3A_634 : i32 to vector<16xi32>
      %add3A_636 = arith.addi %iota3A_630, %add3A_635 : vector<16xi32>
      %gather3A_637 = tpu.vector_load_idx %arg19[%add3A_636, %broadcast_in_dim3A_631] : memref<32x128xf32, #tpu.memory_space<vmem>>[vector<16xi32>, vector<16xi32>], vector<16xf32>,
      tpu.vector_store_idx %arg32[%iota3A_630, %broadcast_in_dim3A_632], %gather3A_633 : memref<32x256xf32, #tpu.memory_space<vmem>>[vector<16xi32>, vector<16xi32>], vector<16xf32>,
      %add3A_638 = arith.constant 16 : i32
      %add3A_639 = vector.broadcast %add3A_638 : i32 to vector<16xi32>
      %add3A_640 = arith.addi %iota3A_630, %add3A_639 : vector<16xi32>
      tpu.vector_store_idx %arg32[%add3A_640, %broadcast_in_dim3A_632], %gather3A_637 : memref<32x256xf32, #tpu.memory_space<vmem>>[vector<16xi32>, vector<16xi32>], vector<16xf32>,
      %iota3A_641 = tpu.iota {dimensions = array<i32: 0>} : vector<16xi32>
      %broadcast_in_dim3A_642 = vector.broadcast %and3A_616 : i32 to vector<16xi32>
      %broadcast_in_dim3A_643 = vector.broadcast %sub3A_618 : i32 to vector<16xi32>
      %gather3A_644 = tpu.vector_load_idx %arg20[%iota3A_641, %broadcast_in_dim3A_642] : memref<32x128xf32, #tpu.memory_space<vmem>>[vector<16xi32>, vector<16xi32>], vector<16xf32>,
      %add3A_645 = arith.constant 16 : i32
      %add3A_646 = vector.broadcast %add3A_645 : i32 to vector<16xi32>
      %add3A_647 = arith.addi %iota3A_641, %add3A_646 : vector<16xi32>
      %gather3A_648 = tpu.vector_load_idx %arg20[%add3A_647, %broadcast_in_dim3A_642] : memref<32x128xf32, #tpu.memory_space<vmem>>[vector<16xi32>, vector<16xi32>], vector<16xf32>,
      tpu.vector_store_idx %arg31[%iota3A_641, %broadcast_in_dim3A_643], %gather3A_644 : memref<32x256xf32, #tpu.memory_space<vmem>>[vector<16xi32>, vector<16xi32>], vector<16xf32>,
      %add3A_649 = arith.constant 16 : i32
      %add3A_650 = vector.broadcast %add3A_649 : i32 to vector<16xi32>
      %add3A_651 = arith.addi %iota3A_641, %add3A_650 : vector<16xi32>
      tpu.vector_store_idx %arg31[%add3A_651, %broadcast_in_dim3A_643], %gather3A_648 : memref<32x256xf32, #tpu.memory_space<vmem>>[vector<16xi32>, vector<16xi32>], vector<16xf32>,
      %iota3A_652 = tpu.iota {dimensions = array<i32: 0>} : vector<16xi32>
      %broadcast_in_dim3A_653 = vector.broadcast %and3A_616 : i32 to vector<16xi32>
      %broadcast_in_dim3A_654 = vector.broadcast %sub3A_618 : i32 to vector<16xi32>
      %gather3A_655 = tpu.vector_load_idx %arg21[%iota3A_652, %broadcast_in_dim3A_653] : memref<32x128xf32, #tpu.memory_space<vmem>>[vector<16xi32>, vector<16xi32>], vector<16xf32>,
      %add3A_656 = arith.constant 16 : i32
      %add3A_657 = vector.broadcast %add3A_656 : i32 to vector<16xi32>
      %add3A_658 = arith.addi %iota3A_652, %add3A_657 : vector<16xi32>
      %gather3A_659 = tpu.vector_load_idx %arg21[%add3A_658, %broadcast_in_dim3A_653] : memref<32x128xf32, #tpu.memory_space<vmem>>[vector<16xi32>, vector<16xi32>], vector<16xf32>,
      tpu.vector_store_idx %arg33[%iota3A_652, %broadcast_in_dim3A_654], %gather3A_655 : memref<32x256xf32, #tpu.memory_space<vmem>>[vector<16xi32>, vector<16xi32>], vector<16xf32>,
      %add3A_660 = arith.constant 16 : i32
      %add3A_661 = vector.broadcast %add3A_660 : i32 to vector<16xi32>
      %add3A_662 = arith.addi %iota3A_652, %add3A_661 : vector<16xi32>
      tpu.vector_store_idx %arg33[%add3A_662, %broadcast_in_dim3A_654], %gather3A_659 : memref<32x256xf32, #tpu.memory_space<vmem>>[vector<16xi32>, vector<16xi32>], vector<16xf32>,
    }
    %scan3A_173 = arith.constant 64 : i32
    %dma_wait3A_174 = arith.constant 0 : i32
    %dma_wait3A_175 = arith.constant 0 : i32
    %dma_wait3A_176 = tpu.memref_slice %arg4[%dma_wait3A_174, %dma_wait3A_175] : memref<32x1000000xf32, #tpu.memory_space<hbm>> -> memref<32x128xf32, #tpu.memory_space<hbm>>
    %dma_wait3A_177 = arith.constant 0 : i32
    %dma_wait3A_178 = arith.constant 0 : i32
    %dma_wait3A_179 = tpu.memref_slice %arg4[%dma_wait3A_177, %dma_wait3A_178] : memref<32x1000000xf32, #tpu.memory_space<hbm>> -> memref<32x128xf32, #tpu.memory_space<hbm>>
    tpu.wait_dma2 semaphore(%arg36 : memref<!tpu.dma_semaphore, #tpu.memory_space<semaphore_mem>>) src(%dma_wait3A_179 : memref<32x128xf32, #tpu.memory_space<hbm>>) dst(%arg22 : memref<32x128xf32, #tpu.memory_space<vmem>>)
    %dma_wait3A_180 = arith.constant 0 : i32
    %dma_wait3A_181 = arith.constant 0 : i32
    %dma_wait3A_182 = tpu.memref_slice %arg4[%dma_wait3A_180, %dma_wait3A_181] : memref<32x1000000xf32, #tpu.memory_space<hbm>> -> memref<32x128xf32, #tpu.memory_space<hbm>>
    %dma_wait3A_183 = arith.constant 0 : i32
    %dma_wait3A_184 = arith.constant 0 : i32
    %dma_wait3A_185 = tpu.memref_slice %arg4[%dma_wait3A_183, %dma_wait3A_184] : memref<32x1000000xf32, #tpu.memory_space<hbm>> -> memref<32x128xf32, #tpu.memory_space<hbm>>
    tpu.wait_dma2 semaphore(%arg36 : memref<!tpu.dma_semaphore, #tpu.memory_space<semaphore_mem>>) src(%dma_wait3A_185 : memref<32x128xf32, #tpu.memory_space<hbm>>) dst(%arg23 : memref<32x128xf32, #tpu.memory_space<vmem>>)
    %dma_wait3A_186 = arith.constant 0 : i32
    %dma_wait3A_187 = arith.constant 0 : i32
    %dma_wait3A_188 = tpu.memref_slice %arg4[%dma_wait3A_186, %dma_wait3A_187] : memref<32x1000000xf32, #tpu.memory_space<hbm>> -> memref<32x128xf32, #tpu.memory_space<hbm>>
    %dma_wait3A_189 = arith.constant 0 : i32
    %dma_wait3A_190 = arith.constant 0 : i32
    %dma_wait3A_191 = tpu.memref_slice %arg4[%dma_wait3A_189, %dma_wait3A_190] : memref<32x1000000xf32, #tpu.memory_space<hbm>> -> memref<32x128xf32, #tpu.memory_space<hbm>>
    tpu.wait_dma2 semaphore(%arg36 : memref<!tpu.dma_semaphore, #tpu.memory_space<semaphore_mem>>) src(%dma_wait3A_191 : memref<32x128xf32, #tpu.memory_space<hbm>>) dst(%arg24 : memref<32x128xf32, #tpu.memory_space<vmem>>)
    %dma_wait3A_192 = arith.constant 0 : i32
    %dma_wait3A_193 = arith.constant 0 : i32
    %dma_wait3A_194 = tpu.memref_slice %arg4[%dma_wait3A_192, %dma_wait3A_193] : memref<32x1000000xf32, #tpu.memory_space<hbm>> -> memref<32x128xf32, #tpu.memory_space<hbm>>
    %dma_wait3A_195 = arith.constant 0 : i32
    %dma_wait3A_196 = arith.constant 0 : i32
    %dma_wait3A_197 = tpu.memref_slice %arg4[%dma_wait3A_195, %dma_wait3A_196] : memref<32x1000000xf32, #tpu.memory_space<hbm>> -> memref<32x128xf32, #tpu.memory_space<hbm>>
    tpu.wait_dma2 semaphore(%arg36 : memref<!tpu.dma_semaphore, #tpu.memory_space<semaphore_mem>>) src(%dma_wait3A_197 : memref<32x128xf32, #tpu.memory_space<hbm>>) dst(%arg25 : memref<32x128xf32, #tpu.memory_space<vmem>>)
    %get3A_198 = arith.constant 510 : index
    %get3A_199 = tpu.vector_load %arg12[%get3A_198] {strides = array<i32>} : memref<528xi32, #tpu.memory_space<vmem>>, vector<16xi32>,
    %slice3A_200 = vector.extract_strided_slice %get3A_199 {offsets = [0], sizes = [1], strides = [1]} : vector<16xi32> to vector<1xi32>
    %squeeze3A_201 = vector.extract %slice3A_200[0] : i32 from vector<1xi32>
    %and3A_202 = arith.constant 127 : i32
    %and3A_203 = arith.andi %squeeze3A_201, %and3A_202 : i32
    %get3A_204 = arith.constant 510 : index
    %get3A_205 = tpu.vector_load %arg13[%get3A_204] {strides = array<i32>} : memref<528xi32, #tpu.memory_space<vmem>>, vector<16xi32>,
    %slice3A_206 = vector.extract_strided_slice %get3A_205 {offsets = [0], sizes = [1], strides = [1]} : vector<16xi32> to vector<1xi32>
    %squeeze3A_207 = vector.extract %slice3A_206[0] : i32 from vector<1xi32>
    %and3A_208 = arith.constant 127 : i32
    %and3A_209 = arith.andi %squeeze3A_207, %and3A_208 : i32
    %iota3A_210 = tpu.iota {dimensions = array<i32: 0>} : vector<16xi32>
    %broadcast_in_dim3A_211 = vector.broadcast %and3A_203 : i32 to vector<16xi32>
    %broadcast_in_dim3A_212 = arith.constant 254 : i32
    %broadcast_in_dim3A_213 = vector.broadcast %broadcast_in_dim3A_212 : i32 to vector<16xi32>
    %gather3A_214 = tpu.vector_load_idx %arg22[%iota3A_210, %broadcast_in_dim3A_211] : memref<32x128xf32, #tpu.memory_space<vmem>>[vector<16xi32>, vector<16xi32>], vector<16xf32>,
    %add3A_215 = arith.constant 16 : i32
    %add3A_216 = vector.broadcast %add3A_215 : i32 to vector<16xi32>
    %add3A_217 = arith.addi %iota3A_210, %add3A_216 : vector<16xi32>
    %gather3A_218 = tpu.vector_load_idx %arg22[%add3A_217, %broadcast_in_dim3A_211] : memref<32x128xf32, #tpu.memory_space<vmem>>[vector<16xi32>, vector<16xi32>], vector<16xf32>,
    tpu.vector_store_idx %arg30[%iota3A_210, %broadcast_in_dim3A_213], %gather3A_214 : memref<32x256xf32, #tpu.memory_space<vmem>>[vector<16xi32>, vector<16xi32>], vector<16xf32>,
    %add3A_219 = arith.constant 16 : i32
    %add3A_220 = vector.broadcast %add3A_219 : i32 to vector<16xi32>
    %add3A_221 = arith.addi %iota3A_210, %add3A_220 : vector<16xi32>
    tpu.vector_store_idx %arg30[%add3A_221, %broadcast_in_dim3A_213], %gather3A_218 : memref<32x256xf32, #tpu.memory_space<vmem>>[vector<16xi32>, vector<16xi32>], vector<16xf32>,
    %iota3A_222 = tpu.iota {dimensions = array<i32: 0>} : vector<16xi32>
    %broadcast_in_dim3A_223 = vector.broadcast %and3A_203 : i32 to vector<16xi32>
    %broadcast_in_dim3A_224 = arith.constant 254 : i32
    %broadcast_in_dim3A_225 = vector.broadcast %broadcast_in_dim3A_224 : i32 to vector<16xi32>
    %gather3A_226 = tpu.vector_load_idx %arg23[%iota3A_222, %broadcast_in_dim3A_223] : memref<32x128xf32, #tpu.memory_space<vmem>>[vector<16xi32>, vector<16xi32>], vector<16xf32>,
    %add3A_227 = arith.constant 16 : i32
    %add3A_228 = vector.broadcast %add3A_227 : i32 to vector<16xi32>
    %add3A_229 = arith.addi %iota3A_222, %add3A_228 : vector<16xi32>
    %gather3A_230 = tpu.vector_load_idx %arg23[%add3A_229, %broadcast_in_dim3A_223] : memref<32x128xf32, #tpu.memory_space<vmem>>[vector<16xi32>, vector<16xi32>], vector<16xf32>,
    tpu.vector_store_idx %arg32[%iota3A_222, %broadcast_in_dim3A_225], %gather3A_226 : memref<32x256xf32, #tpu.memory_space<vmem>>[vector<16xi32>, vector<16xi32>], vector<16xf32>,
    %add3A_231 = arith.constant 16 : i32
    %add3A_232 = vector.broadcast %add3A_231 : i32 to vector<16xi32>
    %add3A_233 = arith.addi %iota3A_222, %add3A_232 : vector<16xi32>
    tpu.vector_store_idx %arg32[%add3A_233, %broadcast_in_dim3A_225], %gather3A_230 : memref<32x256xf32, #tpu.memory_space<vmem>>[vector<16xi32>, vector<16xi32>], vector<16xf32>,
    %iota3A_234 = tpu.iota {dimensions = array<i32: 0>} : vector<16xi32>
    %broadcast_in_dim3A_235 = vector.broadcast %and3A_209 : i32 to vector<16xi32>
    %broadcast_in_dim3A_236 = arith.constant 254 : i32
    %broadcast_in_dim3A_237 = vector.broadcast %broadcast_in_dim3A_236 : i32 to vector<16xi32>
    %gather3A_238 = tpu.vector_load_idx %arg24[%iota3A_234, %broadcast_in_dim3A_235] : memref<32x128xf32, #tpu.memory_space<vmem>>[vector<16xi32>, vector<16xi32>], vector<16xf32>,
    %add3A_239 = arith.constant 16 : i32
    %add3A_240 = vector.broadcast %add3A_239 : i32 to vector<16xi32>
    %add3A_241 = arith.addi %iota3A_234, %add3A_240 : vector<16xi32>
    %gather3A_242 = tpu.vector_load_idx %arg24[%add3A_241, %broadcast_in_dim3A_235] : memref<32x128xf32, #tpu.memory_space<vmem>>[vector<16xi32>, vector<16xi32>], vector<16xf32>,
    tpu.vector_store_idx %arg31[%iota3A_234, %broadcast_in_dim3A_237], %gather3A_238 : memref<32x256xf32, #tpu.memory_space<vmem>>[vector<16xi32>, vector<16xi32>], vector<16xf32>,
    %add3A_243 = arith.constant 16 : i32
    %add3A_244 = vector.broadcast %add3A_243 : i32 to vector<16xi32>
    %add3A_245 = arith.addi %iota3A_234, %add3A_244 : vector<16xi32>
    tpu.vector_store_idx %arg31[%add3A_245, %broadcast_in_dim3A_237], %gather3A_242 : memref<32x256xf32, #tpu.memory_space<vmem>>[vector<16xi32>, vector<16xi32>], vector<16xf32>,
    %iota3A_246 = tpu.iota {dimensions = array<i32: 0>} : vector<16xi32>
    %broadcast_in_dim3A_247 = vector.broadcast %and3A_209 : i32 to vector<16xi32>
    %broadcast_in_dim3A_248 = arith.constant 254 : i32
    %broadcast_in_dim3A_249 = vector.broadcast %broadcast_in_dim3A_248 : i32 to vector<16xi32>
    %gather3A_250 = tpu.vector_load_idx %arg25[%iota3A_246, %broadcast_in_dim3A_247] : memref<32x128xf32, #tpu.memory_space<vmem>>[vector<16xi32>, vector<16xi32>], vector<16xf32>,
    %add3A_251 = arith.constant 16 : i32
    %add3A_252 = vector.broadcast %add3A_251 : i32 to vector<16xi32>
    %add3A_253 = arith.addi %iota3A_246, %add3A_252 : vector<16xi32>
    %gather3A_254 = tpu.vector_load_idx %arg25[%add3A_253, %broadcast_in_dim3A_247] : memref<32x128xf32, #tpu.memory_space<vmem>>[vector<16xi32>, vector<16xi32>], vector<16xf32>,
    tpu.vector_store_idx %arg33[%iota3A_246, %broadcast_in_dim3A_249], %gather3A_250 : memref<32x256xf32, #tpu.memory_space<vmem>>[vector<16xi32>, vector<16xi32>], vector<16xf32>,
    %add3A_255 = arith.constant 16 : i32
    %add3A_256 = vector.broadcast %add3A_255 : i32 to vector<16xi32>
    %add3A_257 = arith.addi %iota3A_246, %add3A_256 : vector<16xi32>
    tpu.vector_store_idx %arg33[%add3A_257, %broadcast_in_dim3A_249], %gather3A_254 : memref<32x256xf32, #tpu.memory_space<vmem>>[vector<16xi32>, vector<16xi32>], vector<16xf32>,
    %dma_wait3A_258 = arith.constant 0 : i32
    %dma_wait3A_259 = arith.constant 0 : i32
    %dma_wait3A_260 = tpu.memref_slice %arg4[%dma_wait3A_258, %dma_wait3A_259] : memref<32x1000000xf32, #tpu.memory_space<hbm>> -> memref<32x128xf32, #tpu.memory_space<hbm>>
    %dma_wait3A_261 = arith.constant 0 : i32
    %dma_wait3A_262 = arith.constant 0 : i32
    %dma_wait3A_263 = tpu.memref_slice %arg4[%dma_wait3A_261, %dma_wait3A_262] : memref<32x1000000xf32, #tpu.memory_space<hbm>> -> memref<32x128xf32, #tpu.memory_space<hbm>>
    tpu.wait_dma2 semaphore(%arg37 : memref<!tpu.dma_semaphore, #tpu.memory_space<semaphore_mem>>) src(%dma_wait3A_263 : memref<32x128xf32, #tpu.memory_space<hbm>>) dst(%arg26 : memref<32x128xf32, #tpu.memory_space<vmem>>)
    %dma_wait3A_264 = arith.constant 0 : i32
    %dma_wait3A_265 = arith.constant 0 : i32
    %dma_wait3A_266 = tpu.memref_slice %arg4[%dma_wait3A_264, %dma_wait3A_265] : memref<32x1000000xf32, #tpu.memory_space<hbm>> -> memref<32x128xf32, #tpu.memory_space<hbm>>
    %dma_wait3A_267 = arith.constant 0 : i32
    %dma_wait3A_268 = arith.constant 0 : i32
    %dma_wait3A_269 = tpu.memref_slice %arg4[%dma_wait3A_267, %dma_wait3A_268] : memref<32x1000000xf32, #tpu.memory_space<hbm>> -> memref<32x128xf32, #tpu.memory_space<hbm>>
    tpu.wait_dma2 semaphore(%arg37 : memref<!tpu.dma_semaphore, #tpu.memory_space<semaphore_mem>>) src(%dma_wait3A_269 : memref<32x128xf32, #tpu.memory_space<hbm>>) dst(%arg27 : memref<32x128xf32, #tpu.memory_space<vmem>>)
    %dma_wait3A_270 = arith.constant 0 : i32
    %dma_wait3A_271 = arith.constant 0 : i32
    %dma_wait3A_272 = tpu.memref_slice %arg4[%dma_wait3A_270, %dma_wait3A_271] : memref<32x1000000xf32, #tpu.memory_space<hbm>> -> memref<32x128xf32, #tpu.memory_space<hbm>>
    %dma_wait3A_273 = arith.constant 0 : i32
    %dma_wait3A_274 = arith.constant 0 : i32
    %dma_wait3A_275 = tpu.memref_slice %arg4[%dma_wait3A_273, %dma_wait3A_274] : memref<32x1000000xf32, #tpu.memory_space<hbm>> -> memref<32x128xf32, #tpu.memory_space<hbm>>
    tpu.wait_dma2 semaphore(%arg37 : memref<!tpu.dma_semaphore, #tpu.memory_space<semaphore_mem>>) src(%dma_wait3A_275 : memref<32x128xf32, #tpu.memory_space<hbm>>) dst(%arg28 : memref<32x128xf32, #tpu.memory_space<vmem>>)
    %dma_wait3A_276 = arith.constant 0 : i32
    %dma_wait3A_277 = arith.constant 0 : i32
    %dma_wait3A_278 = tpu.memref_slice %arg4[%dma_wait3A_276, %dma_wait3A_277] : memref<32x1000000xf32, #tpu.memory_space<hbm>> -> memref<32x128xf32, #tpu.memory_space<hbm>>
    %dma_wait3A_279 = arith.constant 0 : i32
    %dma_wait3A_280 = arith.constant 0 : i32
    %dma_wait3A_281 = tpu.memref_slice %arg4[%dma_wait3A_279, %dma_wait3A_280] : memref<32x1000000xf32, #tpu.memory_space<hbm>> -> memref<32x128xf32, #tpu.memory_space<hbm>>
    tpu.wait_dma2 semaphore(%arg37 : memref<!tpu.dma_semaphore, #tpu.memory_space<semaphore_mem>>) src(%dma_wait3A_281 : memref<32x128xf32, #tpu.memory_space<hbm>>) dst(%arg29 : memref<32x128xf32, #tpu.memory_space<vmem>>)
    %get3A_282 = arith.constant 511 : index
    %get3A_283 = tpu.vector_load %arg12[%get3A_282] {strides = array<i32>} : memref<528xi32, #tpu.memory_space<vmem>>, vector<16xi32>,
    %slice3A_284 = vector.extract_strided_slice %get3A_283 {offsets = [0], sizes = [1], strides = [1]} : vector<16xi32> to vector<1xi32>
    %squeeze3A_285 = vector.extract %slice3A_284[0] : i32 from vector<1xi32>
    %and3A_286 = arith.constant 127 : i32
    %and3A_287 = arith.andi %squeeze3A_285, %and3A_286 : i32
    %get3A_288 = arith.constant 511 : index
    %get3A_289 = tpu.vector_load %arg13[%get3A_288] {strides = array<i32>} : memref<528xi32, #tpu.memory_space<vmem>>, vector<16xi32>,
    %slice3A_290 = vector.extract_strided_slice %get3A_289 {offsets = [0], sizes = [1], strides = [1]} : vector<16xi32> to vector<1xi32>
    %squeeze3A_291 = vector.extract %slice3A_290[0] : i32 from vector<1xi32>
    %and3A_292 = arith.constant 127 : i32
    %and3A_293 = arith.andi %squeeze3A_291, %and3A_292 : i32
    %iota3A_294 = tpu.iota {dimensions = array<i32: 0>} : vector<16xi32>
    %broadcast_in_dim3A_295 = vector.broadcast %and3A_287 : i32 to vector<16xi32>
    %broadcast_in_dim3A_296 = arith.constant 255 : i32
    %broadcast_in_dim3A_297 = vector.broadcast %broadcast_in_dim3A_296 : i32 to vector<16xi32>
    %gather3A_298 = tpu.vector_load_idx %arg26[%iota3A_294, %broadcast_in_dim3A_295] : memref<32x128xf32, #tpu.memory_space<vmem>>[vector<16xi32>, vector<16xi32>], vector<16xf32>,
    %add3A_299 = arith.constant 16 : i32
    %add3A_300 = vector.broadcast %add3A_299 : i32 to vector<16xi32>
    %add3A_301 = arith.addi %iota3A_294, %add3A_300 : vector<16xi32>
    %gather3A_302 = tpu.vector_load_idx %arg26[%add3A_301, %broadcast_in_dim3A_295] : memref<32x128xf32, #tpu.memory_space<vmem>>[vector<16xi32>, vector<16xi32>], vector<16xf32>,
    tpu.vector_store_idx %arg30[%iota3A_294, %broadcast_in_dim3A_297], %gather3A_298 : memref<32x256xf32, #tpu.memory_space<vmem>>[vector<16xi32>, vector<16xi32>], vector<16xf32>,
    %add3A_303 = arith.constant 16 : i32
    %add3A_304 = vector.broadcast %add3A_303 : i32 to vector<16xi32>
    %add3A_305 = arith.addi %iota3A_294, %add3A_304 : vector<16xi32>
    tpu.vector_store_idx %arg30[%add3A_305, %broadcast_in_dim3A_297], %gather3A_302 : memref<32x256xf32, #tpu.memory_space<vmem>>[vector<16xi32>, vector<16xi32>], vector<16xf32>,
    %iota3A_306 = tpu.iota {dimensions = array<i32: 0>} : vector<16xi32>
    %broadcast_in_dim3A_307 = vector.broadcast %and3A_287 : i32 to vector<16xi32>
    %broadcast_in_dim3A_308 = arith.constant 255 : i32
    %broadcast_in_dim3A_309 = vector.broadcast %broadcast_in_dim3A_308 : i32 to vector<16xi32>
    %gather3A_310 = tpu.vector_load_idx %arg27[%iota3A_306, %broadcast_in_dim3A_307] : memref<32x128xf32, #tpu.memory_space<vmem>>[vector<16xi32>, vector<16xi32>], vector<16xf32>,
    %add3A_311 = arith.constant 16 : i32
    %add3A_312 = vector.broadcast %add3A_311 : i32 to vector<16xi32>
    %add3A_313 = arith.addi %iota3A_306, %add3A_312 : vector<16xi32>
    %gather3A_314 = tpu.vector_load_idx %arg27[%add3A_313, %broadcast_in_dim3A_307] : memref<32x128xf32, #tpu.memory_space<vmem>>[vector<16xi32>, vector<16xi32>], vector<16xf32>,
    tpu.vector_store_idx %arg32[%iota3A_306, %broadcast_in_dim3A_309], %gather3A_310 : memref<32x256xf32, #tpu.memory_space<vmem>>[vector<16xi32>, vector<16xi32>], vector<16xf32>,
    %add3A_315 = arith.constant 16 : i32
    %add3A_316 = vector.broadcast %add3A_315 : i32 to vector<16xi32>
    %add3A_317 = arith.addi %iota3A_306, %add3A_316 : vector<16xi32>
    tpu.vector_store_idx %arg32[%add3A_317, %broadcast_in_dim3A_309], %gather3A_314 : memref<32x256xf32, #tpu.memory_space<vmem>>[vector<16xi32>, vector<16xi32>], vector<16xf32>,
    %iota3A_318 = tpu.iota {dimensions = array<i32: 0>} : vector<16xi32>
    %broadcast_in_dim3A_319 = vector.broadcast %and3A_293 : i32 to vector<16xi32>
    %broadcast_in_dim3A_320 = arith.constant 255 : i32
    %broadcast_in_dim3A_321 = vector.broadcast %broadcast_in_dim3A_320 : i32 to vector<16xi32>
    %gather3A_322 = tpu.vector_load_idx %arg28[%iota3A_318, %broadcast_in_dim3A_319] : memref<32x128xf32, #tpu.memory_space<vmem>>[vector<16xi32>, vector<16xi32>], vector<16xf32>,
    %add3A_323 = arith.constant 16 : i32
    %add3A_324 = vector.broadcast %add3A_323 : i32 to vector<16xi32>
    %add3A_325 = arith.addi %iota3A_318, %add3A_324 : vector<16xi32>
    %gather3A_326 = tpu.vector_load_idx %arg28[%add3A_325, %broadcast_in_dim3A_319] : memref<32x128xf32, #tpu.memory_space<vmem>>[vector<16xi32>, vector<16xi32>], vector<16xf32>,
    tpu.vector_store_idx %arg31[%iota3A_318, %broadcast_in_dim3A_321], %gather3A_322 : memref<32x256xf32, #tpu.memory_space<vmem>>[vector<16xi32>, vector<16xi32>], vector<16xf32>,
    %add3A_327 = arith.constant 16 : i32
    %add3A_328 = vector.broadcast %add3A_327 : i32 to vector<16xi32>
    %add3A_329 = arith.addi %iota3A_318, %add3A_328 : vector<16xi32>
    tpu.vector_store_idx %arg31[%add3A_329, %broadcast_in_dim3A_321], %gather3A_326 : memref<32x256xf32, #tpu.memory_space<vmem>>[vector<16xi32>, vector<16xi32>], vector<16xf32>,
    %iota3A_330 = tpu.iota {dimensions = array<i32: 0>} : vector<16xi32>
    %broadcast_in_dim3A_331 = vector.broadcast %and3A_293 : i32 to vector<16xi32>
    %broadcast_in_dim3A_332 = arith.constant 255 : i32
    %broadcast_in_dim3A_333 = vector.broadcast %broadcast_in_dim3A_332 : i32 to vector<16xi32>
    %gather3A_334 = tpu.vector_load_idx %arg29[%iota3A_330, %broadcast_in_dim3A_331] : memref<32x128xf32, #tpu.memory_space<vmem>>[vector<16xi32>, vector<16xi32>], vector<16xf32>,
    %add3A_335 = arith.constant 16 : i32
    %add3A_336 = vector.broadcast %add3A_335 : i32 to vector<16xi32>
    %add3A_337 = arith.addi %iota3A_330, %add3A_336 : vector<16xi32>
    %gather3A_338 = tpu.vector_load_idx %arg29[%add3A_337, %broadcast_in_dim3A_331] : memref<32x128xf32, #tpu.memory_space<vmem>>[vector<16xi32>, vector<16xi32>], vector<16xf32>,
    tpu.vector_store_idx %arg33[%iota3A_330, %broadcast_in_dim3A_333], %gather3A_334 : memref<32x256xf32, #tpu.memory_space<vmem>>[vector<16xi32>, vector<16xi32>], vector<16xf32>,
    %add3A_339 = arith.constant 16 : i32
    %add3A_340 = vector.broadcast %add3A_339 : i32 to vector<16xi32>
    %add3A_341 = arith.addi %iota3A_330, %add3A_340 : vector<16xi32>
    tpu.vector_store_idx %arg33[%add3A_341, %broadcast_in_dim3A_333], %gather3A_338 : memref<32x256xf32, #tpu.memory_space<vmem>>[vector<16xi32>, vector<16xi32>], vector<16xf32>,
    %add3A_342 = arith.constant 256 : i32
    %add3A_343 = arith.addi %mul3A_2, %add3A_342 : i32
    "tpu.region"() ({
      %run_scoped3A = tpu.sem_alloc : memref<!tpu.dma_semaphore, #tpu.memory_space<semaphore_mem>>
      %dma_start3A = arith.constant 0 : i32
      %dma_start3A_344 = tpu.memref_slice %arg8[%dma_start3A, %add3A_343] : memref<32x16384xf32, #tpu.memory_space<hbm>> -> memref<32x256xf32, #tpu.memory_space<hbm>>
      %dma_start3A_345 = arith.constant 0 : i32
      %dma_start3A_346 = tpu.memref_slice %arg8[%dma_start3A_345, %add3A_343] : memref<32x16384xf32, #tpu.memory_space<hbm>> -> memref<32x256xf32, #tpu.memory_space<hbm>>
      tpu.enqueue_dma source(%arg30 : memref<32x256xf32, #tpu.memory_space<vmem>>) target(%dma_start3A_346 : memref<32x256xf32, #tpu.memory_space<hbm>>) target_semaphore(%run_scoped3A : memref<!tpu.dma_semaphore, #tpu.memory_space<semaphore_mem>>)
      %dma_wait3A_347 = arith.constant 0 : i32
      %dma_wait3A_348 = tpu.memref_slice %arg8[%dma_wait3A_347, %add3A_343] : memref<32x16384xf32, #tpu.memory_space<hbm>> -> memref<32x256xf32, #tpu.memory_space<hbm>>
      %dma_wait3A_349 = arith.constant 0 : i32
      %dma_wait3A_350 = tpu.memref_slice %arg8[%dma_wait3A_349, %add3A_343] : memref<32x16384xf32, #tpu.memory_space<hbm>> -> memref<32x256xf32, #tpu.memory_space<hbm>>
      tpu.wait_dma2 semaphore(%run_scoped3A : memref<!tpu.dma_semaphore, #tpu.memory_space<semaphore_mem>>) src(%arg30 : memref<32x256xf32, #tpu.memory_space<vmem>>) dst(%dma_wait3A_350 : memref<32x256xf32, #tpu.memory_space<hbm>>)
      tpu.yield
    }) : () -> ()
    "tpu.region"() ({
      %run_scoped3A = tpu.sem_alloc : memref<!tpu.dma_semaphore, #tpu.memory_space<semaphore_mem>>
      %dma_start3A = arith.constant 0 : i32
      %dma_start3A_344 = tpu.memref_slice %arg9[%dma_start3A, %add3A_343] : memref<32x16384xf32, #tpu.memory_space<hbm>> -> memref<32x256xf32, #tpu.memory_space<hbm>>
      %dma_start3A_345 = arith.constant 0 : i32
      %dma_start3A_346 = tpu.memref_slice %arg9[%dma_start3A_345, %add3A_343] : memref<32x16384xf32, #tpu.memory_space<hbm>> -> memref<32x256xf32, #tpu.memory_space<hbm>>
      tpu.enqueue_dma source(%arg31 : memref<32x256xf32, #tpu.memory_space<vmem>>) target(%dma_start3A_346 : memref<32x256xf32, #tpu.memory_space<hbm>>) target_semaphore(%run_scoped3A : memref<!tpu.dma_semaphore, #tpu.memory_space<semaphore_mem>>)
      %dma_wait3A_347 = arith.constant 0 : i32
      %dma_wait3A_348 = tpu.memref_slice %arg9[%dma_wait3A_347, %add3A_343] : memref<32x16384xf32, #tpu.memory_space<hbm>> -> memref<32x256xf32, #tpu.memory_space<hbm>>
      %dma_wait3A_349 = arith.constant 0 : i32
      %dma_wait3A_350 = tpu.memref_slice %arg9[%dma_wait3A_349, %add3A_343] : memref<32x16384xf32, #tpu.memory_space<hbm>> -> memref<32x256xf32, #tpu.memory_space<hbm>>
      tpu.wait_dma2 semaphore(%run_scoped3A : memref<!tpu.dma_semaphore, #tpu.memory_space<semaphore_mem>>) src(%arg31 : memref<32x256xf32, #tpu.memory_space<vmem>>) dst(%dma_wait3A_350 : memref<32x256xf32, #tpu.memory_space<hbm>>)
      tpu.yield
    }) : () -> ()
    "tpu.region"() ({
      %run_scoped3A = tpu.sem_alloc : memref<!tpu.dma_semaphore, #tpu.memory_space<semaphore_mem>>
      %dma_start3A = arith.constant 0 : i32
      %dma_start3A_344 = tpu.memref_slice %arg10[%dma_start3A, %add3A_343] : memref<32x16384xf32, #tpu.memory_space<hbm>> -> memref<32x256xf32, #tpu.memory_space<hbm>>
      %dma_start3A_345 = arith.constant 0 : i32
      %dma_start3A_346 = tpu.memref_slice %arg10[%dma_start3A_345, %add3A_343] : memref<32x16384xf32, #tpu.memory_space<hbm>> -> memref<32x256xf32, #tpu.memory_space<hbm>>
      tpu.enqueue_dma source(%arg32 : memref<32x256xf32, #tpu.memory_space<vmem>>) target(%dma_start3A_346 : memref<32x256xf32, #tpu.memory_space<hbm>>) target_semaphore(%run_scoped3A : memref<!tpu.dma_semaphore, #tpu.memory_space<semaphore_mem>>)
      %dma_wait3A_347 = arith.constant 0 : i32
      %dma_wait3A_348 = tpu.memref_slice %arg10[%dma_wait3A_347, %add3A_343] : memref<32x16384xf32, #tpu.memory_space<hbm>> -> memref<32x256xf32, #tpu.memory_space<hbm>>
      %dma_wait3A_349 = arith.constant 0 : i32
      %dma_wait3A_350 = tpu.memref_slice %arg10[%dma_wait3A_349, %add3A_343] : memref<32x16384xf32, #tpu.memory_space<hbm>> -> memref<32x256xf32, #tpu.memory_space<hbm>>
      tpu.wait_dma2 semaphore(%run_scoped3A : memref<!tpu.dma_semaphore, #tpu.memory_space<semaphore_mem>>) src(%arg32 : memref<32x256xf32, #tpu.memory_space<vmem>>) dst(%dma_wait3A_350 : memref<32x256xf32, #tpu.memory_space<hbm>>)
      tpu.yield
    }) : () -> ()
    "tpu.region"() ({
      %run_scoped3A = tpu.sem_alloc : memref<!tpu.dma_semaphore, #tpu.memory_space<semaphore_mem>>
      %dma_start3A = arith.constant 0 : i32
      %dma_start3A_344 = tpu.memref_slice %arg11[%dma_start3A, %add3A_343] : memref<32x16384xf32, #tpu.memory_space<hbm>> -> memref<32x256xf32, #tpu.memory_space<hbm>>
      %dma_start3A_345 = arith.constant 0 : i32
      %dma_start3A_346 = tpu.memref_slice %arg11[%dma_start3A_345, %add3A_343] : memref<32x16384xf32, #tpu.memory_space<hbm>> -> memref<32x256xf32, #tpu.memory_space<hbm>>
      tpu.enqueue_dma source(%arg33 : memref<32x256xf32, #tpu.memory_space<vmem>>) target(%dma_start3A_346 : memref<32x256xf32, #tpu.memory_space<hbm>>) target_semaphore(%run_scoped3A : memref<!tpu.dma_semaphore, #tpu.memory_space<semaphore_mem>>)
      %dma_wait3A_347 = arith.constant 0 : i32
      %dma_wait3A_348 = tpu.memref_slice %arg11[%dma_wait3A_347, %add3A_343] : memref<32x16384xf32, #tpu.memory_space<hbm>> -> memref<32x256xf32, #tpu.memory_space<hbm>>
      %dma_wait3A_349 = arith.constant 0 : i32
      %dma_wait3A_350 = tpu.memref_slice %arg11[%dma_wait3A_349, %add3A_343] : memref<32x16384xf32, #tpu.memory_space<hbm>> -> memref<32x256xf32, #tpu.memory_space<hbm>>
      tpu.wait_dma2 semaphore(%run_scoped3A : memref<!tpu.dma_semaphore, #tpu.memory_space<semaphore_mem>>) src(%arg33 : memref<32x256xf32, #tpu.memory_space<vmem>>) dst(%dma_wait3A_350 : memref<32x256xf32, #tpu.memory_space<hbm>>)
      tpu.yield
    }) : () -> ()
    return
  }
}

module attributes {stable_mosaic.version = 14 : i64} {
  func.func @_tc_dense_body(%arg0: memref<32x16384xf32, #tpu.memory_space<vmem>>, %arg1: memref<32x16384xf32, #tpu.memory_space<vmem>>, %arg2: memref<32x16384xf32, #tpu.memory_space<vmem>>, %arg3: memref<32x16384xf32, #tpu.memory_space<vmem>>, %arg4: memref<64x32xf32, #tpu.memory_space<vmem>>, %arg5: memref<64x32xf32, #tpu.memory_space<vmem>>, %arg6: memref<64x1xf32, #tpu.memory_space<vmem>>, %arg7: memref<32x64xf32, #tpu.memory_space<vmem>>, %arg8: memref<32x1xf32, #tpu.memory_space<vmem>>, %arg9: memref<16x32xf32, #tpu.memory_space<vmem>>, %arg10: memref<16x1xf32, #tpu.memory_space<vmem>>, %arg11: memref<1x32xf32, #tpu.memory_space<vmem>>, %arg12: memref<1x16xf32, #tpu.memory_space<vmem>>, %arg13: memref<1x1xf32, #tpu.memory_space<vmem>>, %arg14: memref<1x16384xf32, #tpu.memory_space<vmem>>) attributes {dimension_semantics = [], scalar_prefetch = 0 : i64, scratch_operands = 0 : i64, tpu.core_type = #tpu.core_type<tc>} {
    %get3A = arith.constant 0 : index
    %get3A_0 = arith.constant 0 : index
    %get3A_1 = vector.load %arg0[%get3A, %get3A_0] : memref<32x16384xf32, #tpu.memory_space<vmem>>, vector<32x16384xf32>
    %get3A_2 = arith.constant 0 : index
    %get3A_3 = arith.constant 0 : index
    %get3A_4 = vector.load %arg1[%get3A_2, %get3A_3] : memref<32x16384xf32, #tpu.memory_space<vmem>>, vector<32x16384xf32>
    %mul3A = arith.mulf %get3A_1, %get3A_4 : vector<32x16384xf32>
    %get3A_5 = arith.constant 0 : index
    %get3A_6 = arith.constant 0 : index
    %get3A_7 = vector.load %arg4[%get3A_5, %get3A_6] : memref<64x32xf32, #tpu.memory_space<vmem>>, vector<64x32xf32>
    %get3A_8 = arith.constant 0 : index
    %get3A_9 = arith.constant 0 : index
    %get3A_10 = vector.load %arg2[%get3A_8, %get3A_9] : memref<32x16384xf32, #tpu.memory_space<vmem>>, vector<32x16384xf32>
    %dot_general3A = arith.constant dense<0.000000e+00> : vector<64x16384xf32>
    %dot_general3A_11 = tpu.matmul %get3A_7, %get3A_10, %dot_general3A {dimension_numbers = #tpu.dot_dimension_numbers<[1], [0], [0], [1], [0, 0, 1, 1], [], []>, transpose_lhs_hint = false} : vector<64x32xf32>, vector<32x16384xf32>, vector<64x16384xf32> -> vector<64x16384xf32>
    %get3A_12 = arith.constant 0 : index
    %get3A_13 = arith.constant 0 : index
    %get3A_14 = vector.load %arg5[%get3A_12, %get3A_13] : memref<64x32xf32, #tpu.memory_space<vmem>>, vector<64x32xf32>
    %get3A_15 = arith.constant 0 : index
    %get3A_16 = arith.constant 0 : index
    %get3A_17 = vector.load %arg3[%get3A_15, %get3A_16] : memref<32x16384xf32, #tpu.memory_space<vmem>>, vector<32x16384xf32>
    %dot_general3A_18 = arith.constant dense<0.000000e+00> : vector<64x16384xf32>
    %dot_general3A_19 = tpu.matmul %get3A_14, %get3A_17, %dot_general3A_18 {dimension_numbers = #tpu.dot_dimension_numbers<[1], [0], [0], [1], [0, 0, 1, 1], [], []>, transpose_lhs_hint = false} : vector<64x32xf32>, vector<32x16384xf32>, vector<64x16384xf32> -> vector<64x16384xf32>
    %add3A = arith.addf %dot_general3A_11, %dot_general3A_19 : vector<64x16384xf32>
    %get3A_20 = arith.constant 0 : index
    %get3A_21 = arith.constant 0 : index
    %get3A_22 = vector.load %arg6[%get3A_20, %get3A_21] : memref<64x1xf32, #tpu.memory_space<vmem>>, vector<64x1xf32>
    %add3A_23 = vector.broadcast %get3A_22 : vector<64x1xf32> to vector<64x16384xf32>
    %add3A_24 = arith.addf %add3A, %add3A_23 : vector<64x16384xf32>
    %max3A = arith.constant 0.000000e+00 : f32
    %max3A_25 = vector.broadcast %max3A : f32 to vector<64x16384xf32>
    %max3A_26 = arith.maximumf %add3A_24, %max3A_25 : vector<64x16384xf32>
    %get3A_27 = arith.constant 0 : index
    %get3A_28 = arith.constant 0 : index
    %get3A_29 = vector.load %arg7[%get3A_27, %get3A_28] : memref<32x64xf32, #tpu.memory_space<vmem>>, vector<32x64xf32>
    %dot_general3A_30 = arith.constant dense<0.000000e+00> : vector<32x16384xf32>
    %dot_general3A_31 = tpu.matmul %get3A_29, %max3A_26, %dot_general3A_30 {dimension_numbers = #tpu.dot_dimension_numbers<[1], [0], [0], [1], [0, 0, 1, 1], [], []>, transpose_lhs_hint = false} : vector<32x64xf32>, vector<64x16384xf32>, vector<32x16384xf32> -> vector<32x16384xf32>
    %get3A_32 = arith.constant 0 : index
    %get3A_33 = arith.constant 0 : index
    %get3A_34 = vector.load %arg8[%get3A_32, %get3A_33] : memref<32x1xf32, #tpu.memory_space<vmem>>, vector<32x1xf32>
    %add3A_35 = vector.broadcast %get3A_34 : vector<32x1xf32> to vector<32x16384xf32>
    %add3A_36 = arith.addf %dot_general3A_31, %add3A_35 : vector<32x16384xf32>
    %max3A_37 = arith.constant 0.000000e+00 : f32
    %max3A_38 = vector.broadcast %max3A_37 : f32 to vector<32x16384xf32>
    %max3A_39 = arith.maximumf %add3A_36, %max3A_38 : vector<32x16384xf32>
    %get3A_40 = arith.constant 0 : index
    %get3A_41 = arith.constant 0 : index
    %get3A_42 = vector.load %arg9[%get3A_40, %get3A_41] : memref<16x32xf32, #tpu.memory_space<vmem>>, vector<16x32xf32>
    %dot_general3A_43 = arith.constant dense<0.000000e+00> : vector<16x16384xf32>
    %dot_general3A_44 = tpu.matmul %get3A_42, %max3A_39, %dot_general3A_43 {dimension_numbers = #tpu.dot_dimension_numbers<[1], [0], [0], [1], [0, 0, 1, 1], [], []>, transpose_lhs_hint = false} : vector<16x32xf32>, vector<32x16384xf32>, vector<16x16384xf32> -> vector<16x16384xf32>
    %get3A_45 = arith.constant 0 : index
    %get3A_46 = arith.constant 0 : index
    %get3A_47 = vector.load %arg10[%get3A_45, %get3A_46] : memref<16x1xf32, #tpu.memory_space<vmem>>, vector<16x1xf32>
    %add3A_48 = vector.broadcast %get3A_47 : vector<16x1xf32> to vector<16x16384xf32>
    %add3A_49 = arith.addf %dot_general3A_44, %add3A_48 : vector<16x16384xf32>
    %max3A_50 = arith.constant 0.000000e+00 : f32
    %max3A_51 = vector.broadcast %max3A_50 : f32 to vector<16x16384xf32>
    %max3A_52 = arith.maximumf %add3A_49, %max3A_51 : vector<16x16384xf32>
    %get3A_53 = arith.constant 0 : index
    %get3A_54 = arith.constant 0 : index
    %get3A_55 = vector.load %arg11[%get3A_53, %get3A_54] : memref<1x32xf32, #tpu.memory_space<vmem>>, vector<1x32xf32>
    %dot_general3A_56 = arith.constant dense<0.000000e+00> : vector<1x16384xf32>
    %dot_general3A_57 = tpu.matmul %get3A_55, %mul3A, %dot_general3A_56 {dimension_numbers = #tpu.dot_dimension_numbers<[1], [0], [0], [1], [0, 0, 1, 1], [], []>, transpose_lhs_hint = false} : vector<1x32xf32>, vector<32x16384xf32>, vector<1x16384xf32> -> vector<1x16384xf32>
    %get3A_58 = arith.constant 0 : index
    %get3A_59 = arith.constant 0 : index
    %get3A_60 = vector.load %arg12[%get3A_58, %get3A_59] : memref<1x16xf32, #tpu.memory_space<vmem>>, vector<1x16xf32>
    %dot_general3A_61 = arith.constant dense<0.000000e+00> : vector<1x16384xf32>
    %dot_general3A_62 = tpu.matmul %get3A_60, %max3A_52, %dot_general3A_61 {dimension_numbers = #tpu.dot_dimension_numbers<[1], [0], [0], [1], [0, 0, 1, 1], [], []>, transpose_lhs_hint = false} : vector<1x16xf32>, vector<16x16384xf32>, vector<1x16384xf32> -> vector<1x16384xf32>
    %add3A_63 = arith.addf %dot_general3A_57, %dot_general3A_62 : vector<1x16384xf32>
    %get3A_64 = arith.constant 0 : index
    %get3A_65 = arith.constant 0 : index
    %get3A_66 = vector.load %arg13[%get3A_64, %get3A_65] : memref<1x1xf32, #tpu.memory_space<vmem>>, vector<1x1xf32>
    %add3A_67 = vector.broadcast %get3A_66 : vector<1x1xf32> to vector<1x16384xf32>
    %add3A_68 = arith.addf %add3A_63, %add3A_67 : vector<1x16384xf32>
    %swap3A = arith.constant 0 : index
    %swap3A_69 = arith.constant 0 : index
    %swap3A_70 = vector.load %arg14[%swap3A, %swap3A_69] : memref<1x16384xf32, #tpu.memory_space<vmem>>, vector<1x16384xf32>
    tpu.vector_store %arg14[%swap3A, %swap3A_69], %add3A_68 {strides = array<i32>} : memref<1x16384xf32, #tpu.memory_space<vmem>>, vector<1x16384xf32>,
    return
  }
}

</mosaic_0001>

<sc_bundles>
// kernel: kernel.4.cloned.1.call-start
scs
__scs_entry_jumppad:
0x0: {  	(pc) =	sbr.rel $0x88, $3  }
0x1: {  	(tag) =	ssettag $0x0;
	lr =	simm.s32 $0x1  }
0x2: {  	[smem:$0x3F93] =	sst lr;
	_ =	strace $0xD0000000  }
0x3: {  	_ = 	snop  }
0x4: {  	_ = 	snop  }
0x5: {  	_ = 	snop  }
0x6: {  	_ = 	snop  }
0x7: {  	_ = 	snop  }
__scs_overlays_trampoline_lowered:
0x8: {  	[smem:$0x3FA2] =	sst s0  }
0x9: {  	[smem:$0x3FA3] =	sst s1  }
0xa: {  	[smem:$0x3FA4] =	sst s2  }
0xb: {  	[smem:$0x3FA5] =	sst s3  }
0xc: {  	[smem:$0x3FA6] =	sst s4  }
0xd: {  	[smem:$0x3FA7] =	sst s5  }
0xe: {  	[smem:$0x3FA8] =	sst s6  }
0xf: {  	[smem:$0x3FA9] =	sst s7  }
0x10: {  	[smem:$0x3FAA] =	sst s8  }
0x11: {  	[smem:$0x3FAB] =	sst s9;
	s0 =	simm.s32 @!p0 $0x0  }
0x12: {  	s1 =	sld [smem:$0x3F91];
	s0 =	simm.s32 @p0 $0x1  }
0x13: {  	[smem:$0x3FAC] =	sst s0;
	s0 =	simm.s32 @!p1 $0x0  }
0x14: {  	s2 =	sld [smem:$0x3F90];
	s0 =	simm.s32 @p1 $0x1  }
0x15: {  	[smem:$0x3FAD] =	sst s0;
	s0 =	simm.s32 @!p2 $0x0  }
0x16: {  	s3 =	sld [smem:$0x3FDB];
	s0 =	simm.s32 @p2 $0x1  }
0x17: {  	s4 =	simm.s32 $0x1BF5;
	[smem:$0x3FAF] =	sst s0  }
0x18: {  	s0 =	sld [smem:$0x3F92];
	_ =	swait.ge [sflag:s4], $0x0  }
0x19: {  	s7 =	sld [smem:$0x3F93]  }
0x1a: {  	s8 =	sadd.s32 $0xFFFFE003, lr  }
0x1b: {  	s9 =	sadd.s32 $0xFFFFFEF7, lr;
	s5 =	simm.s32 $0xFFFFFFFF;
	p2 =	slt.u32 s8, $0xFFFFF086  }
0x1c: {  	p1 =	slt.u32 s9, $0xF7A;
	s5 =	simm.s32 @!p2 $0x0  }
0x1d: {  	s5 =	simm.s32 @p1 $0x1;
	p0 =	seq.s32 s7, s2  }
0x1e: {  	s7 =	smul.u32 @!p0 $0xF7A, s2;
	p2 =	seq.s32 @!p0 s5, $0x0  }
0x1f: {  	s9 =	smul.u32 $0xF7A, s1;
	s8 =	simm.s32 @!p0 $0x1BF5;
	p2 =	por !p2, p0  }
0x20: {  	[sflag:s8] =	ssyncset.s32 @!p0 $0xFFFFF086;
	s6 =	sadd.s32 @!p0 s3, s7;
	s7 =	simm.s32 @!p0 $0x108  }
0x21: {  	s3 =	sadd.s32 s3, s9;
	s6 =	sadd.s32 @!p0 $0x88, s6;
	s7 =	simm.s32 @p2 $0x1082  }
0x22: {  	[simem:s7], [sflag:s8] =	dma.local @!p0 [hbm:s6], $0xF7A  }
0x23: {  	s9 =	sor.u32 $0xD0000000, s2;
	s6 =	simm.s32 $0x108;
	_ =	swait.ge @!p0 [sflag:s8], $0x0  }
0x24: {  	s3 =	sadd.s32 $0x88, s3;
	s6 =	simm.s32 @!p1 $0x1082;
	[sflag:s4] =	ssyncset.s32 $0xFFFFF086  }
0x25: {  	[simem:s6], [sflag:s4] =	dma.local [hbm:s3], $0xF7A  }
0x26: {  	[smem:$0x3F93] =	sst s1;
	(tag) =	ssettag s2;
	_ =	strace s9  }
0x27: {  	s1 =	sld [smem:$0x3FA3]  }
0x28: {  	s2 =	sld [smem:$0x3FA4]  }
0x29: {  	s4 =	sld [smem:$0x3FA6]  }
0x2a: {  	p0 =	seq.s32 s5, $0x0;
	s5 =	sld [smem:$0x3FA7]  }
0x2b: {  	s6 =	sld [smem:$0x3FA8]  }
0x2c: {  	s7 =	sld [smem:$0x3FA9]  }
0x2d: {  	s3 =	simm.s32 $0x108;
	s8 =	sld [smem:$0x3FAA]  }
0x2e: {  	s3 =	simm.s32 @!p0 $0x1082;
	s9 =	sld [smem:$0x3FAB]  }
0x2f: {  	lr =	sadd.s32 s0, s3;
	s0 =	sld [smem:$0x3FA2]  }
0x30: {  	s3 =	sld [smem:$0x3FA5]  }
0x31: {  	[smem:$0x3FAE] =	sst s10  }
0x32: {  	s10 =	sld [smem:$0x3FAC];
	_ =	sdelay $0x3  }
0x33: {  	p0 =	seq.s32 s10, $0x1;
	s10 =	sld [smem:$0x3FAE];
	_ =	sdelay $0x3  }
0x34: {  	[smem:$0x3FAE] =	sst s10  }
0x35: {  	s10 =	sld [smem:$0x3FAD];
	_ =	sdelay $0x3  }
0x36: {  	p1 =	seq.s32 s10, $0x1;
	s10 =	sld [smem:$0x3FAE];
	_ =	sdelay $0x3  }
0x37: {  	[smem:$0x3FAE] =	sst s10  }
0x38: {  	s10 =	sld [smem:$0x3FAF]  }
0x39: {  	_ = 	snop;
	(pc) =	sbr.ind lr, $3  }
0x3a: {  	_ = 	snop  }
0x3b: {  	_ = 	snop  }
0x3c: {  	p2 =	seq.s32 s10, $0x1;
	s10 =	sld [smem:$0x3FAE]  }
0x3d: {  	_ =	shalt  }
0x3e: {  	_ =	shalt  }
0x3f: {  	_ =	shalt  }
0x40: {  	_ =	shalt  }
0x41: {  	_ =	shalt  }
0x42: {  	_ =	shalt  }
0x43: {  	_ =	shalt  }
0x44: {  	_ =	shalt  }
0x45: {  	_ =	shalt  }
0x46: {  	_ =	shalt  }
0x47: {  	_ =	shalt  }
0x48: {  	_ =	shalt  }
0x49: {  	_ =	shalt  }
0x4a: {  	_ =	shalt  }
0x4b: {  	_ =	shalt  }
0x4c: {  	_ =	shalt  }
0x4d: {  	_ =	shalt  }
0x4e: {  	_ =	shalt  }
0x4f: {  	_ =	shalt  }
0x50: {  	_ =	shalt  }
0x51: {  	_ =	shalt  }
0x52: {  	_ =	shalt  }
0x53: {  	_ =	shalt  }
0x54: {  	_ =	shalt  }
0x55: {  	_ =	shalt  }
0x56: {  	_ =	shalt  }
0x57: {  	_ =	shalt  }
0x58: {  	_ =	shalt  }
0x59: {  	_ =	shalt  }
0x5a: {  	_ =	shalt  }
0x5b: {  	_ =	shalt  }
0x5c: {  	_ =	shalt  }
0x5d: {  	_ =	shalt  }
0x5e: {  	_ =	shalt  }
0x5f: {  	_ =	shalt  }
0x60: {  	_ =	shalt  }
0x61: {  	_ =	shalt  }
0x62: {  	_ =	shalt  }
0x63: {  	_ =	shalt  }
0x64: {  	_ =	shalt  }
0x65: {  	_ =	shalt  }
0x66: {  	_ =	shalt  }
0x67: {  	_ =	shalt  }
0x68: {  	_ =	shalt  }
0x69: {  	_ =	shalt  }
0x6a: {  	_ =	shalt  }
0x6b: {  	_ =	shalt  }
0x6c: {  	_ =	shalt  }
0x6d: {  	_ =	shalt  }
0x6e: {  	_ =	shalt  }
0x6f: {  	_ =	shalt  }
0x70: {  	_ =	shalt  }
0x71: {  	_ =	shalt  }
0x72: {  	_ =	shalt  }
0x73: {  	_ =	shalt  }
0x74: {  	_ =	shalt  }
0x75: {  	_ =	shalt  }
0x76: {  	_ =	shalt  }
0x77: {  	_ =	shalt  }
0x78: {  	_ =	shalt  }
0x79: {  	_ =	shalt  }
0x7a: {  	_ =	shalt  }
0x7b: {  	_ =	shalt  }
0x7c: {  	_ =	shalt  }
0x7d: {  	_ =	shalt  }
0x7e: {  	_ =	shalt  }
0x7f: {  	_ =	shalt  }
0x80: {  	_ =	shalt  }
0x81: {  	_ =	shalt  }
0x82: {  	_ =	shalt  }
0x83: {  	_ =	shalt  }
0x84: {  	_ =	shalt  }
0x85: {  	_ =	shalt  }
0x86: {  	_ =	shalt  }
0x87: {  	_ =	shalt  }
.Lfunc_end0:
.L_simem_size_0:
called_computation_lowered:
.L_overlay_start_0:
0x88: {  	s2 =	sld [smem:$0x3FD9]  }
0x89: {  	s3 =	sld [smem:$0x3FFE];
	_ =	sdelay $0x1  }
0x8a: {  	s1 =	srdreg.scid  }
0x8b: {  	s0 =	sand.u32 $0x1, s1  }
0x8c: {  	s17 =	sshll.u32 s0, $0xA;
	s2 =	sadd.s32 s3, s2  }
0x8d: {  	s2 =	sadd.s32 s2, s17  }
0x8e: {  	[smem:$0x3FBA] =	sst s2  }
0x8f: {  	_ = 	snop  }
0x90: {  	s2 =	sld [smem:$0x3FC9]  }
0x91: {  	s18 =	sld [smem:$0x3FC8]  }
0x92: {  	s4 =	sld [smem:$0x3FC7]  }
0x93: {  	s5 =	sld [smem:$0x3FC6]  }
0x94: {  	s6 =	sld [smem:$0x3FC5]  }
0x95: {  	s7 =	sld [smem:$0x3FC4];
	(tm) =	ssettm $0x1  }
0x96: {  	s8 =	sld [smem:$0x3FFB];
	_ =	sdelay $0x3  }
0x97: {  	_ =	strace s8  }
0x98: {  	s8 =	sld [smem:$0x3FFC];
	_ =	sdelay $0x3  }
0x99: {  	_ =	strace s8  }
0x9a: {  	s8 =	sld [smem:$0x3FFD];
	_ =	sdelay $0x3  }
0x9b: {  	_ =	strace s8  }
0x9c: {  	_ =	strace $0x8FFFFFFF  }
0x9d: {  	s19 =	sld [smem:$0x3FDB];
	_ =	sdelay $0x1  }
0x9e: {  	s9 =	simm.s32 $_scs_section_size  }
0x9f: {  	s10 =	simm.s32 $_size__tile_overlayer_lowered;
	s11 =	simm.s32 $_tile_overlayer_lowered  }
0xa0: {  	s22 =	simm.s32 $0x1BFF;
	s21 =	sshll.u32 s11, $0x1;
	s8 =	sadd.s32 s9, s19  }
0xa1: {  	s12 =	simm.s32 $0x0;
	s20 =	sshll.u32 s10, $0x1;
	s10 =	sadd.s32 s21, s8  }
0xa2: {  	[timem:s12], [sflag:s22] =	dma.local [hbm:s10], s20  }
0xa3: {  	_ =	swait.ge [sflag:s22], s20  }
0xa4: {  	s9 =	ssub.s32 $0x0, s20;
	[sflag:s22] =	ssyncset.done $0x0  }
0xa5: {  	[sflag:s22] =	ssyncadd.s32 s9;
	_ =	sdelay $0x1  }
0xa6: {  	s23 =	simm.s32 $0x1B8B  }
0xa7: {  	_ =	swait.ge [sflag:s23], $0x1  }
0xa8: {  	[sflag:s23] =	ssyncset.done $0x0  }
0xa9: {  	s25 =	simm.s32 $0x1B8E;
	s24 =	sld [smem:$0x3FFE];
	[sflag:s23] =	ssyncadd.s32 $0xFFFFFFFF  }
0xaa: {  	s26 =	simm.s32 $execute0_lowered;
	[smem:$0x3FD2] =	sst s25  }
0xab: {  	s10 =	sshll.u32 s26, $0x1;
	_ =	strace $0x80000046;
	[dreg:$0x1] =	wrdreg $0xFFFFFFFF  }
0xac: {  	s28 =	simm.s32 $_size_execute0_lowered;
	s8 =	sadd.s32 s8, s10;
	[dreg:$0x0] =	wrdreg $0x0  }
0xad: {  	s10 =	sshll.u32 s28, $0x1;
	[dreg:$0x2] =	wrdreg s8  }
0xae: {  	[dreg:$0x3] =	wrdreg s10  }
0xaf: {  	[dreg:$0x4] =	wrdreg $0xC0  }
0xb0: {  	_ =	task [dreg:s12], $0x5FFFF  }
0xb1: {  	[dreg:$0x1] =	wrdreg $0xFFFFFFFF  }
0xb2: {  	[dreg:$0x0] =	wrdreg $0x60  }
0xb3: {  	[dreg:$0x2] =	wrdreg s2  }
0xb4: {  	[dreg:$0x3] =	wrdreg s18  }
0xb5: {  	[dreg:$0x4] =	wrdreg s4  }
0xb6: {  	[dreg:$0x5] =	wrdreg s5  }
0xb7: {  	[dreg:$0x6] =	wrdreg s6  }
0xb8: {  	[dreg:$0x7] =	wrdreg s7  }
0xb9: {  	[dreg:$0x8] =	wrdreg s24  }
0xba: {  	[dreg:$0x9] =	wrdreg $0x9  }
0xbb: {  	_ =	task.clear_ibuf [dreg:s12], $0xAFFFF;
	_ =	strace $0x90000046  }
0xbc: {  	s29 =	simm.s32 $0x9;
	_ =	strace $0x80000048  }
0xbd: {  	_ =	swait.ge [sflag:s29], $0x1  }
0xbe: {  	[sflag:s29] =	ssyncadd.s32 $0xFFFFFFFF  }
0xbf: {  	_ =	strace $0x90000048  }
0xc0: {  	_ =	sfence  }
0xc1: {  	s30 =	sld [smem:$0x0];
	_ =	sdelay $0x2  }
0xc2: {  	s31 =	sshll.u32 s1, $0xD;
	s1 =	sshrl.u32 s1, $0x2  }
0xc3: {  	s3 =	sand.u32 $0x4000, s31;
	s1 =	sadd.s32 s1, s30  }
0xc4: {  	s0 =	sor.u32 s3, s0;
	s1 =	sshll.u32 s1, $0x11  }
0xc5: {  	s0 =	sor.u32 s1, s0  }
0xc6: {  	s0 =	sadd.s32 $0x8F2B, s0  }
0xc7: {  	[sflag:s0] =	ssyncadd.remote.s32 $0x1  }
0xc8: {  	_ =	sfence.sel $0xFFFF  }
0xc9: {  	[dreg:$0x0] =	wrdreg $0xFFFFFFFF;
	(pc) =	sbr.abs _section_cstart, $3  }
0xca: {  	[dreg:$0x1] =	wrdreg $0xFFFFFFFF  }
0xcb: {  	_ =	task.clear_ibuf [dreg:s12], $0x2FFFF;
	_ =	strace $0x9FFFFFFF  }
0xcc: {  	(tm) =	ssettm $0x7FFFFFFF  }
0xcd: {  	_ =	shalt  }
tec
execute0_lowered:
.L_overlay_start_1:
0x0: {  	(tag) =	ssettag $0x1  }
0x1: {  	v0 =	vimm.s32 $0xB80;
	vm14 =	vcmask $0x300;
	vm13 =	vcmask $0x704  }
0x2: {  	vm11 =	vcmask $0xB08;
	vm9 =	vcmask $0xF0C;
	v1 =	vlaneseq.u32  }
0x3: {  	vm7 =	vcmask $0x1310;
	vm5 =	vcmask $0x1714;
	vm1 =	vcmask $0x1B18  }
0x4: {  	vm0 =	vcmask $0x1F1C;
	v3 =	vimm.s32 $0x1B80;
	v4 =	vimm.s32 $0xFFE  }
0x5: {  	vm2 =	vcmask $0x2320;
	vm3 =	vcmask $0x2724;
	vm4 =	vcmask $0x2B28  }
0x6: {  	vm6 =	vcmask $0x2F2C;
	vm8 =	vcmask $0x3330;
	vm10 =	vcmask $0x3734  }
0x7: {  	vm12 =	vcmask $0x3B38;
	v5 =	vimm.s32 $0x1FFE;
	v6 =	vimm.s32 $0xFFF  }
0x8: {  	v7 =	vimm.s32 $0x1FFF;
	v0 =	vsel vm14, $0x0, v0;
	v3 =	vsel vm14, $0x1000, v3  }
0x9: {  	v4 =	vsel vm14, $0x47E, v4;
	v5 =	vsel vm14, $0x147E, v5;
	v6 =	vsel vm14, $0x47F, v6  }
0xa: {  	v7 =	vsel vm14, $0x147F, v7;
	v0 =	vsel vm13, $0x80, v0;
	v3 =	vsel vm13, $0x1080, v3  }
0xb: {  	v4 =	vsel vm13, $0x4FE, v4;
	v5 =	vsel vm13, $0x14FE, v5;
	v6 =	vsel vm13, $0x4FF, v6  }
0xc: {  	v7 =	vsel vm13, $0x14FF, v7;
	v0 =	vsel vm11, $0x100, v0;
	v3 =	vsel vm11, $0x1100, v3  }
0xd: {  	v4 =	vsel vm11, $0x57E, v4;
	v5 =	vsel vm11, $0x157E, v5;
	v6 =	vsel vm11, $0x57F, v6  }
0xe: {  	v7 =	vsel vm11, $0x157F, v7;
	v2 =	vsel vm9, $0x180, v0;
	v0 =	vmul.u32 $0x80, v1  }
0xf: {  	v3 =	vsel vm9, $0x1180, v3;
	v4 =	vsel vm9, $0x5FE, v4;
	v5 =	vsel vm9, $0x15FE, v5  }
0x10: {  	s4 =	rddreg [dreg:$0x0];
	v6 =	vsel vm9, $0x5FF, v6;
	v7 =	vsel vm9, $0x15FF, v7;
	v1 =	vsel vm7, $0x200, v2  }
0x11: {  	s5 =	rddreg [dreg:$0x1];
	v3 =	vsel vm7, $0x1200, v3;
	v4 =	vsel vm7, $0x67E, v4;
	v5 =	vsel vm7, $0x167E, v5  }
0x12: {  	s6 =	rddreg [dreg:$0x6];
	v6 =	vsel vm7, $0x67F, v6;
	v7 =	vsel vm7, $0x167F, v7;
	v2 =	vsel vm5, $0x280, v1  }
0x13: {  	s7 =	simm.s32 $0x0;
	s16 =	srdreg.scid;
	s9 =	stileid.u32;
	v1 =	vor.u32 $0x800, v0;
	v3 =	vsel vm5, $0x1280, v3;
	v4 =	vsel vm5, $0x6FE, v4  }
0x14: {  	s28 =	simm.s32 $0x4500;
	s29 =	simm.s32 $0x5500;
	s30 =	simm.s32 $0x6500;
	v5 =	vsel vm5, $0x16FE, v5;
	v6 =	vsel vm5, $0x6FF, v6;
	v7 =	vsel vm5, $0x16FF, v7  }
0x15: {  	s0 =	simm.s32 $0x7500;
	s14 =	simm.s32 $0xF500;
	s15 =	simm.s32 $0x2;
	v2 =	vsel vm1, $0x300, v2;
	v3 =	vsel vm1, $0x1300, v3;
	v4 =	vsel vm1, $0x77E, v4  }
0x16: {  	s1 =	simm.s32 $0x0;
	[smem:$0x7FF] =	sst s7;
	s7 =	sand.u32 $0x1, s16;
	v5 =	vsel vm1, $0x177E, v5;
	v6 =	vsel vm1, $0x77F, v6;
	v7 =	vsel vm1, $0x177F, v7  }
0x17: {  	s8 =	sadd.s32 $0x2000, s6;
	s9 =	sshll.u32 s9, $0xA;
	s11 =	sadd.s32 $0x12000, s6;
	v2 =	vsel vm0, $0x380, v2;
	v3 =	vsel vm0, $0x1380, v3;
	v4 =	vsel vm0, $0x7FE, v4  }
0x18: {  	s17 =	sadd.s32 $0x22000, s6;
	s6 =	sadd.s32 $0x32000, s6;
	s16 =	simm.s32 $0x3;
	v5 =	vsel vm0, $0x17FE, v5;
	v6 =	vsel vm0, $0x7FF, v6;
	v7 =	vsel vm0, $0x17FF, v7  }
0x19: {  	_ =	strace $0x80000047;
	s10 =	sshll.u32 s7, $0x9;
	s7 =	ssub.s32 $0x2, s7;
	v2 =	vsel vm2, $0x800, v2;
	v3 =	vsel vm2, $0x1800, v3;
	v4 =	vsel vm2, $0xC7E, v4  }
0x1a: {  	s9 =	sor.u32 s10, s9;
	s12 =	sshrl.u32 s7, $0x1;
	s10 =	simm.s32 $0x16500;
	v5 =	vsel vm2, $0x1C7E, v5;
	v6 =	vsel vm2, $0xC7F, v6;
	v7 =	vsel vm2, $0x1C7F, v7  }
0x1b: {  	s13 =	sshrl.u32 s9, $0x3;
	s7 =	ssub.s32 s7, s12;
	s19 =	sadd.s32 s8, s9;
	v2 =	vsel vm3, $0x880, v2;
	v3 =	vsel vm3, $0x1880, v3;
	v4 =	vsel vm3, $0xCFE, v4  }
0x1c: {  	s20 =	sadd.s32 s11, s9;
	s21 =	sadd.s32 s17, s9;
	[dreg:$0xa] =	wrdreg s19;
	v5 =	vsel vm3, $0x1CFE, v5;
	v6 =	vsel vm3, $0xCFF, v6;
	v7 =	vsel vm3, $0x1CFF, v7  }
0x1d: {  	s22 =	sadd.s32 s6, s9;
	s23 =	sor.u32 $0x100, s9;
	[dreg:$0xb] =	wrdreg s20;
	v2 =	vsel vm4, $0x900, v2;
	v3 =	vsel vm4, $0x1900, v3;
	v4 =	vsel vm4, $0xD7E, v4  }
0x1e: {  	s9 =	simm.s32 $0x12500;
	s12 =	simm.s32 $0xD500;
	[dreg:$0xc] =	wrdreg s21;
	v5 =	vsel vm4, $0x1D7E, v5;
	v6 =	vsel vm4, $0xD7F, v6;
	v7 =	vsel vm4, $0x1D7F, v7  }
0x1f: {  	s4 =	sadd.s32 s4, s13;
	s18 =	sadd.s32 s5, s13;
	[dreg:$0xd] =	wrdreg s22;
	v2 =	vsel vm6, $0x980, v2;
	v3 =	vsel vm6, $0x1980, v3;
	v4 =	vsel vm6, $0xDFE, v4  }
0x20: {  	s24 =	sadd.s32 s8, s23;
	s25 =	sadd.s32 s11, s23;
	[dreg:$0x8] =	wrdreg s4;
	v5 =	vsel vm6, $0x1DFE, v5;
	v6 =	vsel vm6, $0xDFF, v6;
	v7 =	vsel vm6, $0x1DFF, v7  }
0x21: {  	s26 =	sadd.s32 s17, s23;
	s31 =	smax.u32 s7, $0x1;
	[dreg:$0x9] =	wrdreg s18;
	v2 =	vsel vm8, $0xA00, v2;
	v3 =	vsel vm8, $0x1A00, v3;
	v4 =	vsel vm8, $0xE7E, v4  }
0x22: {  	s19 =	simm.s32 $0x5;
	s20 =	simm.s32 $0x400;
	[dreg:$0xe] =	wrdreg s24;
	v5 =	vsel vm8, $0x1E7E, v5;
	v6 =	vsel vm8, $0xE7F, v6;
	v7 =	vsel vm8, $0x1E7F, v7  }
0x23: {  	s21 =	simm.s32 $0x7A1400;
	s5 =	simm.s32 $0x1;
	[dreg:$0xf] =	wrdreg s25;
	v2 =	vsel vm10, $0xA80, v2;
	v3 =	vsel vm10, $0x1A80, v3;
	v4 =	vsel vm10, $0xEFE, v4  }
0x24: {  	s7 =	simm.s32 $0x10500;
	s8 =	simm.s32 $0x14500;
	[dreg:$0x10] =	wrdreg s26;
	v5 =	vsel vm10, $0x1EFE, v5;
	v6 =	vsel vm10, $0xEFF, v6;
	v7 =	vsel vm10, $0x1EFF, v7  }
0x25: {  	s22 =	simm.s32 $0xC500;
	s4 =	sadd.s32 s6, s23;
	[dreg:$0x12] =	wrdreg s31;
	v2 =	vsel vm12, $0xB00, v2;
	v3 =	vsel vm12, $0x1B00, v3;
	v4 =	vsel vm12, $0xF7E, v4  }
0x26: {  	s13 =	simm.s32 $0xE500;
	s17 =	simm.s32 $0x4;
	[dreg:$0x11] =	wrdreg s4;
	v5 =	vsel vm12, $0x1F7E, v5;
	v6 =	vsel vm12, $0xF7F, v6;
	v7 =	vsel vm12, $0x1F7F, v7  }
.LBB2_1:
0x27: {  	[dreg:$0x13] =	wrdreg s1  }
0x28: {  	s4 =	simm.s32 $0x0;
	s6 =	rddreg [dreg:$0x8]  }
0x29: {  	[tilespmem:s4], [sflag:$0x5] =	stream.linear.gather [hbm4b:s6+s4], $0x200, $0x38;
	[tilespmem:$0x18500] =	vst v63  }
0x2a: {  	_ =	swait.ge [sflag:s19], $0x200  }
0x2b: {  	[sflag:s19] =	ssyncset.done $0x0  }
0x2c: {  	s18 =	simm.s32 $0x280;
	s26 =	rddreg [dreg:$0x9];
	[sflag:s19] =	ssyncadd.s32 $0xFFFFFE00  }
0x2d: {  	[tilespmem:s18], [sflag:$0x5] =	stream.linear.gather [hbm4b:s26+s4], $0x200, $0x38;
	[tilespmem:$0x18500] =	vst v63  }
0x2e: {  	_ =	swait.ge [sflag:s19], $0x200  }
0x2f: {  	[sflag:s19] =	ssyncset.done $0x0  }
0x30: {  	[sflag:s19] =	ssyncadd.s32 $0xFFFFFE00  }
0x31: {  	s31 =	simm.s32 $0x1;
	s1 =	rddreg [dreg:$0x2]  }
0x32: {  	s23 =	simm.s32 $0x500;
	s24 =	simm.s32 $0x1500;
	s2 =	rddreg [dreg:$0x3]  }
0x33: {  	s25 =	simm.s32 $0x2500;
	s4 =	simm.s32 $0x1;
	s3 =	rddreg [dreg:$0x4]  }
0x34: {  	s26 =	simm.s32 $0x3500;
	s19 =	simm.s32 $0x281;
	s11 =	rddreg [dreg:$0x5]  }
.LBB2_2:
0x35: {  	v8 =	vld [tilespmem:s31+$0xFFFFFFFF];
	_ =	sdelay $0x3  }
0x36: {  	v9 =	vld [tilespmem:s19+$0xFFFFFFFF]  }
0x37: {  	(v2sf) =	vpush v8, $0x0;
	_ =	sdelay $0x3  }
0x38: {  	(v2sf) =	vpush v9, $0x0;
	_ =	sdelay $0xa  }
0x39: {  	s6 =	spop (v2sf)  }
0x3a: {  	s6 =	sand.u32 $0xFFFFF80, s6  }
0x3b: {  	s18 =	sadd.s32 s1, s6  }
0x3c: {  	[tilespmem:s23], [sflag:$0x1] =	stream.strided.gather [hbm4b:s18+s20], $0x1000, s21, s20, $0x38;
	[tilespmem:$0x18500] =	vst v63  }
0x3d: {  	s23 =	spop (v2sf)  }
0x3e: {  	s6 =	sadd.s32 s3, s6;
	s1 =	sand.u32 $0xFFFFF80, s23  }
0x3f: {  	[tilespmem:s24], [sflag:$0x1] =	stream.strided.gather [hbm4b:s6+s20], $0x1000, s21, s20, $0x38;
	[tilespmem:$0x18500] =	vst v63  }
0x40: {  	s18 =	sadd.s32 s2, s1  }
0x41: {  	[tilespmem:s25], [sflag:$0x1] =	stream.strided.gather [hbm4b:s18+s20], $0x1000, s21, s20, $0x38;
	[tilespmem:$0x18500] =	vst v63  }
0x42: {  	p0 =	seq.s32 s4, $0x1;
	s6 =	sadd.s32 s11, s1  }
0x43: {  	[tilespmem:s26], [sflag:$0x1] =	stream.strided.gather [hbm4b:s6+s20], $0x1000, s21, s20, $0x38;
	[tilespmem:$0x18500] =	vst v63  }
0x44: {  	_ =	swait.ge @!p0 [sflag:s16], $0x1000  }
0x45: {  	[sflag:s16] =	ssyncset.done @!p0 $0x0  }
0x46: {  	[sflag:s16] =	ssyncadd.s32 @!p0 $0xFFFFF000  }
0x47: {  	_ =	swait.ge @!p0 [sflag:s16], $0x1000  }
0x48: {  	[sflag:s16] =	ssyncset.done @!p0 $0x0  }
0x49: {  	[sflag:s16] =	ssyncadd.s32 @!p0 $0xFFFFF000  }
0x4a: {  	_ =	swait.ge @!p0 [sflag:s16], $0x1000  }
0x4b: {  	[sflag:s16] =	ssyncset.done @!p0 $0x0  }
0x4c: {  	[sflag:s16] =	ssyncadd.s32 @!p0 $0xFFFFF000  }
0x4d: {  	_ =	swait.ge @!p0 [sflag:s16], $0x1000  }
0x4e: {  	[sflag:s16] =	ssyncset.done @!p0 $0x0  }
0x4f: {  	[sflag:s16] =	ssyncadd.s32 @!p0 $0xFFFFF000  }
0x50: {  	v8 =	vld @!p0 [tilespmem:s31+$0xFFFFFFFD];
	_ =	sdelay $0x4  }
0x51: {  	(v2sf) =	vpush @!p0 v8, $0x0;
	_ =	sdelay $0x8  }
0x52: {  	v8 =	vld @!p0 [tilespmem:s19+$0xFFFFFFFD];
	_ =	sdelay $0x4  }
0x53: {  	(v2sf) =	vpush @!p0 v8, $0x0  }
0x54: {  	s6 =	spop @!p0 (v2sf)  }
0x55: {  	s6 =	sand.u32 @!p0 $0x7F, s6  }
0x56: {  	s18 =	sadd.s32 @!p0 $0xFFFFFFFD, s4;
	v8 =	vor.u32 @!p0 s6, v0  }
0x57: {  	v9 =	vmov @!p0 s18;
	v10 =	vor.u32 @!p0 s6, v1  }
0x58: {  	v11 =	vshll.u32 @!p0 v9, $0x3  }
0x59: {  	v9 =	vand.u32 @!p0 $0x7E, v9;
	v11 =	vand.u32 @!p0 $0xFFFFFC00, v11  }
0x5a: {  	v9 =	vor.u32 @!p0 v9, v11;
	s6 =	simm.s32 @!p0 $0x8500  }
0x5b: {  	v12 =	vadd.s32 @!p0 v2, v9;
	v11 =	vld.idx.msk @!p0 [tilespmem:v8+s6+$0x0], $0xffff  }
0x5c: {  	v9 =	vadd.s32 @!p0 v3, v9;
	v13 =	vld.idx.msk @!p0 [tilespmem:v10+s6+$0x0], $0xffff;
	_ =	sdelay $0x3  }
0x5d: {  	[tilespmem:v12+s7+$0x0] =	vst.idx.msk @!p0 $0xffff, v11  }
0x5e: {  	s18 =	simm.s32 @!p0 $0x9500;
	[tilespmem:v9+s7+$0x0] =	vst.idx.msk @!p0 $0xffff, v13  }
0x5f: {  	s6 =	spop @!p0 (v2sf);
	v8 =	vld.idx.msk @!p0 [tilespmem:v8+s18+$0x0], $0xffff  }
0x60: {  	s6 =	sand.u32 @!p0 $0x7F, s6;
	v10 =	vld.idx.msk @!p0 [tilespmem:v10+s18+$0x0], $0xffff  }
0x61: {  	v11 =	vor.u32 @!p0 s6, v0  }
0x62: {  	v13 =	vor.u32 @!p0 s6, v1;
	_ =	sdelay $0x1  }
0x63: {  	[tilespmem:v12+s8+$0x0] =	vst.idx.msk @!p0 $0xffff, v8  }
0x64: {  	s6 =	simm.s32 @!p0 $0xA500;
	[tilespmem:v9+s8+$0x0] =	vst.idx.msk @!p0 $0xffff, v10  }
0x65: {  	v8 =	vld.idx.msk @!p0 [tilespmem:v11+s6+$0x0], $0xffff  }
0x66: {  	v10 =	vld.idx.msk @!p0 [tilespmem:v13+s6+$0x0], $0xffff;
	_ =	sdelay $0x3  }
0x67: {  	[tilespmem:v12+s9+$0x0] =	vst.idx.msk @!p0 $0xffff, v8  }
0x68: {  	s6 =	simm.s32 @!p0 $0xB500;
	[tilespmem:v9+s9+$0x0] =	vst.idx.msk @!p0 $0xffff, v10  }
0x69: {  	v8 =	vld.idx.msk @!p0 [tilespmem:v11+s6+$0x0], $0xffff  }
0x6a: {  	v10 =	vld.idx.msk @!p0 [tilespmem:v13+s6+$0x0], $0xffff;
	_ =	sdelay $0x3  }
0x6b: {  	[tilespmem:v12+s10+$0x0] =	vst.idx.msk @!p0 $0xffff, v8  }
0x6c: {  	[tilespmem:v9+s10+$0x0] =	vst.idx.msk @!p0 $0xffff, v10  }
0x6d: {  	v8 =	vld [tilespmem:s31+$0x0];
	_ =	sdelay $0x1  }
0x6e: {  	v9 =	vld [tilespmem:s19+$0x0];
	_ =	sdelay $0x2  }
0x6f: {  	(v2sf) =	vpush v8, $0x0;
	_ =	sdelay $0x1  }
0x70: {  	(v2sf) =	vpush v9, $0x0;
	_ =	sdelay $0xc  }
0x71: {  	s18 =	spop (v2sf)  }
0x72: {  	s1 =	rddreg [dreg:$0x2];
	s6 =	sand.u32 $0xFFFFF80, s18  }
0x73: {  	s24 =	spop (v2sf);
	s23 =	sadd.s32 s1, s6  }
0x74: {  	[tilespmem:s28], [sflag:$0x2] =	stream.strided.gather [hbm4b:s23+s20], $0x1000, s21, s20, $0x38;
	[tilespmem:$0x18500] =	vst v63  }
0x75: {  	s6 =	sadd.s32 s3, s6;
	s25 =	sand.u32 $0xFFFFF80, s24  }
0x76: {  	[tilespmem:s29], [sflag:$0x2] =	stream.strided.gather [hbm4b:s6+s20], $0x1000, s21, s20, $0x38;
	[tilespmem:$0x18500] =	vst v63  }
0x77: {  	s18 =	sadd.s32 s2, s25  }
0x78: {  	[tilespmem:s30], [sflag:$0x2] =	stream.strided.gather [hbm4b:s18+s20], $0x1000, s21, s20, $0x38;
	[tilespmem:$0x18500] =	vst v63  }
0x79: {  	s6 =	sadd.s32 s11, s25  }
0x7a: {  	[tilespmem:s0], [sflag:$0x2] =	stream.strided.gather [hbm4b:s6+s20], $0x1000, s21, s20, $0x38;
	[tilespmem:$0x18500] =	vst v63  }
0x7b: {  	_ =	swait.ge @!p0 [sflag:s17], $0x1000  }
0x7c: {  	[sflag:s17] =	ssyncset.done @!p0 $0x0  }
0x7d: {  	[sflag:s17] =	ssyncadd.s32 @!p0 $0xFFFFF000  }
0x7e: {  	_ =	swait.ge @!p0 [sflag:s17], $0x1000  }
0x7f: {  	[sflag:s17] =	ssyncset.done @!p0 $0x0  }
0x80: {  	[sflag:s17] =	ssyncadd.s32 @!p0 $0xFFFFF000  }
0x81: {  	_ =	swait.ge @!p0 [sflag:s17], $0x1000  }
0x82: {  	[sflag:s17] =	ssyncset.done @!p0 $0x0  }
0x83: {  	[sflag:s17] =	ssyncadd.s32 @!p0 $0xFFFFF000  }
0x84: {  	_ =	swait.ge @!p0 [sflag:s17], $0x1000  }
0x85: {  	[sflag:s17] =	ssyncset.done @!p0 $0x0  }
0x86: {  	[sflag:s17] =	ssyncadd.s32 @!p0 $0xFFFFF000  }
0x87: {  	v8 =	vld @!p0 [tilespmem:s31+$0xFFFFFFFE];
	_ =	sdelay $0x4  }
0x88: {  	(v2sf) =	vpush @!p0 v8, $0x0;
	_ =	sdelay $0x8  }
0x89: {  	v8 =	vld @!p0 [tilespmem:s19+$0xFFFFFFFE];
	_ =	sdelay $0x4  }
0x8a: {  	(v2sf) =	vpush @!p0 v8, $0x0  }
0x8b: {  	s6 =	spop @!p0 (v2sf)  }
0x8c: {  	s6 =	sand.u32 @!p0 $0x7F, s6  }
0x8d: {  	s18 =	sadd.s32 @!p0 $0xFFFFFFFE, s4;
	v8 =	vor.u32 @!p0 s6, v0  }
0x8e: {  	v9 =	vmov @!p0 s18;
	v10 =	vor.u32 @!p0 s6, v1  }
0x8f: {  	v11 =	vshll.u32 @!p0 v9, $0x3  }
0x90: {  	v9 =	vand.u32 @!p0 $0x7F, v9;
	v11 =	vand.u32 @!p0 $0xFFFFFC00, v11  }
0x91: {  	v9 =	vor.u32 @!p0 v9, v11;
	s6 =	simm.s32 @!p0 $0xC500  }
0x92: {  	v12 =	vadd.s32 @!p0 v2, v9;
	v11 =	vld.idx.msk @!p0 [tilespmem:v8+s6+$0x0], $0xffff  }
0x93: {  	v9 =	vadd.s32 @!p0 v3, v9;
	v13 =	vld.idx.msk @!p0 [tilespmem:v10+s6+$0x0], $0xffff;
	_ =	sdelay $0x3  }
0x94: {  	[tilespmem:v12+s7+$0x0] =	vst.idx.msk @!p0 $0xffff, v11  }
0x95: {  	s0 =	simm.s32 @!p0 $0xD500;
	[tilespmem:v9+s7+$0x0] =	vst.idx.msk @!p0 $0xffff, v13  }
0x96: {  	s6 =	spop @!p0 (v2sf);
	v8 =	vld.idx.msk @!p0 [tilespmem:v8+s0+$0x0], $0xffff  }
0x97: {  	s6 =	sand.u32 @!p0 $0x7F, s6;
	v10 =	vld.idx.msk @!p0 [tilespmem:v10+s0+$0x0], $0xffff  }
0x98: {  	v11 =	vor.u32 @!p0 s6, v0  }
0x99: {  	v13 =	vor.u32 @!p0 s6, v1;
	_ =	sdelay $0x1  }
0x9a: {  	[tilespmem:v12+s8+$0x0] =	vst.idx.msk @!p0 $0xffff, v8  }
0x9b: {  	s0 =	simm.s32 @!p0 $0xE500;
	[tilespmem:v9+s8+$0x0] =	vst.idx.msk @!p0 $0xffff, v10  }
0x9c: {  	v8 =	vld.idx.msk @!p0 [tilespmem:v11+s0+$0x0], $0xffff  }
0x9d: {  	v10 =	vld.idx.msk @!p0 [tilespmem:v13+s0+$0x0], $0xffff;
	_ =	sdelay $0x3  }
0x9e: {  	[tilespmem:v12+s9+$0x0] =	vst.idx.msk @!p0 $0xffff, v8  }
0x9f: {  	s0 =	simm.s32 @!p0 $0xF500;
	[tilespmem:v9+s9+$0x0] =	vst.idx.msk @!p0 $0xffff, v10  }
0xa0: {  	v8 =	vld.idx.msk @!p0 [tilespmem:v11+s0+$0x0], $0xffff  }
0xa1: {  	v10 =	vld.idx.msk @!p0 [tilespmem:v13+s0+$0x0], $0xffff;
	_ =	sdelay $0x3  }
0xa2: {  	[tilespmem:v12+s10+$0x0] =	vst.idx.msk @!p0 $0xffff, v8  }
0xa3: {  	[tilespmem:v9+s10+$0x0] =	vst.idx.msk @!p0 $0xffff, v10  }
0xa4: {  	v8 =	vld [tilespmem:s31+$0x1];
	_ =	sdelay $0x1  }
0xa5: {  	v9 =	vld [tilespmem:s19+$0x1];
	_ =	sdelay $0x2  }
0xa6: {  	(v2sf) =	vpush v8, $0x0;
	_ =	sdelay $0x1  }
0xa7: {  	(v2sf) =	vpush v9, $0x0;
	_ =	sdelay $0xc  }
0xa8: {  	s26 =	spop (v2sf)  }
0xa9: {  	s6 =	sand.u32 $0xFFFFF80, s26  }
0xaa: {  	s23 =	simm.s32 $0x8500;
	s24 =	spop (v2sf);
	s0 =	sadd.s32 s1, s6  }
0xab: {  	[tilespmem:s23], [sflag:$0x3] =	stream.strided.gather [hbm4b:s0+s20], $0x1000, s21, s20, $0x38;
	[tilespmem:$0x18500] =	vst v63  }
0xac: {  	s25 =	simm.s32 $0x9500;
	s6 =	sadd.s32 s3, s6;
	s26 =	sand.u32 $0xFFFFF80, s24  }
0xad: {  	[tilespmem:s25], [sflag:$0x3] =	stream.strided.gather [hbm4b:s6+s20], $0x1000, s21, s20, $0x38;
	[tilespmem:$0x18500] =	vst v63  }
0xae: {  	s18 =	sadd.s32 s2, s26;
	s23 =	simm.s32 $0xA500  }
0xaf: {  	[tilespmem:s23], [sflag:$0x3] =	stream.strided.gather [hbm4b:s18+s20], $0x1000, s21, s20, $0x38;
	[tilespmem:$0x18500] =	vst v63  }
0xb0: {  	s24 =	simm.s32 $0xB500;
	s6 =	sadd.s32 s11, s26  }
0xb1: {  	[tilespmem:s24], [sflag:$0x3] =	stream.strided.gather [hbm4b:s6+s20], $0x1000, s21, s20, $0x38;
	[tilespmem:$0x18500] =	vst v63  }
0xb2: {  	_ =	swait.ge [sflag:s5], $0x1000  }
0xb3: {  	[sflag:s5] =	ssyncset.done $0x0  }
0xb4: {  	[sflag:s5] =	ssyncadd.s32 $0xFFFFF000  }
0xb5: {  	_ =	swait.ge [sflag:s5], $0x1000  }
0xb6: {  	[sflag:s5] =	ssyncset.done $0x0  }
0xb7: {  	[sflag:s5] =	ssyncadd.s32 $0xFFFFF000  }
0xb8: {  	_ =	swait.ge [sflag:s5], $0x1000  }
0xb9: {  	[sflag:s5] =	ssyncset.done $0x0  }
0xba: {  	[sflag:s5] =	ssyncadd.s32 $0xFFFFF000  }
0xbb: {  	_ =	swait.ge [sflag:s5], $0x1000  }
0xbc: {  	[sflag:s5] =	ssyncset.done $0x0  }
0xbd: {  	[sflag:s5] =	ssyncadd.s32 $0xFFFFF000  }
0xbe: {  	v8 =	vld [tilespmem:s31+$0xFFFFFFFF];
	_ =	sdelay $0x4  }
0xbf: {  	(v2sf) =	vpush v8, $0x0;
	_ =	sdelay $0x8  }
0xc0: {  	v8 =	vld [tilespmem:s19+$0xFFFFFFFF];
	_ =	sdelay $0x4  }
0xc1: {  	(v2sf) =	vpush v8, $0x0  }
0xc2: {  	s25 =	spop (v2sf)  }
0xc3: {  	s6 =	sand.u32 $0x7F, s25  }
0xc4: {  	s26 =	sadd.s32 $0xFFFFFFFF, s4;
	v8 =	vor.u32 s6, v0  }
0xc5: {  	v48 =	vmov s26;
	v49 =	vor.u32 s6, v1  }
0xc6: {  	v50 =	vshll.u32 v48, $0x3  }
0xc7: {  	v9 =	vand.u32 $0x7C, v48;
	v11 =	vand.u32 $0x400, v50  }
0xc8: {  	s23 =	simm.s32 $0x500;
	v9 =	vor.u32 v9, v11  }
0xc9: {  	v52 =	vor.u32 v2, v9;
	v51 =	vld.idx.msk [tilespmem:v8+s23+$0x0], $0xffff  }
0xca: {  	v9 =	vor.u32 v3, v9;
	v53 =	vld.idx.msk [tilespmem:v49+s23+$0x0], $0xffff;
	_ =	sdelay $0x3  }
0xcb: {  	[tilespmem:v52+s7+$0x0] =	vst.idx.msk $0xffff, v51  }
0xcc: {  	s24 =	simm.s32 $0x1500;
	[tilespmem:v9+s7+$0x0] =	vst.idx.msk $0xffff, v53  }
0xcd: {  	s0 =	spop (v2sf);
	v8 =	vld.idx.msk [tilespmem:v8+s24+$0x0], $0xffff  }
0xce: {  	s6 =	sand.u32 $0x7F, s0;
	v10 =	vld.idx.msk [tilespmem:v49+s24+$0x0], $0xffff  }
0xcf: {  	v54 =	vor.u32 s6, v0  }
0xd0: {  	v55 =	vor.u32 s6, v1;
	_ =	sdelay $0x1  }
0xd1: {  	[tilespmem:v52+s8+$0x0] =	vst.idx.msk $0xffff, v8  }
0xd2: {  	s25 =	simm.s32 $0x2500;
	[tilespmem:v9+s8+$0x0] =	vst.idx.msk $0xffff, v10  }
0xd3: {  	v8 =	vld.idx.msk [tilespmem:v54+s25+$0x0], $0xffff  }
0xd4: {  	v10 =	vld.idx.msk [tilespmem:v55+s25+$0x0], $0xffff;
	_ =	sdelay $0x3  }
0xd5: {  	[tilespmem:v52+s9+$0x0] =	vst.idx.msk $0xffff, v8  }
0xd6: {  	s26 =	simm.s32 $0x3500;
	[tilespmem:v9+s9+$0x0] =	vst.idx.msk $0xffff, v10  }
0xd7: {  	v8 =	vld.idx.msk [tilespmem:v54+s26+$0x0], $0xffff  }
0xd8: {  	v10 =	vld.idx.msk [tilespmem:v55+s26+$0x0], $0xffff;
	_ =	sdelay $0x3  }
0xd9: {  	[tilespmem:v52+s10+$0x0] =	vst.idx.msk $0xffff, v8  }
0xda: {  	[tilespmem:v9+s10+$0x0] =	vst.idx.msk $0xffff, v10  }
0xdb: {  	v8 =	vld [tilespmem:s31+$0x2];
	_ =	sdelay $0x3  }
0xdc: {  	v9 =	vld [tilespmem:s19+$0x2]  }
0xdd: {  	(v2sf) =	vpush v8, $0x0;
	_ =	sdelay $0x3  }
0xde: {  	(v2sf) =	vpush v9, $0x0;
	_ =	sdelay $0xa  }
0xdf: {  	s18 =	spop (v2sf)  }
0xe0: {  	s6 =	sand.u32 $0xFFFFF80, s18  }
0xe1: {  	s22 =	simm.s32 @!p0 $0xC500;
	s0 =	sadd.s32 s1, s6  }
0xe2: {  	[tilespmem:s22], [sflag:$0x4] =	stream.strided.gather [hbm4b:s0+s20], $0x1000, s21, s20, $0x38;
	[tilespmem:$0x18500] =	vst v63  }
0xe3: {  	s0 =	spop (v2sf)  }
0xe4: {  	s12 =	simm.s32 @!p0 $0xD500;
	s6 =	sadd.s32 s3, s6;
	s0 =	sand.u32 $0xFFFFF80, s0  }
0xe5: {  	[tilespmem:s12], [sflag:$0x4] =	stream.strided.gather [hbm4b:s6+s20], $0x1000, s21, s20, $0x38;
	[tilespmem:$0x18500] =	vst v63  }
0xe6: {  	s13 =	simm.s32 @!p0 $0xE500;
	s18 =	sadd.s32 s2, s0  }
0xe7: {  	[tilespmem:s13], [sflag:$0x4] =	stream.strided.gather [hbm4b:s18+s20], $0x1000, s21, s20, $0x38;
	[tilespmem:$0x18500] =	vst v63  }
0xe8: {  	s14 =	simm.s32 @!p0 $0xF500;
	s6 =	sadd.s32 s11, s0  }
0xe9: {  	[tilespmem:s14], [sflag:$0x4] =	stream.strided.gather [hbm4b:s6+s20], $0x1000, s21, s20, $0x38;
	[tilespmem:$0x18500] =	vst v63  }
0xea: {  	_ =	swait.ge [sflag:s15], $0x1000  }
0xeb: {  	[sflag:s15] =	ssyncset.done $0x0  }
0xec: {  	[sflag:s15] =	ssyncadd.s32 $0xFFFFF000  }
0xed: {  	_ =	swait.ge [sflag:s15], $0x1000  }
0xee: {  	[sflag:s15] =	ssyncset.done $0x0  }
0xef: {  	[sflag:s15] =	ssyncadd.s32 $0xFFFFF000  }
0xf0: {  	_ =	swait.ge [sflag:s15], $0x1000  }
0xf1: {  	[sflag:s15] =	ssyncset.done $0x0  }
0xf2: {  	[sflag:s15] =	ssyncadd.s32 $0xFFFFF000  }
0xf3: {  	_ =	swait.ge [sflag:s15], $0x1000  }
0xf4: {  	[sflag:s15] =	ssyncset.done $0x0  }
0xf5: {  	[sflag:s15] =	ssyncadd.s32 $0xFFFFF000  }
0xf6: {  	v8 =	vld [tilespmem:s31+$0x0];
	_ =	sdelay $0x4  }
0xf7: {  	(v2sf) =	vpush v8, $0x0;
	_ =	sdelay $0x8  }
0xf8: {  	v8 =	vld [tilespmem:s19+$0x0];
	_ =	sdelay $0x4  }
0xf9: {  	(v2sf) =	vpush v8, $0x0  }
0xfa: {  	s18 =	spop (v2sf)  }
0xfb: {  	s6 =	sand.u32 $0x7F, s18  }
0xfc: {  	v8 =	vor.u32 s6, v0  }
0xfd: {  	v56 =	vmov s4;
	v57 =	vor.u32 s6, v1  }
0xfe: {  	v58 =	vshll.u32 v56, $0x3  }
0xff: {  	v11 =	vand.u32 $0x400, v58;
	v9 =	vand.u32 $0x7D, v56  }
0x100: {  	v9 =	vor.u32 v9, v11;
	s0 =	simm.s32 $0x4500  }
0x101: {  	v60 =	vor.u32 v2, v9;
	v59 =	vld.idx.msk [tilespmem:v8+s0+$0x0], $0xffff  }
0x102: {  	v9 =	vor.u32 v3, v9;
	v61 =	vld.idx.msk [tilespmem:v57+s0+$0x0], $0xffff;
	_ =	sdelay $0x3  }
0x103: {  	[tilespmem:v60+s7+$0x0] =	vst.idx.msk $0xffff, v59  }
0x104: {  	s0 =	simm.s32 $0x5500;
	[tilespmem:v9+s7+$0x0] =	vst.idx.msk $0xffff, v61  }
0x105: {  	s18 =	spop (v2sf);
	v8 =	vld.idx.msk [tilespmem:v8+s0+$0x0], $0xffff  }
0x106: {  	s6 =	sand.u32 $0x7F, s18;
	v10 =	vld.idx.msk [tilespmem:v57+s0+$0x0], $0xffff  }
0x107: {  	v62 =	vor.u32 s6, v0  }
0x108: {  	v63 =	vor.u32 s6, v1;
	_ =	sdelay $0x1  }
0x109: {  	[tilespmem:v60+s8+$0x0] =	vst.idx.msk $0xffff, v8  }
0x10a: {  	s0 =	simm.s32 $0x6500;
	[tilespmem:v9+s8+$0x0] =	vst.idx.msk $0xffff, v10  }
0x10b: {  	v8 =	vld.idx.msk [tilespmem:v62+s0+$0x0], $0xffff  }
0x10c: {  	v10 =	vld.idx.msk [tilespmem:v63+s0+$0x0], $0xffff;
	_ =	sdelay $0x3  }
0x10d: {  	[tilespmem:v60+s9+$0x0] =	vst.idx.msk $0xffff, v8  }
0x10e: {  	s18 =	simm.s32 $0x7500;
	[tilespmem:v9+s9+$0x0] =	vst.idx.msk $0xffff, v10  }
0x10f: {  	s4 =	sadd.s32 $0x4, s4;
	v8 =	vld.idx.msk [tilespmem:v62+s18+$0x0], $0xffff  }
0x110: {  	p0 =	sne.s32 s4, $0x101;
	v10 =	vld.idx.msk [tilespmem:v63+s18+$0x0], $0xffff  }
.Ltmp0:
0x111: {  	_ = 	snop;
	(pc) =	sbr.rel @p0 .LBB2_2-.Ltmp0, $3  }
0x112: {  	_ =	sdelay $0x1  }
0x113: {  	s28 =	simm.s32 $0x4500;
	s29 =	simm.s32 $0x5500;
	s30 =	simm.s32 $0x6500;
	[tilespmem:v60+s10+$0x0] =	vst.idx.msk $0xffff, v8  }
0x114: {  	s31 =	sadd.s32 $0x4, s31;
	s19 =	sadd.s32 $0x4, s19;
	s0 =	simm.s32 $0x7500;
	[tilespmem:v9+s10+$0x0] =	vst.idx.msk $0xffff, v10  }
0x115: {  	_ =	swait.ge [sflag:s16], $0x1000  }
0x116: {  	[sflag:s16] =	ssyncset.done $0x0  }
0x117: {  	[sflag:s16] =	ssyncadd.s32 $0xFFFFF000  }
0x118: {  	_ =	swait.ge [sflag:s16], $0x1000  }
0x119: {  	[sflag:s16] =	ssyncset.done $0x0  }
0x11a: {  	[sflag:s16] =	ssyncadd.s32 $0xFFFFF000  }
0x11b: {  	_ =	swait.ge [sflag:s16], $0x1000  }
0x11c: {  	[sflag:s16] =	ssyncset.done $0x0  }
0x11d: {  	[sflag:s16] =	ssyncadd.s32 $0xFFFFF000  }
0x11e: {  	_ =	swait.ge [sflag:s16], $0x1000  }
0x11f: {  	[sflag:s16] =	ssyncset.done $0x0  }
0x120: {  	[sflag:s16] =	ssyncadd.s32 $0xFFFFF000  }
0x121: {  	v8 =	vld [tilespmem:$0xFE];
	_ =	sdelay $0x4  }
0x122: {  	(v2sf) =	vpush v8, $0x0;
	_ =	sdelay $0x8  }
0x123: {  	v8 =	vld [tilespmem:$0x37E];
	_ =	sdelay $0x4  }
0x124: {  	(v2sf) =	vpush v8, $0x0  }
0x125: {  	s4 =	spop (v2sf)  }
0x126: {  	s4 =	sand.u32 $0x7F, s4  }
0x127: {  	v8 =	vor.u32 s4, v0  }
0x128: {  	v9 =	vor.u32 s4, v1;
	_ =	sdelay $0x2  }
0x129: {  	s14 =	simm.s32 $0x8500  }
0x12a: {  	v10 =	vld.idx.msk [tilespmem:v8+s14+$0x0], $0xffff  }
0x12b: {  	v11 =	vld.idx.msk [tilespmem:v9+s14+$0x0], $0xffff;
	_ =	sdelay $0x3  }
0x12c: {  	[tilespmem:v4+s7+$0x0] =	vst.idx.msk $0xffff, v10  }
0x12d: {  	s6 =	simm.s32 $0x9500;
	[tilespmem:v5+s7+$0x0] =	vst.idx.msk $0xffff, v11  }
0x12e: {  	s18 =	spop (v2sf);
	v8 =	vld.idx.msk [tilespmem:v8+s6+$0x0], $0xffff  }
0x12f: {  	s4 =	sand.u32 $0x7F, s18;
	v9 =	vld.idx.msk [tilespmem:v9+s6+$0x0], $0xffff  }
0x130: {  	v57 =	vor.u32 s4, v0  }
0x131: {  	v58 =	vor.u32 s4, v1;
	_ =	sdelay $0x1  }
0x132: {  	[tilespmem:v4+s8+$0x0] =	vst.idx.msk $0xffff, v8  }
0x133: {  	s19 =	simm.s32 $0xA500;
	[tilespmem:v5+s8+$0x0] =	vst.idx.msk $0xffff, v9  }
0x134: {  	v8 =	vld.idx.msk [tilespmem:v57+s19+$0x0], $0xffff  }
0x135: {  	v9 =	vld.idx.msk [tilespmem:v58+s19+$0x0], $0xffff;
	_ =	sdelay $0x3  }
0x136: {  	[tilespmem:v4+s9+$0x0] =	vst.idx.msk $0xffff, v8  }
0x137: {  	s22 =	simm.s32 $0xB500;
	[tilespmem:v5+s9+$0x0] =	vst.idx.msk $0xffff, v9  }
0x138: {  	v8 =	vld.idx.msk [tilespmem:v57+s22+$0x0], $0xffff  }
0x139: {  	v9 =	vld.idx.msk [tilespmem:v58+s22+$0x0], $0xffff;
	_ =	sdelay $0x3  }
0x13a: {  	[tilespmem:v4+s10+$0x0] =	vst.idx.msk $0xffff, v8  }
0x13b: {  	[tilespmem:v5+s10+$0x0] =	vst.idx.msk $0xffff, v9  }
0x13c: {  	_ =	swait.ge [sflag:s17], $0x1000  }
0x13d: {  	[sflag:s17] =	ssyncset.done $0x0  }
0x13e: {  	[sflag:s17] =	ssyncadd.s32 $0xFFFFF000  }
0x13f: {  	_ =	swait.ge [sflag:s17], $0x1000  }
0x140: {  	[sflag:s17] =	ssyncset.done $0x0  }
0x141: {  	[sflag:s17] =	ssyncadd.s32 $0xFFFFF000  }
0x142: {  	_ =	swait.ge [sflag:s17], $0x1000  }
0x143: {  	[sflag:s17] =	ssyncset.done $0x0  }
0x144: {  	[sflag:s17] =	ssyncadd.s32 $0xFFFFF000  }
0x145: {  	_ =	swait.ge [sflag:s17], $0x1000  }
0x146: {  	[sflag:s17] =	ssyncset.done $0x0  }
0x147: {  	[sflag:s17] =	ssyncadd.s32 $0xFFFFF000  }
0x148: {  	v8 =	vld [tilespmem:$0xFF];
	_ =	sdelay $0x4  }
0x149: {  	(v2sf) =	vpush v8, $0x0;
	_ =	sdelay $0x8  }
0x14a: {  	v8 =	vld [tilespmem:$0x37F];
	_ =	sdelay $0x4  }
0x14b: {  	(v2sf) =	vpush v8, $0x0  }
0x14c: {  	s6 =	spop (v2sf)  }
0x14d: {  	s4 =	sand.u32 $0x7F, s6  }
0x14e: {  	v8 =	vor.u32 s4, v0  }
0x14f: {  	v59 =	vor.u32 s4, v1;
	_ =	sdelay $0x2  }
0x150: {  	s12 =	simm.s32 $0xC500  }
0x151: {  	v60 =	vld.idx.msk [tilespmem:v8+s12+$0x0], $0xffff  }
0x152: {  	v61 =	vld.idx.msk [tilespmem:v59+s12+$0x0], $0xffff;
	_ =	sdelay $0x3  }
0x153: {  	[tilespmem:v6+s7+$0x0] =	vst.idx.msk $0xffff, v60  }
0x154: {  	s14 =	simm.s32 $0xD500;
	[tilespmem:v7+s7+$0x0] =	vst.idx.msk $0xffff, v61  }
0x155: {  	s13 =	spop (v2sf);
	v8 =	vld.idx.msk [tilespmem:v8+s14+$0x0], $0xffff  }
0x156: {  	s4 =	sand.u32 $0x7F, s13;
	v9 =	vld.idx.msk [tilespmem:v59+s14+$0x0], $0xffff  }
0x157: {  	v62 =	vor.u32 s4, v0  }
0x158: {  	v63 =	vor.u32 s4, v1;
	_ =	sdelay $0x1  }
0x159: {  	[tilespmem:v6+s8+$0x0] =	vst.idx.msk $0xffff, v8  }
0x15a: {  	s18 =	simm.s32 $0xE500;
	[tilespmem:v7+s8+$0x0] =	vst.idx.msk $0xffff, v9  }
0x15b: {  	v8 =	vld.idx.msk [tilespmem:v62+s18+$0x0], $0xffff  }
0x15c: {  	v9 =	vld.idx.msk [tilespmem:v63+s18+$0x0], $0xffff;
	_ =	sdelay $0x3  }
0x15d: {  	[tilespmem:v6+s9+$0x0] =	vst.idx.msk $0xffff, v8  }
0x15e: {  	s19 =	simm.s32 $0xF500;
	[tilespmem:v7+s9+$0x0] =	vst.idx.msk $0xffff, v9  }
0x15f: {  	v8 =	vld.idx.msk [tilespmem:v62+s19+$0x0], $0xffff  }
0x160: {  	v9 =	vld.idx.msk [tilespmem:v63+s19+$0x0], $0xffff;
	_ =	sdelay $0x3  }
0x161: {  	[tilespmem:v6+s10+$0x0] =	vst.idx.msk $0xffff, v8  }
0x162: {  	s6 =	rddreg [dreg:$0xa];
	s18 =	simm.s32 $0x800;
	s19 =	simm.s32 $0x20000;
	[tilespmem:v7+s10+$0x0] =	vst.idx.msk $0xffff, v9  }
0x163: {  	[hbm4b:s6+s18] =	stream.strided.scatter [tilespmem:s7], [sflag:$0x5], $0x2000, s19, s18, $0x38;
	[tilespmem:$0x18500] =	vst v63  }
0x164: {  	s6 =	simm.s32 $0x5  }
0x165: {  	_ =	swait.ge [sflag:s6], $0x2000  }
0x166: {  	[sflag:s6] =	ssyncset.done $0x0  }
0x167: {  	s4 =	rddreg [dreg:$0xb];
	[sflag:s6] =	ssyncadd.s32 $0xFFFFE000  }
0x168: {  	[hbm4b:s4+s18] =	stream.strided.scatter [tilespmem:s9], [sflag:$0x5], $0x2000, s19, s18, $0x38;
	[tilespmem:$0x18500] =	vst v63  }
0x169: {  	_ =	swait.ge [sflag:s6], $0x2000  }
0x16a: {  	[sflag:s6] =	ssyncset.done $0x0  }
0x16b: {  	s4 =	rddreg [dreg:$0xc];
	[sflag:s6] =	ssyncadd.s32 $0xFFFFE000  }
0x16c: {  	[hbm4b:s4+s18] =	stream.strided.scatter [tilespmem:s8], [sflag:$0x5], $0x2000, s19, s18, $0x38;
	[tilespmem:$0x18500] =	vst v63  }
0x16d: {  	_ =	swait.ge [sflag:s6], $0x2000  }
0x16e: {  	[sflag:s6] =	ssyncset.done $0x0  }
0x16f: {  	s31 =	simm.s32 $0x383;
	s4 =	rddreg [dreg:$0xd];
	[sflag:s6] =	ssyncadd.s32 $0xFFFFE000  }
0x170: {  	[hbm4b:s4+s18] =	stream.strided.scatter [tilespmem:s10], [sflag:$0x5], $0x2000, s19, s18, $0x38;
	[tilespmem:$0x18500] =	vst v63  }
0x171: {  	s22 =	simm.s32 $0xC500;
	s13 =	simm.s32 $0xE500;
	_ =	swait.ge [sflag:s6], $0x2000  }
0x172: {  	s12 =	simm.s32 $0xD500;
	s14 =	simm.s32 $0xF500;
	[sflag:s6] =	ssyncset.done $0x0  }
0x173: {  	s19 =	simm.s32 $0x1;
	s4 =	simm.s32 $0x103;
	[sflag:s6] =	ssyncadd.s32 $0xFFFFE000  }
.LBB2_4:
0x174: {  	v8 =	vld [tilespmem:s4+$0xFFFFFFFD];
	_ =	sdelay $0x3  }
0x175: {  	v9 =	vld [tilespmem:s31+$0xFFFFFFFD]  }
0x176: {  	(v2sf) =	vpush v8, $0x0;
	_ =	sdelay $0x3  }
0x177: {  	(v2sf) =	vpush v9, $0x0;
	_ =	sdelay $0xa  }
0x178: {  	s6 =	spop (v2sf)  }
0x179: {  	s6 =	sand.u32 $0xFFFFF80, s6  }
0x17a: {  	s18 =	sadd.s32 s1, s6  }
0x17b: {  	[tilespmem:s23], [sflag:$0x1] =	stream.strided.gather [hbm4b:s18+s20], $0x1000, s21, s20, $0x38;
	[tilespmem:$0x18500] =	vst v63  }
0x17c: {  	s23 =	spop (v2sf)  }
0x17d: {  	s6 =	sadd.s32 s3, s6;
	s1 =	sand.u32 $0xFFFFF80, s23  }
0x17e: {  	[tilespmem:s24], [sflag:$0x1] =	stream.strided.gather [hbm4b:s6+s20], $0x1000, s21, s20, $0x38;
	[tilespmem:$0x18500] =	vst v63  }
0x17f: {  	s18 =	sadd.s32 s2, s1  }
0x180: {  	[tilespmem:s25], [sflag:$0x1] =	stream.strided.gather [hbm4b:s18+s20], $0x1000, s21, s20, $0x38;
	[tilespmem:$0x18500] =	vst v63  }
0x181: {  	p0 =	seq.s32 s19, $0x1;
	s6 =	sadd.s32 s11, s1  }
0x182: {  	[tilespmem:s26], [sflag:$0x1] =	stream.strided.gather [hbm4b:s6+s20], $0x1000, s21, s20, $0x38;
	[tilespmem:$0x18500] =	vst v63  }
0x183: {  	_ =	swait.ge @!p0 [sflag:s16], $0x1000  }
0x184: {  	[sflag:s16] =	ssyncset.done @!p0 $0x0  }
0x185: {  	[sflag:s16] =	ssyncadd.s32 @!p0 $0xFFFFF000  }
0x186: {  	_ =	swait.ge @!p0 [sflag:s16], $0x1000  }
0x187: {  	[sflag:s16] =	ssyncset.done @!p0 $0x0  }
0x188: {  	[sflag:s16] =	ssyncadd.s32 @!p0 $0xFFFFF000  }
0x189: {  	_ =	swait.ge @!p0 [sflag:s16], $0x1000  }
0x18a: {  	[sflag:s16] =	ssyncset.done @!p0 $0x0  }
0x18b: {  	[sflag:s16] =	ssyncadd.s32 @!p0 $0xFFFFF000  }
0x18c: {  	_ =	swait.ge @!p0 [sflag:s16], $0x1000  }
0x18d: {  	[sflag:s16] =	ssyncset.done @!p0 $0x0  }
0x18e: {  	[sflag:s16] =	ssyncadd.s32 @!p0 $0xFFFFF000  }
0x18f: {  	v8 =	vld @!p0 [tilespmem:s4+$0xFFFFFFFB];
	_ =	sdelay $0x4  }
0x190: {  	(v2sf) =	vpush @!p0 v8, $0x0;
	_ =	sdelay $0x8  }
0x191: {  	v8 =	vld @!p0 [tilespmem:s31+$0xFFFFFFFB];
	_ =	sdelay $0x4  }
0x192: {  	(v2sf) =	vpush @!p0 v8, $0x0  }
0x193: {  	s6 =	spop @!p0 (v2sf)  }
0x194: {  	s6 =	sand.u32 @!p0 $0x7F, s6  }
0x195: {  	s18 =	sadd.s32 @!p0 $0xFFFFFFFD, s19;
	v8 =	vor.u32 @!p0 s6, v0  }
0x196: {  	v9 =	vmov @!p0 s18;
	v10 =	vor.u32 @!p0 s6, v1  }
0x197: {  	v11 =	vshll.u32 @!p0 v9, $0x3  }
0x198: {  	v9 =	vand.u32 @!p0 $0x7E, v9;
	v11 =	vand.u32 @!p0 $0xFFFFFC00, v11  }
0x199: {  	v9 =	vor.u32 @!p0 v9, v11;
	s6 =	simm.s32 @!p0 $0x8500  }
0x19a: {  	v12 =	vadd.s32 @!p0 v2, v9;
	v11 =	vld.idx.msk @!p0 [tilespmem:v8+s6+$0x0], $0xffff  }
0x19b: {  	v9 =	vadd.s32 @!p0 v3, v9;
	v13 =	vld.idx.msk @!p0 [tilespmem:v10+s6+$0x0], $0xffff;
	_ =	sdelay $0x3  }
0x19c: {  	[tilespmem:v12+s7+$0x0] =	vst.idx.msk @!p0 $0xffff, v11  }
0x19d: {  	s18 =	simm.s32 @!p0 $0x9500;
	[tilespmem:v9+s7+$0x0] =	vst.idx.msk @!p0 $0xffff, v13  }
0x19e: {  	s6 =	spop @!p0 (v2sf);
	v8 =	vld.idx.msk @!p0 [tilespmem:v8+s18+$0x0], $0xffff  }
0x19f: {  	s6 =	sand.u32 @!p0 $0x7F, s6;
	v10 =	vld.idx.msk @!p0 [tilespmem:v10+s18+$0x0], $0xffff  }
0x1a0: {  	v11 =	vor.u32 @!p0 s6, v0  }
0x1a1: {  	v13 =	vor.u32 @!p0 s6, v1;
	_ =	sdelay $0x1  }
0x1a2: {  	[tilespmem:v12+s8+$0x0] =	vst.idx.msk @!p0 $0xffff, v8  }
0x1a3: {  	s6 =	simm.s32 @!p0 $0xA500;
	[tilespmem:v9+s8+$0x0] =	vst.idx.msk @!p0 $0xffff, v10  }
0x1a4: {  	v8 =	vld.idx.msk @!p0 [tilespmem:v11+s6+$0x0], $0xffff  }
0x1a5: {  	v10 =	vld.idx.msk @!p0 [tilespmem:v13+s6+$0x0], $0xffff;
	_ =	sdelay $0x3  }
0x1a6: {  	[tilespmem:v12+s9+$0x0] =	vst.idx.msk @!p0 $0xffff, v8  }
0x1a7: {  	s6 =	simm.s32 @!p0 $0xB500;
	[tilespmem:v9+s9+$0x0] =	vst.idx.msk @!p0 $0xffff, v10  }
0x1a8: {  	v8 =	vld.idx.msk @!p0 [tilespmem:v11+s6+$0x0], $0xffff  }
0x1a9: {  	v10 =	vld.idx.msk @!p0 [tilespmem:v13+s6+$0x0], $0xffff;
	_ =	sdelay $0x3  }
0x1aa: {  	[tilespmem:v12+s10+$0x0] =	vst.idx.msk @!p0 $0xffff, v8  }
0x1ab: {  	[tilespmem:v9+s10+$0x0] =	vst.idx.msk @!p0 $0xffff, v10  }
0x1ac: {  	v8 =	vld [tilespmem:s4+$0xFFFFFFFE];
	_ =	sdelay $0x1  }
0x1ad: {  	v9 =	vld [tilespmem:s31+$0xFFFFFFFE];
	_ =	sdelay $0x2  }
0x1ae: {  	(v2sf) =	vpush v8, $0x0;
	_ =	sdelay $0x1  }
0x1af: {  	(v2sf) =	vpush v9, $0x0;
	_ =	sdelay $0xc  }
0x1b0: {  	s18 =	spop (v2sf)  }
0x1b1: {  	s1 =	rddreg [dreg:$0x2];
	s6 =	sand.u32 $0xFFFFF80, s18  }
0x1b2: {  	s24 =	spop (v2sf);
	s23 =	sadd.s32 s1, s6  }
0x1b3: {  	[tilespmem:s28], [sflag:$0x2] =	stream.strided.gather [hbm4b:s23+s20], $0x1000, s21, s20, $0x38;
	[tilespmem:$0x18500] =	vst v63  }
0x1b4: {  	s6 =	sadd.s32 s3, s6;
	s25 =	sand.u32 $0xFFFFF80, s24  }
0x1b5: {  	[tilespmem:s29], [sflag:$0x2] =	stream.strided.gather [hbm4b:s6+s20], $0x1000, s21, s20, $0x38;
	[tilespmem:$0x18500] =	vst v63  }
0x1b6: {  	s18 =	sadd.s32 s2, s25  }
0x1b7: {  	[tilespmem:s30], [sflag:$0x2] =	stream.strided.gather [hbm4b:s18+s20], $0x1000, s21, s20, $0x38;
	[tilespmem:$0x18500] =	vst v63  }
0x1b8: {  	s6 =	sadd.s32 s11, s25  }
0x1b9: {  	[tilespmem:s0], [sflag:$0x2] =	stream.strided.gather [hbm4b:s6+s20], $0x1000, s21, s20, $0x38;
	[tilespmem:$0x18500] =	vst v63  }
0x1ba: {  	_ =	swait.ge @!p0 [sflag:s17], $0x1000  }
0x1bb: {  	[sflag:s17] =	ssyncset.done @!p0 $0x0  }
0x1bc: {  	[sflag:s17] =	ssyncadd.s32 @!p0 $0xFFFFF000  }
0x1bd: {  	_ =	swait.ge @!p0 [sflag:s17], $0x1000  }
0x1be: {  	[sflag:s17] =	ssyncset.done @!p0 $0x0  }
0x1bf: {  	[sflag:s17] =	ssyncadd.s32 @!p0 $0xFFFFF000  }
0x1c0: {  	_ =	swait.ge @!p0 [sflag:s17], $0x1000  }
0x1c1: {  	[sflag:s17] =	ssyncset.done @!p0 $0x0  }
0x1c2: {  	[sflag:s17] =	ssyncadd.s32 @!p0 $0xFFFFF000  }
0x1c3: {  	_ =	swait.ge @!p0 [sflag:s17], $0x1000  }
0x1c4: {  	[sflag:s17] =	ssyncset.done @!p0 $0x0  }
0x1c5: {  	[sflag:s17] =	ssyncadd.s32 @!p0 $0xFFFFF000  }
0x1c6: {  	v8 =	vld @!p0 [tilespmem:s4+$0xFFFFFFFC];
	_ =	sdelay $0x4  }
0x1c7: {  	(v2sf) =	vpush @!p0 v8, $0x0;
	_ =	sdelay $0x8  }
0x1c8: {  	v8 =	vld @!p0 [tilespmem:s31+$0xFFFFFFFC];
	_ =	sdelay $0x4  }
0x1c9: {  	(v2sf) =	vpush @!p0 v8, $0x0  }
0x1ca: {  	s6 =	spop @!p0 (v2sf)  }
0x1cb: {  	s6 =	sand.u32 @!p0 $0x7F, s6  }
0x1cc: {  	s18 =	sadd.s32 @!p0 $0xFFFFFFFE, s19;
	v8 =	vor.u32 @!p0 s6, v0  }
0x1cd: {  	v9 =	vmov @!p0 s18;
	v10 =	vor.u32 @!p0 s6, v1  }
0x1ce: {  	v11 =	vshll.u32 @!p0 v9, $0x3  }
0x1cf: {  	v9 =	vand.u32 @!p0 $0x7F, v9;
	v11 =	vand.u32 @!p0 $0xFFFFFC00, v11  }
0x1d0: {  	v9 =	vor.u32 @!p0 v9, v11;
	s6 =	simm.s32 @!p0 $0xC500  }
0x1d1: {  	v12 =	vadd.s32 @!p0 v2, v9;
	v11 =	vld.idx.msk @!p0 [tilespmem:v8+s6+$0x0], $0xffff  }
0x1d2: {  	v9 =	vadd.s32 @!p0 v3, v9;
	v13 =	vld.idx.msk @!p0 [tilespmem:v10+s6+$0x0], $0xffff;
	_ =	sdelay $0x3  }
0x1d3: {  	[tilespmem:v12+s7+$0x0] =	vst.idx.msk @!p0 $0xffff, v11  }
0x1d4: {  	s0 =	simm.s32 @!p0 $0xD500;
	[tilespmem:v9+s7+$0x0] =	vst.idx.msk @!p0 $0xffff, v13  }
0x1d5: {  	s6 =	spop @!p0 (v2sf);
	v8 =	vld.idx.msk @!p0 [tilespmem:v8+s0+$0x0], $0xffff  }
0x1d6: {  	s6 =	sand.u32 @!p0 $0x7F, s6;
	v10 =	vld.idx.msk @!p0 [tilespmem:v10+s0+$0x0], $0xffff  }
0x1d7: {  	v11 =	vor.u32 @!p0 s6, v0  }
0x1d8: {  	v13 =	vor.u32 @!p0 s6, v1;
	_ =	sdelay $0x1  }
0x1d9: {  	[tilespmem:v12+s8+$0x0] =	vst.idx.msk @!p0 $0xffff, v8  }
0x1da: {  	s0 =	simm.s32 @!p0 $0xE500;
	[tilespmem:v9+s8+$0x0] =	vst.idx.msk @!p0 $0xffff, v10  }
0x1db: {  	v8 =	vld.idx.msk @!p0 [tilespmem:v11+s0+$0x0], $0xffff  }
0x1dc: {  	v10 =	vld.idx.msk @!p0 [tilespmem:v13+s0+$0x0], $0xffff;
	_ =	sdelay $0x3  }
0x1dd: {  	[tilespmem:v12+s9+$0x0] =	vst.idx.msk @!p0 $0xffff, v8  }
0x1de: {  	s0 =	simm.s32 @!p0 $0xF500;
	[tilespmem:v9+s9+$0x0] =	vst.idx.msk @!p0 $0xffff, v10  }
0x1df: {  	v8 =	vld.idx.msk @!p0 [tilespmem:v11+s0+$0x0], $0xffff  }
0x1e0: {  	v10 =	vld.idx.msk @!p0 [tilespmem:v13+s0+$0x0], $0xffff;
	_ =	sdelay $0x3  }
0x1e1: {  	[tilespmem:v12+s10+$0x0] =	vst.idx.msk @!p0 $0xffff, v8  }
0x1e2: {  	[tilespmem:v9+s10+$0x0] =	vst.idx.msk @!p0 $0xffff, v10  }
0x1e3: {  	v8 =	vld [tilespmem:s4+$0xFFFFFFFF];
	_ =	sdelay $0x1  }
0x1e4: {  	v9 =	vld [tilespmem:s31+$0xFFFFFFFF];
	_ =	sdelay $0x2  }
0x1e5: {  	(v2sf) =	vpush v8, $0x0;
	_ =	sdelay $0x1  }
0x1e6: {  	(v2sf) =	vpush v9, $0x0;
	_ =	sdelay $0xc  }
0x1e7: {  	s26 =	spop (v2sf)  }
0x1e8: {  	s6 =	sand.u32 $0xFFFFF80, s26  }
0x1e9: {  	s23 =	simm.s32 $0x8500;
	s24 =	spop (v2sf);
	s0 =	sadd.s32 s1, s6  }
0x1ea: {  	[tilespmem:s23], [sflag:$0x3] =	stream.strided.gather [hbm4b:s0+s20], $0x1000, s21, s20, $0x38;
	[tilespmem:$0x18500] =	vst v63  }
0x1eb: {  	s25 =	simm.s32 $0x9500;
	s6 =	sadd.s32 s3, s6;
	s26 =	sand.u32 $0xFFFFF80, s24  }
0x1ec: {  	[tilespmem:s25], [sflag:$0x3] =	stream.strided.gather [hbm4b:s6+s20], $0x1000, s21, s20, $0x38;
	[tilespmem:$0x18500] =	vst v63  }
0x1ed: {  	s18 =	sadd.s32 s2, s26;
	s23 =	simm.s32 $0xA500  }
0x1ee: {  	[tilespmem:s23], [sflag:$0x3] =	stream.strided.gather [hbm4b:s18+s20], $0x1000, s21, s20, $0x38;
	[tilespmem:$0x18500] =	vst v63  }
0x1ef: {  	s24 =	simm.s32 $0xB500;
	s6 =	sadd.s32 s11, s26  }
0x1f0: {  	[tilespmem:s24], [sflag:$0x3] =	stream.strided.gather [hbm4b:s6+s20], $0x1000, s21, s20, $0x38;
	[tilespmem:$0x18500] =	vst v63  }
0x1f1: {  	_ =	swait.ge [sflag:s5], $0x1000  }
0x1f2: {  	[sflag:s5] =	ssyncset.done $0x0  }
0x1f3: {  	[sflag:s5] =	ssyncadd.s32 $0xFFFFF000  }
0x1f4: {  	_ =	swait.ge [sflag:s5], $0x1000  }
0x1f5: {  	[sflag:s5] =	ssyncset.done $0x0  }
0x1f6: {  	[sflag:s5] =	ssyncadd.s32 $0xFFFFF000  }
0x1f7: {  	_ =	swait.ge [sflag:s5], $0x1000  }
0x1f8: {  	[sflag:s5] =	ssyncset.done $0x0  }
0x1f9: {  	[sflag:s5] =	ssyncadd.s32 $0xFFFFF000  }
0x1fa: {  	_ =	swait.ge [sflag:s5], $0x1000  }
0x1fb: {  	[sflag:s5] =	ssyncset.done $0x0  }
0x1fc: {  	[sflag:s5] =	ssyncadd.s32 $0xFFFFF000  }
0x1fd: {  	v8 =	vld [tilespmem:s4+$0xFFFFFFFD];
	_ =	sdelay $0x4  }
0x1fe: {  	(v2sf) =	vpush v8, $0x0;
	_ =	sdelay $0x8  }
0x1ff: {  	v8 =	vld [tilespmem:s31+$0xFFFFFFFD];
	_ =	sdelay $0x4  }
0x200: {  	(v2sf) =	vpush v8, $0x0  }
0x201: {  	s25 =	spop (v2sf)  }
0x202: {  	s6 =	sand.u32 $0x7F, s25  }
0x203: {  	s26 =	sadd.s32 $0xFFFFFFFF, s19;
	v8 =	vor.u32 s6, v0  }
0x204: {  	v48 =	vmov s26;
	v49 =	vor.u32 s6, v1  }
0x205: {  	v50 =	vshll.u32 v48, $0x3  }
0x206: {  	v9 =	vand.u32 $0x7C, v48;
	v11 =	vand.u32 $0x400, v50  }
0x207: {  	s23 =	simm.s32 $0x500;
	v9 =	vor.u32 v9, v11  }
0x208: {  	v52 =	vor.u32 v2, v9;
	v51 =	vld.idx.msk [tilespmem:v8+s23+$0x0], $0xffff  }
0x209: {  	v9 =	vor.u32 v3, v9;
	v53 =	vld.idx.msk [tilespmem:v49+s23+$0x0], $0xffff;
	_ =	sdelay $0x3  }
0x20a: {  	[tilespmem:v52+s7+$0x0] =	vst.idx.msk $0xffff, v51  }
0x20b: {  	s24 =	simm.s32 $0x1500;
	[tilespmem:v9+s7+$0x0] =	vst.idx.msk $0xffff, v53  }
0x20c: {  	s0 =	spop (v2sf);
	v8 =	vld.idx.msk [tilespmem:v8+s24+$0x0], $0xffff  }
0x20d: {  	s6 =	sand.u32 $0x7F, s0;
	v10 =	vld.idx.msk [tilespmem:v49+s24+$0x0], $0xffff  }
0x20e: {  	v54 =	vor.u32 s6, v0  }
0x20f: {  	v55 =	vor.u32 s6, v1;
	_ =	sdelay $0x1  }
0x210: {  	[tilespmem:v52+s8+$0x0] =	vst.idx.msk $0xffff, v8  }
0x211: {  	s25 =	simm.s32 $0x2500;
	[tilespmem:v9+s8+$0x0] =	vst.idx.msk $0xffff, v10  }
0x212: {  	v8 =	vld.idx.msk [tilespmem:v54+s25+$0x0], $0xffff  }
0x213: {  	v10 =	vld.idx.msk [tilespmem:v55+s25+$0x0], $0xffff;
	_ =	sdelay $0x3  }
0x214: {  	[tilespmem:v52+s9+$0x0] =	vst.idx.msk $0xffff, v8  }
0x215: {  	s26 =	simm.s32 $0x3500;
	[tilespmem:v9+s9+$0x0] =	vst.idx.msk $0xffff, v10  }
0x216: {  	v8 =	vld.idx.msk [tilespmem:v54+s26+$0x0], $0xffff  }
0x217: {  	v10 =	vld.idx.msk [tilespmem:v55+s26+$0x0], $0xffff;
	_ =	sdelay $0x3  }
0x218: {  	[tilespmem:v52+s10+$0x0] =	vst.idx.msk $0xffff, v8  }
0x219: {  	[tilespmem:v9+s10+$0x0] =	vst.idx.msk $0xffff, v10  }
0x21a: {  	v8 =	vld [tilespmem:s4+$0x0];
	_ =	sdelay $0x3  }
0x21b: {  	v9 =	vld [tilespmem:s31+$0x0]  }
0x21c: {  	(v2sf) =	vpush v8, $0x0;
	_ =	sdelay $0x3  }
0x21d: {  	(v2sf) =	vpush v9, $0x0;
	_ =	sdelay $0xa  }
0x21e: {  	s18 =	spop (v2sf)  }
0x21f: {  	s6 =	sand.u32 $0xFFFFF80, s18  }
0x220: {  	s22 =	simm.s32 @!p0 $0xC500;
	s0 =	sadd.s32 s1, s6  }
0x221: {  	[tilespmem:s22], [sflag:$0x4] =	stream.strided.gather [hbm4b:s0+s20], $0x1000, s21, s20, $0x38;
	[tilespmem:$0x18500] =	vst v63  }
0x222: {  	s0 =	spop (v2sf)  }
0x223: {  	s12 =	simm.s32 @!p0 $0xD500;
	s6 =	sadd.s32 s3, s6;
	s0 =	sand.u32 $0xFFFFF80, s0  }
0x224: {  	[tilespmem:s12], [sflag:$0x4] =	stream.strided.gather [hbm4b:s6+s20], $0x1000, s21, s20, $0x38;
	[tilespmem:$0x18500] =	vst v63  }
0x225: {  	s13 =	simm.s32 @!p0 $0xE500;
	s18 =	sadd.s32 s2, s0  }
0x226: {  	[tilespmem:s13], [sflag:$0x4] =	stream.strided.gather [hbm4b:s18+s20], $0x1000, s21, s20, $0x38;
	[tilespmem:$0x18500] =	vst v63  }
0x227: {  	s14 =	simm.s32 @!p0 $0xF500;
	s6 =	sadd.s32 s11, s0  }
0x228: {  	[tilespmem:s14], [sflag:$0x4] =	stream.strided.gather [hbm4b:s6+s20], $0x1000, s21, s20, $0x38;
	[tilespmem:$0x18500] =	vst v63  }
0x229: {  	_ =	swait.ge [sflag:s15], $0x1000  }
0x22a: {  	[sflag:s15] =	ssyncset.done $0x0  }
0x22b: {  	[sflag:s15] =	ssyncadd.s32 $0xFFFFF000  }
0x22c: {  	_ =	swait.ge [sflag:s15], $0x1000  }
0x22d: {  	[sflag:s15] =	ssyncset.done $0x0  }
0x22e: {  	[sflag:s15] =	ssyncadd.s32 $0xFFFFF000  }
0x22f: {  	_ =	swait.ge [sflag:s15], $0x1000  }
0x230: {  	[sflag:s15] =	ssyncset.done $0x0  }
0x231: {  	[sflag:s15] =	ssyncadd.s32 $0xFFFFF000  }
0x232: {  	_ =	swait.ge [sflag:s15], $0x1000  }
0x233: {  	[sflag:s15] =	ssyncset.done $0x0  }
0x234: {  	[sflag:s15] =	ssyncadd.s32 $0xFFFFF000  }
0x235: {  	v8 =	vld [tilespmem:s4+$0xFFFFFFFE];
	_ =	sdelay $0x4  }
0x236: {  	(v2sf) =	vpush v8, $0x0;
	_ =	sdelay $0x8  }
0x237: {  	v8 =	vld [tilespmem:s31+$0xFFFFFFFE];
	_ =	sdelay $0x4  }
0x238: {  	(v2sf) =	vpush v8, $0x0  }
0x239: {  	s18 =	spop (v2sf)  }
0x23a: {  	s6 =	sand.u32 $0x7F, s18  }
0x23b: {  	v8 =	vor.u32 s6, v0  }
0x23c: {  	v56 =	vmov s19;
	v57 =	vor.u32 s6, v1  }
0x23d: {  	v58 =	vshll.u32 v56, $0x3  }
0x23e: {  	v11 =	vand.u32 $0x400, v58;
	v9 =	vand.u32 $0x7D, v56  }
0x23f: {  	v9 =	vor.u32 v9, v11;
	s0 =	simm.s32 $0x4500  }
0x240: {  	v60 =	vor.u32 v2, v9;
	v59 =	vld.idx.msk [tilespmem:v8+s0+$0x0], $0xffff  }
0x241: {  	v9 =	vor.u32 v3, v9;
	v61 =	vld.idx.msk [tilespmem:v57+s0+$0x0], $0xffff;
	_ =	sdelay $0x3  }
0x242: {  	[tilespmem:v60+s7+$0x0] =	vst.idx.msk $0xffff, v59  }
0x243: {  	s0 =	simm.s32 $0x5500;
	[tilespmem:v9+s7+$0x0] =	vst.idx.msk $0xffff, v61  }
0x244: {  	s18 =	spop (v2sf);
	v8 =	vld.idx.msk [tilespmem:v8+s0+$0x0], $0xffff  }
0x245: {  	s6 =	sand.u32 $0x7F, s18;
	v10 =	vld.idx.msk [tilespmem:v57+s0+$0x0], $0xffff  }
0x246: {  	v62 =	vor.u32 s6, v0  }
0x247: {  	v63 =	vor.u32 s6, v1;
	_ =	sdelay $0x1  }
0x248: {  	[tilespmem:v60+s8+$0x0] =	vst.idx.msk $0xffff, v8  }
0x249: {  	s0 =	simm.s32 $0x6500;
	[tilespmem:v9+s8+$0x0] =	vst.idx.msk $0xffff, v10  }
0x24a: {  	v8 =	vld.idx.msk [tilespmem:v62+s0+$0x0], $0xffff  }
0x24b: {  	v10 =	vld.idx.msk [tilespmem:v63+s0+$0x0], $0xffff;
	_ =	sdelay $0x3  }
0x24c: {  	[tilespmem:v60+s9+$0x0] =	vst.idx.msk $0xffff, v8  }
0x24d: {  	s18 =	simm.s32 $0x7500;
	[tilespmem:v9+s9+$0x0] =	vst.idx.msk $0xffff, v10  }
0x24e: {  	s19 =	sadd.s32 $0x4, s19;
	v8 =	vld.idx.msk [tilespmem:v62+s18+$0x0], $0xffff  }
0x24f: {  	p0 =	sne.s32 s19, $0x101;
	v10 =	vld.idx.msk [tilespmem:v63+s18+$0x0], $0xffff  }
.Ltmp1:
0x250: {  	_ = 	snop;
	(pc) =	sbr.rel @p0 .LBB2_4-.Ltmp1, $3  }
0x251: {  	_ =	sdelay $0x1  }
0x252: {  	s28 =	simm.s32 $0x4500;
	s29 =	simm.s32 $0x5500;
	s30 =	simm.s32 $0x6500;
	[tilespmem:v60+s10+$0x0] =	vst.idx.msk $0xffff, v8  }
0x253: {  	s4 =	sadd.s32 $0x4, s4;
	s31 =	sadd.s32 $0x4, s31;
	s0 =	simm.s32 $0x7500;
	[tilespmem:v9+s10+$0x0] =	vst.idx.msk $0xffff, v10  }
0x254: {  	_ =	swait.ge [sflag:s16], $0x1000  }
0x255: {  	[sflag:s16] =	ssyncset.done $0x0  }
0x256: {  	[sflag:s16] =	ssyncadd.s32 $0xFFFFF000  }
0x257: {  	_ =	swait.ge [sflag:s16], $0x1000  }
0x258: {  	[sflag:s16] =	ssyncset.done $0x0  }
0x259: {  	[sflag:s16] =	ssyncadd.s32 $0xFFFFF000  }
0x25a: {  	_ =	swait.ge [sflag:s16], $0x1000  }
0x25b: {  	[sflag:s16] =	ssyncset.done $0x0  }
0x25c: {  	[sflag:s16] =	ssyncadd.s32 $0xFFFFF000  }
0x25d: {  	_ =	swait.ge [sflag:s16], $0x1000  }
0x25e: {  	[sflag:s16] =	ssyncset.done $0x0  }
0x25f: {  	[sflag:s16] =	ssyncadd.s32 $0xFFFFF000  }
0x260: {  	v8 =	vld [tilespmem:$0x1FE];
	_ =	sdelay $0x4  }
0x261: {  	(v2sf) =	vpush v8, $0x0;
	_ =	sdelay $0x8  }
0x262: {  	v8 =	vld [tilespmem:$0x47E];
	_ =	sdelay $0x4  }
0x263: {  	(v2sf) =	vpush v8, $0x0  }
0x264: {  	s4 =	spop (v2sf)  }
0x265: {  	s4 =	sand.u32 $0x7F, s4  }
0x266: {  	v8 =	vor.u32 s4, v0  }
0x267: {  	v9 =	vor.u32 s4, v1;
	_ =	sdelay $0x2  }
0x268: {  	s24 =	simm.s32 $0x8500  }
0x269: {  	v10 =	vld.idx.msk [tilespmem:v8+s24+$0x0], $0xffff  }
0x26a: {  	v11 =	vld.idx.msk [tilespmem:v9+s24+$0x0], $0xffff;
	_ =	sdelay $0x3  }
0x26b: {  	[tilespmem:v4+s7+$0x0] =	vst.idx.msk $0xffff, v10  }
0x26c: {  	s6 =	simm.s32 $0x9500;
	[tilespmem:v5+s7+$0x0] =	vst.idx.msk $0xffff, v11  }
0x26d: {  	s25 =	spop (v2sf);
	v8 =	vld.idx.msk [tilespmem:v8+s6+$0x0], $0xffff  }
0x26e: {  	s4 =	sand.u32 $0x7F, s25;
	v9 =	vld.idx.msk [tilespmem:v9+s6+$0x0], $0xffff  }
0x26f: {  	v57 =	vor.u32 s4, v0  }
0x270: {  	v58 =	vor.u32 s4, v1;
	_ =	sdelay $0x1  }
0x271: {  	[tilespmem:v4+s8+$0x0] =	vst.idx.msk $0xffff, v8  }
0x272: {  	s26 =	simm.s32 $0xA500;
	[tilespmem:v5+s8+$0x0] =	vst.idx.msk $0xffff, v9  }
0x273: {  	v8 =	vld.idx.msk [tilespmem:v57+s26+$0x0], $0xffff  }
0x274: {  	v9 =	vld.idx.msk [tilespmem:v58+s26+$0x0], $0xffff;
	_ =	sdelay $0x3  }
0x275: {  	[tilespmem:v4+s9+$0x0] =	vst.idx.msk $0xffff, v8  }
0x276: {  	s31 =	simm.s32 $0xB500;
	[tilespmem:v5+s9+$0x0] =	vst.idx.msk $0xffff, v9  }
0x277: {  	v8 =	vld.idx.msk [tilespmem:v57+s31+$0x0], $0xffff  }
0x278: {  	v9 =	vld.idx.msk [tilespmem:v58+s31+$0x0], $0xffff;
	_ =	sdelay $0x3  }
0x279: {  	[tilespmem:v4+s10+$0x0] =	vst.idx.msk $0xffff, v8  }
0x27a: {  	[tilespmem:v5+s10+$0x0] =	vst.idx.msk $0xffff, v9  }
0x27b: {  	_ =	swait.ge [sflag:s17], $0x1000  }
0x27c: {  	[sflag:s17] =	ssyncset.done $0x0  }
0x27d: {  	[sflag:s17] =	ssyncadd.s32 $0xFFFFF000  }
0x27e: {  	_ =	swait.ge [sflag:s17], $0x1000  }
0x27f: {  	[sflag:s17] =	ssyncset.done $0x0  }
0x280: {  	[sflag:s17] =	ssyncadd.s32 $0xFFFFF000  }
0x281: {  	_ =	swait.ge [sflag:s17], $0x1000  }
0x282: {  	[sflag:s17] =	ssyncset.done $0x0  }
0x283: {  	[sflag:s17] =	ssyncadd.s32 $0xFFFFF000  }
0x284: {  	_ =	swait.ge [sflag:s17], $0x1000  }
0x285: {  	[sflag:s17] =	ssyncset.done $0x0  }
0x286: {  	[sflag:s17] =	ssyncadd.s32 $0xFFFFF000  }
0x287: {  	v8 =	vld [tilespmem:$0x1FF];
	_ =	sdelay $0x4  }
0x288: {  	(v2sf) =	vpush v8, $0x0;
	_ =	sdelay $0x8  }
0x289: {  	v8 =	vld [tilespmem:$0x47F];
	_ =	sdelay $0x4  }
0x28a: {  	(v2sf) =	vpush v8, $0x0  }
0x28b: {  	s1 =	spop (v2sf)  }
0x28c: {  	s4 =	sand.u32 $0x7F, s1  }
0x28d: {  	v8 =	vor.u32 s4, v0  }
0x28e: {  	v59 =	vor.u32 s4, v1;
	_ =	sdelay $0x2  }
0x28f: {  	s2 =	simm.s32 $0xC500  }
0x290: {  	v60 =	vld.idx.msk [tilespmem:v8+s2+$0x0], $0xffff  }
0x291: {  	v61 =	vld.idx.msk [tilespmem:v59+s2+$0x0], $0xffff;
	_ =	sdelay $0x3  }
0x292: {  	[tilespmem:v6+s7+$0x0] =	vst.idx.msk $0xffff, v60  }
0x293: {  	s1 =	simm.s32 $0xD500;
	[tilespmem:v7+s7+$0x0] =	vst.idx.msk $0xffff, v61  }
0x294: {  	s3 =	spop (v2sf);
	v8 =	vld.idx.msk [tilespmem:v8+s1+$0x0], $0xffff  }
0x295: {  	s4 =	sand.u32 $0x7F, s3;
	v9 =	vld.idx.msk [tilespmem:v59+s1+$0x0], $0xffff  }
0x296: {  	v62 =	vor.u32 s4, v0  }
0x297: {  	v63 =	vor.u32 s4, v1;
	_ =	sdelay $0x1  }
0x298: {  	[tilespmem:v6+s8+$0x0] =	vst.idx.msk $0xffff, v8  }
0x299: {  	s4 =	simm.s32 $0xE500;
	[tilespmem:v7+s8+$0x0] =	vst.idx.msk $0xffff, v9  }
0x29a: {  	v8 =	vld.idx.msk [tilespmem:v62+s4+$0x0], $0xffff  }
0x29b: {  	v9 =	vld.idx.msk [tilespmem:v63+s4+$0x0], $0xffff;
	_ =	sdelay $0x3  }
0x29c: {  	[tilespmem:v6+s9+$0x0] =	vst.idx.msk $0xffff, v8  }
0x29d: {  	s6 =	simm.s32 $0xF500;
	[tilespmem:v7+s9+$0x0] =	vst.idx.msk $0xffff, v9  }
0x29e: {  	v8 =	vld.idx.msk [tilespmem:v62+s6+$0x0], $0xffff  }
0x29f: {  	v9 =	vld.idx.msk [tilespmem:v63+s6+$0x0], $0xffff;
	_ =	sdelay $0x3  }
0x2a0: {  	s18 =	simm.s32 $0x800;
	[tilespmem:v6+s10+$0x0] =	vst.idx.msk $0xffff, v8  }
0x2a1: {  	s19 =	simm.s32 $0x5;
	s11 =	rddreg [dreg:$0xe];
	s2 =	simm.s32 $0x20000;
	[tilespmem:v7+s10+$0x0] =	vst.idx.msk $0xffff, v9  }
0x2a2: {  	[hbm4b:s11+s18] =	stream.strided.scatter [tilespmem:s7], [sflag:$0x5], $0x2000, s2, s18, $0x38;
	[tilespmem:$0x18500] =	vst v63  }
0x2a3: {  	_ =	swait.ge [sflag:s19], $0x2000  }
0x2a4: {  	[sflag:s19] =	ssyncset.done $0x0  }
0x2a5: {  	s23 =	rddreg [dreg:$0xf];
	[sflag:s19] =	ssyncadd.s32 $0xFFFFE000  }
0x2a6: {  	[hbm4b:s23+s18] =	stream.strided.scatter [tilespmem:s9], [sflag:$0x5], $0x2000, s2, s18, $0x38;
	[tilespmem:$0x18500] =	vst v63  }
0x2a7: {  	_ =	swait.ge [sflag:s19], $0x2000  }
0x2a8: {  	[sflag:s19] =	ssyncset.done $0x0  }
0x2a9: {  	s24 =	rddreg [dreg:$0x10];
	[sflag:s19] =	ssyncadd.s32 $0xFFFFE000  }
0x2aa: {  	[hbm4b:s24+s18] =	stream.strided.scatter [tilespmem:s8], [sflag:$0x5], $0x2000, s2, s18, $0x38;
	[tilespmem:$0x18500] =	vst v63  }
0x2ab: {  	_ =	swait.ge [sflag:s19], $0x2000  }
0x2ac: {  	[sflag:s19] =	ssyncset.done $0x0  }
0x2ad: {  	s25 =	rddreg [dreg:$0x11];
	[sflag:s19] =	ssyncadd.s32 $0xFFFFE000  }
0x2ae: {  	[hbm4b:s25+s18] =	stream.strided.scatter [tilespmem:s10], [sflag:$0x5], $0x2000, s2, s18, $0x38;
	[tilespmem:$0x18500] =	vst v63  }
0x2af: {  	_ =	swait.ge [sflag:s19], $0x2000  }
0x2b0: {  	s26 =	rddreg [dreg:$0x13]  }
0x2b1: {  	s31 =	rddreg [dreg:$0x12];
	s1 =	sadd.s32 $0x1, s26  }
0x2b2: {  	p0 =	sne.s32 s1, s31  }
.Ltmp2:
0x2b3: {  	_ = 	snop;
	(pc) =	sbr.rel @p0 .LBB2_1-.Ltmp2, $3  }
0x2b4: {  	_ =	sdelay $0x1  }
0x2b5: {  	s22 =	simm.s32 $0xC500;
	s12 =	simm.s32 $0xD500;
	[sflag:s19] =	ssyncset.done $0x0  }
0x2b6: {  	s13 =	simm.s32 $0xE500;
	s14 =	simm.s32 $0xF500;
	[sflag:s19] =	ssyncadd.s32 $0xFFFFE000  }
0x2b7: {  	_ =	sfence.sel $0x180000  }
0x2b8: {  	[bflag:$0x0] =	sbarrier.arrive $0xFFFF  }
0x2b9: {  	_ =	strace $0x90000047  }
0x2ba: {  	s0 =	stileid.u32;
	[bflag:$0x2] =	sbarrier.arrive $0xFFFF  }
0x2bb: {  	p0 =	sne.s32 s0, $0x0;
	s0 =	rddreg [dreg:$0x7]  }
0x2bc: {  	s0 =	sadd.s32 @!p0 $0x100000, s0  }
0x2bd: {  	[sflag:s0] =	ssyncadd.tile.s32 @!p0 $0x1;
	_ =	shalt  }
.Lfunc_end2:
_tile_overlayer_lowered:
.L_overlay_start_2:
0x2be: {  	(tag) =	ssettag $0x2  }
0x2bf: {  	s0 =	rddreg [dreg:$0x0];
	s2 =	stileid.u32  }
0x2c0: {  	s1 =	rddreg [dreg:$0x1];
	p0 =	sne.s32 s2, $0x0  }
0x2c1: {  	s3 =	rddreg [dreg:$0x2];
	[bflag:$0x3] =	sbarrier.arrive $0xFFFF;
	s2 =	simm.s32 @!p0 $0x1C05  }
0x2c2: {  	[timem:s3], [sflag:s2] =	dma.local @!p0 [hbm:s0], s1  }
0x2c3: {  	s0 =	simm.s32 @!p0 $0x5  }
0x2c4: {  	_ =	swait.ge @!p0 [sflag:s0], s1  }
0x2c5: {  	s1 =	ssub.s32 @!p0 $0x0, s1;
	[sflag:s0] =	ssyncset.done @!p0 $0x0  }
0x2c6: {  	[sflag:s0] =	ssyncadd.s32 @!p0 s1  }
0x2c7: {  	[bflag:$0x3] =	sbarrier.arrive $0xFFFF  }
0x2c8: {  	_ =	shalt  }

</sc_bundles>
